<compile_context>
chip_gen: v7x
topology: tpu7x:2x2x1
jax: 0.10.2.dev20260603
libtpu: 0.0.44.dev20260713+nightly
codegen_flags: <defaults>
</compile_context>

<pallas_src>
import jax
import jax.numpy as jnp
from jax import lax
from jax.experimental import pallas as pl
from jax.experimental.pallas import tpu as pltpu
from jax.experimental.pallas import tpu_sc as plsc

N = 10000
E = 320000
FEATS = 128
HIDDEN = 64
CLASSES = 64
DEPTH = 10
ALPHA = 0.9
EMB_DIM = 7
HID2 = 11

CHUNK = 10000
NCHUNK = E // CHUNK
NPAIR = NCHUNK // 2
EGRP = CHUNK // 16
NGRP = N // 16
MASK14 = (1 << 14) - 1
BR = 10000


def _pack_body(edges_ref, packed_ref):
    e = edges_ref[...]
    packed_ref[...] = e[0:1, :] + (e[1:2, :] << 14)


def _in_proj_body(x_ref, W_ref, b_ref, out_ref):
    yT = lax.dot_general(W_ref[...], x_ref[...], (((0,), (1,)), ((), ())),
                         preferred_element_type=jnp.float32)
    out_ref[...] = yT + b_ref[...]


def _out_proj_body(xT_ref, W_ref, b_ref, out_ref):
    y = lax.dot_general(xT_ref[...], W_ref[...], (((0,), (0,)), ((), ())),
                        preferred_element_type=jnp.float32)
    out_ref[...] = y + b_ref[...]


def _mlp_body(d_ref, h_ref, emb_ref, W1_ref, b1_ref, W2_ref, b2_ref,
              out_ref):
    d = d_ref[...]
    h = h_ref[...]
    e = jnp.broadcast_to(emb_ref[0:1, :], (BR, EMB_DIM))
    z = jnp.concatenate([d, h, e], axis=1)
    z = z @ W1_ref[...] + b1_ref[...]
    z = jnp.where(z >= 0, z, 0.01 * z)
    z = (z @ W2_ref[...] + b2_ref[...]) / 2.0
    out_ref[...] = z


def _make_sc_body(phase_a):
    def _sc_body(xT_hbm, packed_hbm, dinv_io_hbm, norm_io_hbm, out_hbm,
                 x0, x1, h0a, h0b, acc0, acc1, dinv, eb0, eb1, nb0, nb1,
                 sem0, sem1, sem2, sem3):
        wid = lax.axis_index("s") * 2 + lax.axis_index("c")
        c0 = wid * 2

        pltpu.sync_copy(xT_hbm.at[c0], x0)
        pltpu.sync_copy(xT_hbm.at[c0 + 1], x1)
        pltpu.sync_copy(xT_hbm.at[c0], h0a)
        pltpu.sync_copy(xT_hbm.at[c0 + 1], h0b)

        def stream_edges(group_fn, with_norm):
            pltpu.async_copy(packed_hbm.at[pl.ds(0, CHUNK)], eb0, sem0)
            pltpu.async_copy(packed_hbm.at[pl.ds(CHUNK, CHUNK)], eb1, sem1)
            if with_norm:
                pltpu.async_copy(norm_io_hbm.at[pl.ds(0, CHUNK)], nb0, sem2)
                pltpu.async_copy(norm_io_hbm.at[pl.ds(CHUNK, CHUNK)], nb1, sem3)

            def pair_body(p, carry):
                base = p * (2 * CHUNK)
                pltpu.make_async_copy(
                    packed_hbm.at[pl.ds(base, CHUNK)], eb0, sem0).wait()
                if with_norm:
                    pltpu.make_async_copy(
                        norm_io_hbm.at[pl.ds(base, CHUNK)], nb0, sem2).wait()

                    @plsc.parallel_loop(0, EGRP, unroll=2)
                    def _(g):
                        group_fn(eb0[pl.ds(g * 16, 16)],
                                 nb0[pl.ds(g * 16, 16)])
                else:
                    @plsc.parallel_loop(0, EGRP, unroll=2)
                    def _(g):
                        group_fn(eb0[pl.ds(g * 16, 16)], None)

                @pl.when(p + 1 < NPAIR)
                def _():
                    pltpu.async_copy(
                        packed_hbm.at[pl.ds(base + 2 * CHUNK, CHUNK)],
                        eb0, sem0)
                    if with_norm:
                        pltpu.async_copy(
                            norm_io_hbm.at[pl.ds(base + 2 * CHUNK, CHUNK)],
                            nb0, sem2)

                pltpu.make_async_copy(
                    packed_hbm.at[pl.ds(base + CHUNK, CHUNK)],
                    eb1, sem1).wait()
                if with_norm:
                    pltpu.make_async_copy(
                        norm_io_hbm.at[pl.ds(base + CHUNK, CHUNK)],
                        nb1, sem3).wait()

                    @plsc.parallel_loop(0, EGRP, unroll=2)
                    def _(g):
                        group_fn(eb1[pl.ds(g * 16, 16)],
                                 nb1[pl.ds(g * 16, 16)])
                else:
                    @plsc.parallel_loop(0, EGRP, unroll=2)
                    def _(g):
                        group_fn(eb1[pl.ds(g * 16, 16)], None)

                @pl.when(p + 1 < NPAIR)
                def _():
                    pltpu.async_copy(
                        packed_hbm.at[pl.ds(base + 3 * CHUNK, CHUNK)],
                        eb1, sem1)
                    if with_norm:
                        pltpu.async_copy(
                            norm_io_hbm.at[pl.ds(base + 3 * CHUNK, CHUNK)],
                            nb1, sem3)

                return carry

            lax.fori_loop(0, NPAIR, pair_body, 0)

        if phase_a:
            ones = jnp.full((16,), 1.0, jnp.float32)

            @plsc.parallel_loop(0, NGRP)
            def _(i):
                dinv[pl.ds(i * 16, 16)] = ones

            def deg_fn(pk, _nr):
                dstv = lax.shift_right_logical(pk, 14)
                plsc.addupdate_scatter(dinv, [dstv], ones)

            stream_edges(deg_fn, False)

            @plsc.parallel_loop(0, NGRP)
            def _(i):
                sl = pl.ds(i * 16, 16)
                v = dinv[sl]
                bits = lax.bitcast_convert_type(v, jnp.int32)
                y = lax.bitcast_convert_type(
                    jnp.int32(0x5F3759DF) - lax.shift_right_logical(bits, 1),
                    jnp.float32)
                for _unused in range(3):
                    y = y * (1.5 - 0.5 * v * y * y)
                dinv[sl] = y

            @pl.when(wid == 0)
            def _():
                pltpu.sync_copy(dinv, dinv_io_hbm)

            pltpu.async_copy(packed_hbm.at[pl.ds(0, CHUNK)], eb0, sem0)
            pltpu.async_copy(packed_hbm.at[pl.ds(CHUNK, CHUNK)], eb1, sem1)

            def _norm_groups(eb, nb):
                @plsc.parallel_loop(0, EGRP, unroll=2)
                def _(g):
                    sl = pl.ds(g * 16, 16)
                    pk = eb[sl]
                    srcv = pk & MASK14
                    dstv = lax.shift_right_logical(pk, 14)
                    nb[sl] = (plsc.load_gather(dinv, [srcv])
                              * plsc.load_gather(dinv, [dstv]))

            def npair_body(pr, carry):
                base = pr * (2 * CHUNK)
                pltpu.make_async_copy(
                    packed_hbm.at[pl.ds(base, CHUNK)], eb0, sem0).wait()
                @pl.when(pr > 0)
                def _():
                    pltpu.make_async_copy(
                        nb0, norm_io_hbm.at[pl.ds(base - 2 * CHUNK, CHUNK)],
                        sem2).wait()
                _norm_groups(eb0, nb0)
                pltpu.async_copy(
                    nb0, norm_io_hbm.at[pl.ds(base, CHUNK)], sem2)
                @pl.when(pr + 1 < NPAIR)
                def _():
                    pltpu.async_copy(
                        packed_hbm.at[pl.ds(base + 2 * CHUNK, CHUNK)],
                        eb0, sem0)

                pltpu.make_async_copy(
                    packed_hbm.at[pl.ds(base + CHUNK, CHUNK)], eb1, sem1).wait()
                @pl.when(pr > 0)
                def _():
                    pltpu.make_async_copy(
                        nb1, norm_io_hbm.at[pl.ds(base - CHUNK, CHUNK)],
                        sem3).wait()
                _norm_groups(eb1, nb1)
                pltpu.async_copy(
                    nb1, norm_io_hbm.at[pl.ds(base + CHUNK, CHUNK)], sem3)
                @pl.when(pr + 1 < NPAIR)
                def _():
                    pltpu.async_copy(
                        packed_hbm.at[pl.ds(base + 3 * CHUNK, CHUNK)],
                        eb1, sem1)
                return carry

            lax.fori_loop(0, NPAIR, npair_body, 0)
            pltpu.make_async_copy(
                nb0, norm_io_hbm.at[pl.ds((NCHUNK - 2) * CHUNK, CHUNK)],
                sem2).wait()
            pltpu.make_async_copy(
                nb1, norm_io_hbm.at[pl.ds((NCHUNK - 1) * CHUNK, CHUNK)],
                sem3).wait()
        else:
            pltpu.sync_copy(dinv_io_hbm, dinv)

        def conv_fn(pk, nrm):
            srcv = pk & MASK14
            dstv = lax.shift_right_logical(pk, 14)
            plsc.addupdate_scatter(acc0, [dstv],
                                   plsc.load_gather(x0, [srcv]) * nrm)
            plsc.addupdate_scatter(acc1, [dstv],
                                   plsc.load_gather(x1, [srcv]) * nrm)

        def it_body(it, carry):
            @plsc.parallel_loop(0, NGRP)
            def _(i):
                sl = pl.ds(i * 16, 16)
                d2 = dinv[sl]
                d2 = d2 * d2
                acc0[sl] = d2 * x0[sl]
                acc1[sl] = d2 * x1[sl]

            stream_edges(conv_fn, True)

            @plsc.parallel_loop(0, NGRP)
            def _(i):
                sl = pl.ds(i * 16, 16)
                x0[sl] = ALPHA * acc0[sl] + (1.0 - ALPHA) * h0a[sl]
                x1[sl] = ALPHA * acc1[sl] + (1.0 - ALPHA) * h0b[sl]

            return carry

        lax.fori_loop(0, DEPTH, it_body, 0)

        pltpu.sync_copy(x0, out_hbm.at[c0])
        pltpu.sync_copy(x1, out_hbm.at[c0 + 1])

    return _sc_body


_SC_SCRATCH = [
    pltpu.VMEM((N,), jnp.float32),
    pltpu.VMEM((N,), jnp.float32),
    pltpu.VMEM((N,), jnp.float32),
    pltpu.VMEM((N,), jnp.float32),
    pltpu.VMEM((N,), jnp.float32),
    pltpu.VMEM((N,), jnp.float32),
    pltpu.VMEM((N,), jnp.float32),
    pltpu.VMEM((CHUNK,), jnp.int32),
    pltpu.VMEM((CHUNK,), jnp.int32),
    pltpu.VMEM((CHUNK,), jnp.float32),
    pltpu.VMEM((CHUNK,), jnp.float32),
    pltpu.SemaphoreType.DMA,
    pltpu.SemaphoreType.DMA,
    pltpu.SemaphoreType.DMA,
    pltpu.SemaphoreType.DMA,
]


def kernel(x, edges, Wdr, bdr, emb_table, W1, b1, W2, b2, Wtc, btc):
    packed = pl.pallas_call(
        _pack_body,
        out_shape=jax.ShapeDtypeStruct((1, E), jnp.int32),
    )(edges).reshape(E)

    xT = pl.pallas_call(
        _in_proj_body,
        out_shape=jax.ShapeDtypeStruct((HIDDEN, N), jnp.float32),
    )(x, Wdr, bdr.reshape(HIDDEN, 1))

    mesh = plsc.VectorSubcoreMesh(core_axis_name="c", subcore_axis_name="s")
    cp = pltpu.CompilerParams(needs_layout_passes=False)
    sc_a = pl.kernel(
        _make_sc_body(True),
        out_type=[
            jax.ShapeDtypeStruct((N,), jnp.float32),
            jax.ShapeDtypeStruct((E,), jnp.float32),
            jax.ShapeDtypeStruct((HIDDEN, N), jnp.float32),
        ],
        mesh=mesh, compiler_params=cp, scratch_types=_SC_SCRATCH,
    )
    dinv_arr, norm_arr, x10T = sc_a(xT, packed)

    dcol = x10T.reshape(HIDDEN * N, 1)
    hcol = xT.reshape(HIDDEN * N, 1)
    xmT = pl.pallas_call(
        _mlp_body,
        grid=(HIDDEN * N // BR,),
        in_specs=[
            pl.BlockSpec((BR, 1), lambda i: (i, 0)),
            pl.BlockSpec((BR, 1), lambda i: (i, 0)),
            pl.BlockSpec((HIDDEN, EMB_DIM), lambda i: (0, 0)),
            pl.BlockSpec((2 + EMB_DIM, HID2), lambda i: (0, 0)),
            pl.BlockSpec((1, HID2), lambda i: (0, 0)),
            pl.BlockSpec((HID2, 1), lambda i: (0, 0)),
            pl.BlockSpec((1, 1), lambda i: (0, 0)),
        ],
        out_specs=pl.BlockSpec((BR, 1), lambda i: (i, 0)),
        out_shape=jax.ShapeDtypeStruct((HIDDEN * N, 1), jnp.float32),
    )(dcol, hcol, emb_table, W1, b1.reshape(1, HID2), W2,
      b2.reshape(1, 1)).reshape(HIDDEN, N)

    sc_b = pl.kernel(
        _make_sc_body(False),
        out_type=jax.ShapeDtypeStruct((HIDDEN, N), jnp.float32),
        mesh=mesh, compiler_params=cp, scratch_types=_SC_SCRATCH,
    )
    xT2 = sc_b(xmT, packed, dinv_arr, norm_arr)

    out = pl.pallas_call(
        _out_proj_body,
        out_shape=jax.ShapeDtypeStruct((N, CLASSES), jnp.float32),
    )(xT2, Wtc, btc.reshape(1, CLASSES))
    return out

# --- scband reference (transcript-rebuilt; emitter-appended) ---
"""Pipeline reference for scband-universal-19799799234807 (READ-ONLY COPY).

The authoritative reference and input builder live on the scoring server;
editing this copy changes nothing except your own understanding.
"""

import jax, jax.numpy as jnp
import numpy as np
import math

N = 10000
E = 320000
FEATS = 128
HIDDEN = 64
CLASSES = 64
DEPTH = 10
EMB_DIM = int(1 + math.log2(HIDDEN))  # 7
HID2 = 4 + EMB_DIM  # 11
DIFFUSION = 0.9


def setup_inputs(seed: int = 0) -> dict:
    key = jax.random.key(seed)
    ks = jax.random.split(key, 12)
    x = jax.random.normal(ks[0], (N, FEATS), dtype=jnp.float32)
    edges = jax.random.randint(ks[1], (2, E), 0, N, dtype=jnp.int32)
    Wdr = jax.random.normal(ks[2], (FEATS, HIDDEN), dtype=jnp.float32) / math.sqrt(FEATS)
    bdr = jnp.zeros((HIDDEN,), dtype=jnp.float32)
    emb_table = jax.random.normal(ks[3], (HIDDEN, EMB_DIM), dtype=jnp.float32)
    W1 = jax.random.normal(ks[4], (2 + EMB_DIM, HID2), dtype=jnp.float32) / math.sqrt(2 + EMB_DIM)
    b1 = jnp.zeros((HID2,), dtype=jnp.float32)
    W2 = jax.random.normal(ks[5], (HID2, 1), dtype=jnp.float32) / math.sqrt(HID2)
    b2 = jnp.zeros((1,), dtype=jnp.float32)
    Wtc = jax.random.normal(ks[6], (HIDDEN, CLASSES), dtype=jnp.float32) / math.sqrt(HIDDEN)
    btc = jnp.zeros((CLASSES,), dtype=jnp.float32)
    return {"x": x, "edges": edges, "Wdr": Wdr, "bdr": bdr, "emb_table": emb_table,
            "W1": W1, "b1": b1, "W2": W2, "b2": b2, "Wtc": Wtc, "btc": btc}


def _graph_conv(x, src, dst, n):
    # GCN-style symmetric normalized propagation with self-loops (cached norm)
    deg = jnp.zeros((n,), dtype=x.dtype).at[dst].add(1.0)
    dinv = jnp.where(deg > 0, jax.lax.rsqrt(jnp.maximum(deg, 1e-12)), 0.0)
    norm = dinv[src] * dinv[dst]
    msgs = norm[:, None] * x[src]
    return jnp.zeros_like(x).at[dst].add(msgs)


def reference(x, edges, Wdr, bdr, emb_table, W1, b1, W2, b2, Wtc, btc):
    n = x.shape[0]
    loop = jnp.arange(n, dtype=edges.dtype)
    src = jnp.concatenate([edges[0], loop])
    dst = jnp.concatenate([edges[1], loop])

    x = x @ Wdr + bdr
    h0 = x
    for _ in range(DEPTH):
        x = _graph_conv(x, src, dst, n) * DIFFUSION + (1.0 - DIFFUSION) * h0

    xt = x.T  # [HIDDEN, N]
    original_size = xt.shape
    diffused = xt.reshape(-1, 1)          # [HIDDEN*N, 1]
    h0_flat = h0.T.reshape(-1, 1)         # [HIDDEN*N, 1]

    # Faithful to torch code: class_indicator built from reshaped x -> num_classes==1 -> all zeros
    class_indicator = jnp.zeros((original_size[0] * original_size[1],), dtype=jnp.int32)
    emb = jnp.take(emb_table, class_indicator, axis=0)  # [HIDDEN*N, EMB_DIM]

    z = jnp.concatenate([diffused, h0_flat, emb], axis=1)  # [HIDDEN*N, 2+EMB_DIM]
    z = jax.nn.leaky_relu(z @ W1 + b1, negative_slope=0.01)
    z = (z @ W2 + b2) / 2.0                                # [HIDDEN*N, 1]
    x = z.reshape(original_size).T                          # [N, HIDDEN]
    # dropout: eval mode (training=False) -> identity

    h0 = x
    for _ in range(DEPTH):
        x = _graph_conv(x, src, dst, n) * DIFFUSION + (1.0 - DIFFUSION) * h0
    x = x @ Wtc + btc
    return x

if __name__ == "__main__":
    import jax
    _d = setup_inputs()
    print(jax.jit(kernel)(*tuple(_d.values())))

</pallas_src>

<mosaic_0001>
#map = affine_map<(d0, d1) -> (0, 0)>
#map1 = affine_map<(d0, d1) -> (0)>
module attributes {stable_mosaic.version = 14 : i64} {
  func.func @_sc_body(%arg0: i32, %arg1: i32, %arg2: memref<64x10000xf32, #tpu.memory_space<hbm>>, %arg3: memref<320000xi32, #tpu.memory_space<hbm>>, %arg4: memref<10000xf32, #tpu.memory_space<hbm>>, %arg5: memref<320000xf32, #tpu.memory_space<hbm>>, %arg6: memref<64x10000xf32, #tpu.memory_space<hbm>>, %arg7: memref<10000xf32, #tpu.memory_space<vmem>>, %arg8: memref<10000xf32, #tpu.memory_space<vmem>>, %arg9: memref<10000xf32, #tpu.memory_space<vmem>>, %arg10: memref<10000xf32, #tpu.memory_space<vmem>>, %arg11: memref<10000xf32, #tpu.memory_space<vmem>>, %arg12: memref<10000xf32, #tpu.memory_space<vmem>>, %arg13: memref<10000xf32, #tpu.memory_space<vmem>>, %arg14: memref<10000xi32, #tpu.memory_space<vmem>>, %arg15: memref<10000xi32, #tpu.memory_space<vmem>>, %arg16: memref<10000xf32, #tpu.memory_space<vmem>>, %arg17: memref<10000xf32, #tpu.memory_space<vmem>>, %arg18: memref<!tpu.dma_semaphore, #tpu.memory_space<semaphore_mem>>, %arg19: memref<!tpu.dma_semaphore, #tpu.memory_space<semaphore_mem>>, %arg20: memref<!tpu.dma_semaphore, #tpu.memory_space<semaphore_mem>>, %arg21: memref<!tpu.dma_semaphore, #tpu.memory_space<semaphore_mem>>) attributes {dimension_semantics = [#tpu.dimension_semantics<core_parallel>, #tpu.dimension_semantics<subcore_parallel>], iteration_bounds = array<i64: 2, 16>, scalar_prefetch = 0 : i64, scratch_operands = 15 : i64, tpu.core_type = #tpu.core_type<sc_vector_subcore>, window_params = [{transform_indices = #map}, {transform_indices = #map1}, {transform_indices = #map1}, {transform_indices = #map1}, {transform_indices = #map}]} {
    %mul3A = arith.constant 2 : i32
    %mul3A_0 = arith.muli %arg1, %mul3A : i32
    %add3A = arith.addi %mul3A_0, %arg0 : i32
    %mul3A_1 = arith.constant 2 : i32
    %mul3A_2 = arith.muli %add3A, %mul3A_1 : i32
    "tpu.region"() ({
      %run_scoped3A = tpu.sem_alloc : memref<!tpu.dma_semaphore, #tpu.memory_space<semaphore_mem>>
      %dma_start3A = arith.constant 0 : i32
      %dma_start3A_14 = tpu.memref_slice %arg2[%mul3A_2, %dma_start3A] : memref<64x10000xf32, #tpu.memory_space<hbm>> -> memref<1x10000xf32, #tpu.memory_space<hbm>>
      %dma_start3A_15 = tpu.memref_squeeze %dma_start3A_14 : memref<1x10000xf32, #tpu.memory_space<hbm>> -> memref<10000xf32, #tpu.memory_space<hbm>>
      %dma_start3A_16 = arith.constant 0 : i32
      %dma_start3A_17 = tpu.memref_slice %arg2[%mul3A_2, %dma_start3A_16] : memref<64x10000xf32, #tpu.memory_space<hbm>> -> memref<1x10000xf32, #tpu.memory_space<hbm>>
      %dma_start3A_18 = tpu.memref_squeeze %dma_start3A_17 : memref<1x10000xf32, #tpu.memory_space<hbm>> -> memref<10000xf32, #tpu.memory_space<hbm>>
      tpu.enqueue_dma source(%dma_start3A_18 : memref<10000xf32, #tpu.memory_space<hbm>>) target(%arg7 : memref<10000xf32, #tpu.memory_space<vmem>>) target_semaphore(%run_scoped3A : memref<!tpu.dma_semaphore, #tpu.memory_space<semaphore_mem>>)
      %dma_wait3A = arith.constant 0 : i32
      %dma_wait3A_19 = tpu.memref_slice %arg2[%mul3A_2, %dma_wait3A] : memref<64x10000xf32, #tpu.memory_space<hbm>> -> memref<1x10000xf32, #tpu.memory_space<hbm>>
      %dma_wait3A_20 = tpu.memref_squeeze %dma_wait3A_19 : memref<1x10000xf32, #tpu.memory_space<hbm>> -> memref<10000xf32, #tpu.memory_space<hbm>>
      %dma_wait3A_21 = arith.constant 0 : i32
      %dma_wait3A_22 = tpu.memref_slice %arg2[%mul3A_2, %dma_wait3A_21] : memref<64x10000xf32, #tpu.memory_space<hbm>> -> memref<1x10000xf32, #tpu.memory_space<hbm>>
      %dma_wait3A_23 = tpu.memref_squeeze %dma_wait3A_22 : memref<1x10000xf32, #tpu.memory_space<hbm>> -> memref<10000xf32, #tpu.memory_space<hbm>>
      tpu.wait_dma2 semaphore(%run_scoped3A : memref<!tpu.dma_semaphore, #tpu.memory_space<semaphore_mem>>) src(%dma_wait3A_23 : memref<10000xf32, #tpu.memory_space<hbm>>) dst(%arg7 : memref<10000xf32, #tpu.memory_space<vmem>>)
      tpu.yield
    }) : () -> ()
    %add3A_3 = arith.constant 1 : i32
    %add3A_4 = arith.addi %mul3A_2, %add3A_3 : i32
    "tpu.region"() ({
      %run_scoped3A = tpu.sem_alloc : memref<!tpu.dma_semaphore, #tpu.memory_space<semaphore_mem>>
      %dma_start3A = arith.constant 0 : i32
      %dma_start3A_14 = tpu.memref_slice %arg2[%add3A_4, %dma_start3A] : memref<64x10000xf32, #tpu.memory_space<hbm>> -> memref<1x10000xf32, #tpu.memory_space<hbm>>
      %dma_start3A_15 = tpu.memref_squeeze %dma_start3A_14 : memref<1x10000xf32, #tpu.memory_space<hbm>> -> memref<10000xf32, #tpu.memory_space<hbm>>
      %dma_start3A_16 = arith.constant 0 : i32
      %dma_start3A_17 = tpu.memref_slice %arg2[%add3A_4, %dma_start3A_16] : memref<64x10000xf32, #tpu.memory_space<hbm>> -> memref<1x10000xf32, #tpu.memory_space<hbm>>
      %dma_start3A_18 = tpu.memref_squeeze %dma_start3A_17 : memref<1x10000xf32, #tpu.memory_space<hbm>> -> memref<10000xf32, #tpu.memory_space<hbm>>
      tpu.enqueue_dma source(%dma_start3A_18 : memref<10000xf32, #tpu.memory_space<hbm>>) target(%arg8 : memref<10000xf32, #tpu.memory_space<vmem>>) target_semaphore(%run_scoped3A : memref<!tpu.dma_semaphore, #tpu.memory_space<semaphore_mem>>)
      %dma_wait3A = arith.constant 0 : i32
      %dma_wait3A_19 = tpu.memref_slice %arg2[%add3A_4, %dma_wait3A] : memref<64x10000xf32, #tpu.memory_space<hbm>> -> memref<1x10000xf32, #tpu.memory_space<hbm>>
      %dma_wait3A_20 = tpu.memref_squeeze %dma_wait3A_19 : memref<1x10000xf32, #tpu.memory_space<hbm>> -> memref<10000xf32, #tpu.memory_space<hbm>>
      %dma_wait3A_21 = arith.constant 0 : i32
      %dma_wait3A_22 = tpu.memref_slice %arg2[%add3A_4, %dma_wait3A_21] : memref<64x10000xf32, #tpu.memory_space<hbm>> -> memref<1x10000xf32, #tpu.memory_space<hbm>>
      %dma_wait3A_23 = tpu.memref_squeeze %dma_wait3A_22 : memref<1x10000xf32, #tpu.memory_space<hbm>> -> memref<10000xf32, #tpu.memory_space<hbm>>
      tpu.wait_dma2 semaphore(%run_scoped3A : memref<!tpu.dma_semaphore, #tpu.memory_space<semaphore_mem>>) src(%dma_wait3A_23 : memref<10000xf32, #tpu.memory_space<hbm>>) dst(%arg8 : memref<10000xf32, #tpu.memory_space<vmem>>)
      tpu.yield
    }) : () -> ()
    "tpu.region"() ({
      %run_scoped3A = tpu.sem_alloc : memref<!tpu.dma_semaphore, #tpu.memory_space<semaphore_mem>>
      %dma_start3A = arith.constant 0 : i32
      %dma_start3A_14 = tpu.memref_slice %arg2[%mul3A_2, %dma_start3A] : memref<64x10000xf32, #tpu.memory_space<hbm>> -> memref<1x10000xf32, #tpu.memory_space<hbm>>
      %dma_start3A_15 = tpu.memref_squeeze %dma_start3A_14 : memref<1x10000xf32, #tpu.memory_space<hbm>> -> memref<10000xf32, #tpu.memory_space<hbm>>
      %dma_start3A_16 = arith.constant 0 : i32
      %dma_start3A_17 = tpu.memref_slice %arg2[%mul3A_2, %dma_start3A_16] : memref<64x10000xf32, #tpu.memory_space<hbm>> -> memref<1x10000xf32, #tpu.memory_space<hbm>>
      %dma_start3A_18 = tpu.memref_squeeze %dma_start3A_17 : memref<1x10000xf32, #tpu.memory_space<hbm>> -> memref<10000xf32, #tpu.memory_space<hbm>>
      tpu.enqueue_dma source(%dma_start3A_18 : memref<10000xf32, #tpu.memory_space<hbm>>) target(%arg9 : memref<10000xf32, #tpu.memory_space<vmem>>) target_semaphore(%run_scoped3A : memref<!tpu.dma_semaphore, #tpu.memory_space<semaphore_mem>>)
      %dma_wait3A = arith.constant 0 : i32
      %dma_wait3A_19 = tpu.memref_slice %arg2[%mul3A_2, %dma_wait3A] : memref<64x10000xf32, #tpu.memory_space<hbm>> -> memref<1x10000xf32, #tpu.memory_space<hbm>>
      %dma_wait3A_20 = tpu.memref_squeeze %dma_wait3A_19 : memref<1x10000xf32, #tpu.memory_space<hbm>> -> memref<10000xf32, #tpu.memory_space<hbm>>
      %dma_wait3A_21 = arith.constant 0 : i32
      %dma_wait3A_22 = tpu.memref_slice %arg2[%mul3A_2, %dma_wait3A_21] : memref<64x10000xf32, #tpu.memory_space<hbm>> -> memref<1x10000xf32, #tpu.memory_space<hbm>>
      %dma_wait3A_23 = tpu.memref_squeeze %dma_wait3A_22 : memref<1x10000xf32, #tpu.memory_space<hbm>> -> memref<10000xf32, #tpu.memory_space<hbm>>
      tpu.wait_dma2 semaphore(%run_scoped3A : memref<!tpu.dma_semaphore, #tpu.memory_space<semaphore_mem>>) src(%dma_wait3A_23 : memref<10000xf32, #tpu.memory_space<hbm>>) dst(%arg9 : memref<10000xf32, #tpu.memory_space<vmem>>)
      tpu.yield
    }) : () -> ()
    %add3A_5 = arith.constant 1 : i32
    %add3A_6 = arith.addi %mul3A_2, %add3A_5 : i32
    "tpu.region"() ({
      %run_scoped3A = tpu.sem_alloc : memref<!tpu.dma_semaphore, #tpu.memory_space<semaphore_mem>>
      %dma_start3A = arith.constant 0 : i32
      %dma_start3A_14 = tpu.memref_slice %arg2[%add3A_6, %dma_start3A] : memref<64x10000xf32, #tpu.memory_space<hbm>> -> memref<1x10000xf32, #tpu.memory_space<hbm>>
      %dma_start3A_15 = tpu.memref_squeeze %dma_start3A_14 : memref<1x10000xf32, #tpu.memory_space<hbm>> -> memref<10000xf32, #tpu.memory_space<hbm>>
      %dma_start3A_16 = arith.constant 0 : i32
      %dma_start3A_17 = tpu.memref_slice %arg2[%add3A_6, %dma_start3A_16] : memref<64x10000xf32, #tpu.memory_space<hbm>> -> memref<1x10000xf32, #tpu.memory_space<hbm>>
      %dma_start3A_18 = tpu.memref_squeeze %dma_start3A_17 : memref<1x10000xf32, #tpu.memory_space<hbm>> -> memref<10000xf32, #tpu.memory_space<hbm>>
      tpu.enqueue_dma source(%dma_start3A_18 : memref<10000xf32, #tpu.memory_space<hbm>>) target(%arg10 : memref<10000xf32, #tpu.memory_space<vmem>>) target_semaphore(%run_scoped3A : memref<!tpu.dma_semaphore, #tpu.memory_space<semaphore_mem>>)
      %dma_wait3A = arith.constant 0 : i32
      %dma_wait3A_19 = tpu.memref_slice %arg2[%add3A_6, %dma_wait3A] : memref<64x10000xf32, #tpu.memory_space<hbm>> -> memref<1x10000xf32, #tpu.memory_space<hbm>>
      %dma_wait3A_20 = tpu.memref_squeeze %dma_wait3A_19 : memref<1x10000xf32, #tpu.memory_space<hbm>> -> memref<10000xf32, #tpu.memory_space<hbm>>
      %dma_wait3A_21 = arith.constant 0 : i32
      %dma_wait3A_22 = tpu.memref_slice %arg2[%add3A_6, %dma_wait3A_21] : memref<64x10000xf32, #tpu.memory_space<hbm>> -> memref<1x10000xf32, #tpu.memory_space<hbm>>
      %dma_wait3A_23 = tpu.memref_squeeze %dma_wait3A_22 : memref<1x10000xf32, #tpu.memory_space<hbm>> -> memref<10000xf32, #tpu.memory_space<hbm>>
      tpu.wait_dma2 semaphore(%run_scoped3A : memref<!tpu.dma_semaphore, #tpu.memory_space<semaphore_mem>>) src(%dma_wait3A_23 : memref<10000xf32, #tpu.memory_space<hbm>>) dst(%arg10 : memref<10000xf32, #tpu.memory_space<vmem>>)
      tpu.yield
    }) : () -> ()
    "tpu.region"() ({
      %run_scoped3A = tpu.sem_alloc : memref<!tpu.dma_semaphore, #tpu.memory_space<semaphore_mem>>
      tpu.enqueue_dma source(%arg4 : memref<10000xf32, #tpu.memory_space<hbm>>) target(%arg13 : memref<10000xf32, #tpu.memory_space<vmem>>) target_semaphore(%run_scoped3A : memref<!tpu.dma_semaphore, #tpu.memory_space<semaphore_mem>>)
      tpu.wait_dma2 semaphore(%run_scoped3A : memref<!tpu.dma_semaphore, #tpu.memory_space<semaphore_mem>>) src(%arg4 : memref<10000xf32, #tpu.memory_space<hbm>>) dst(%arg13 : memref<10000xf32, #tpu.memory_space<vmem>>)
      tpu.yield
    }) : () -> ()
    %scan3A = arith.constant 0 : i32
    %scan3A_7 = arith.constant 0 : i32
    %scan3A_8 = arith.constant 10 : i32
    %scan3A_9 = arith.addi %scan3A_7, %scan3A_8 : i32
    %scan3A_10 = arith.constant 1 : i32
    scf.for %scan3A_14 = %scan3A_7 to %scan3A_9 step %scan3A_10  : i32 {
      %parallel_loop3A = arith.constant 0 : i32
      %parallel_loop3A_15 = arith.constant 625 : i32
      %parallel_loop3A_16 = arith.constant 1 : i32
      scf.for %parallel_loop3A_41 = %parallel_loop3A to %parallel_loop3A_15 step %parallel_loop3A_16  : i32 {
        %parallel_loop3A_42 = arith.constant 16 : i32
        %parallel_loop3A_43 = arith.muli %parallel_loop3A_41, %parallel_loop3A_42 : i32
        %parallel_loop3A_44 = arith.index_cast %parallel_loop3A_43 : i32 to index
        %parallel_loop3A_45 = tpu.vector_load %arg13[%parallel_loop3A_44] {strides = array<i32>} : memref<10000xf32, #tpu.memory_space<vmem>>, vector<16xf32>,
        %parallel_loop3A_46 = arith.mulf %parallel_loop3A_45, %parallel_loop3A_45 : vector<16xf32>
        %parallel_loop3A_47 = arith.index_cast %parallel_loop3A_43 : i32 to index
        %parallel_loop3A_48 = tpu.vector_load %arg7[%parallel_loop3A_47] {strides = array<i32>} : memref<10000xf32, #tpu.memory_space<vmem>>, vector<16xf32>,
        %parallel_loop3A_49 = arith.mulf %parallel_loop3A_46, %parallel_loop3A_48 : vector<16xf32>
        %parallel_loop3A_50 = arith.index_cast %parallel_loop3A_43 : i32 to index
        %parallel_loop3A_51 = tpu.vector_load %arg11[%parallel_loop3A_50] {strides = array<i32>} : memref<10000xf32, #tpu.memory_space<vmem>>, vector<16xf32>,
        tpu.vector_store %arg11[%parallel_loop3A_50], %parallel_loop3A_49 {strides = array<i32>} : memref<10000xf32, #tpu.memory_space<vmem>>, vector<16xf32>,
        %parallel_loop3A_52 = arith.index_cast %parallel_loop3A_43 : i32 to index
        %parallel_loop3A_53 = tpu.vector_load %arg8[%parallel_loop3A_52] {strides = array<i32>} : memref<10000xf32, #tpu.memory_space<vmem>>, vector<16xf32>,
        %parallel_loop3A_54 = arith.mulf %parallel_loop3A_46, %parallel_loop3A_53 : vector<16xf32>
        %parallel_loop3A_55 = arith.index_cast %parallel_loop3A_43 : i32 to index
        %parallel_loop3A_56 = tpu.vector_load %arg12[%parallel_loop3A_55] {strides = array<i32>} : memref<10000xf32, #tpu.memory_space<vmem>>, vector<16xf32>,
        tpu.vector_store %arg12[%parallel_loop3A_55], %parallel_loop3A_54 {strides = array<i32>} : memref<10000xf32, #tpu.memory_space<vmem>>, vector<16xf32>,
      } {sc.loop_unroll_factor = 1 : i64, sc.parallel_access}
      %dma_start3A = arith.constant 0 : i32
      %dma_start3A_17 = tpu.memref_slice %arg3[%dma_start3A] : memref<320000xi32, #tpu.memory_space<hbm>> -> memref<10000xi32, #tpu.memory_space<hbm>>
      %dma_start3A_18 = arith.constant 0 : i32
      %dma_start3A_19 = tpu.memref_slice %arg3[%dma_start3A_18] : memref<320000xi32, #tpu.memory_space<hbm>> -> memref<10000xi32, #tpu.memory_space<hbm>>
      tpu.enqueue_dma source(%dma_start3A_19 : memref<10000xi32, #tpu.memory_space<hbm>>) target(%arg14 : memref<10000xi32, #tpu.memory_space<vmem>>) target_semaphore(%arg18 : memref<!tpu.dma_semaphore, #tpu.memory_space<semaphore_mem>>)
      %dma_start3A_20 = arith.constant 10000 : i32
      %dma_start3A_21 = tpu.memref_slice %arg3[%dma_start3A_20] : memref<320000xi32, #tpu.memory_space<hbm>> -> memref<10000xi32, #tpu.memory_space<hbm>>
      %dma_start3A_22 = arith.constant 10000 : i32
      %dma_start3A_23 = tpu.memref_slice %arg3[%dma_start3A_22] : memref<320000xi32, #tpu.memory_space<hbm>> -> memref<10000xi32, #tpu.memory_space<hbm>>
      tpu.enqueue_dma source(%dma_start3A_23 : memref<10000xi32, #tpu.memory_space<hbm>>) target(%arg15 : memref<10000xi32, #tpu.memory_space<vmem>>) target_semaphore(%arg19 : memref<!tpu.dma_semaphore, #tpu.memory_space<semaphore_mem>>)
      %dma_start3A_24 = arith.constant 0 : i32
      %dma_start3A_25 = tpu.memref_slice %arg5[%dma_start3A_24] : memref<320000xf32, #tpu.memory_space<hbm>> -> memref<10000xf32, #tpu.memory_space<hbm>>
      %dma_start3A_26 = arith.constant 0 : i32
      %dma_start3A_27 = tpu.memref_slice %arg5[%dma_start3A_26] : memref<320000xf32, #tpu.memory_space<hbm>> -> memref<10000xf32, #tpu.memory_space<hbm>>
      tpu.enqueue_dma source(%dma_start3A_27 : memref<10000xf32, #tpu.memory_space<hbm>>) target(%arg16 : memref<10000xf32, #tpu.memory_space<vmem>>) target_semaphore(%arg20 : memref<!tpu.dma_semaphore, #tpu.memory_space<semaphore_mem>>)
      %dma_start3A_28 = arith.constant 10000 : i32
      %dma_start3A_29 = tpu.memref_slice %arg5[%dma_start3A_28] : memref<320000xf32, #tpu.memory_space<hbm>> -> memref<10000xf32, #tpu.memory_space<hbm>>
      %dma_start3A_30 = arith.constant 10000 : i32
      %dma_start3A_31 = tpu.memref_slice %arg5[%dma_start3A_30] : memref<320000xf32, #tpu.memory_space<hbm>> -> memref<10000xf32, #tpu.memory_space<hbm>>
      tpu.enqueue_dma source(%dma_start3A_31 : memref<10000xf32, #tpu.memory_space<hbm>>) target(%arg17 : memref<10000xf32, #tpu.memory_space<vmem>>) target_semaphore(%arg21 : memref<!tpu.dma_semaphore, #tpu.memory_space<semaphore_mem>>)
      %scan3A_32 = arith.constant 0 : i32
      %scan3A_33 = arith.constant 0 : i32
      %scan3A_34 = arith.constant 16 : i32
      %scan3A_35 = arith.addi %scan3A_33, %scan3A_34 : i32
      %scan3A_36 = arith.constant 1 : i32
      scf.for %scan3A_41 = %scan3A_33 to %scan3A_35 step %scan3A_36  : i32 {
        %mul3A_42 = arith.constant 20000 : i32
        %mul3A_43 = arith.muli %scan3A_41, %mul3A_42 : i32
        %dma_wait3A = tpu.memref_slice %arg3[%mul3A_43] : memref<320000xi32, #tpu.memory_space<hbm>> -> memref<10000xi32, #tpu.memory_space<hbm>>
        %dma_wait3A_44 = tpu.memref_slice %arg3[%mul3A_43] : memref<320000xi32, #tpu.memory_space<hbm>> -> memref<10000xi32, #tpu.memory_space<hbm>>
        tpu.wait_dma2 semaphore(%arg18 : memref<!tpu.dma_semaphore, #tpu.memory_space<semaphore_mem>>) src(%dma_wait3A_44 : memref<10000xi32, #tpu.memory_space<hbm>>) dst(%arg14 : memref<10000xi32, #tpu.memory_space<vmem>>)
        %dma_wait3A_45 = tpu.memref_slice %arg5[%mul3A_43] : memref<320000xf32, #tpu.memory_space<hbm>> -> memref<10000xf32, #tpu.memory_space<hbm>>
        %dma_wait3A_46 = tpu.memref_slice %arg5[%mul3A_43] : memref<320000xf32, #tpu.memory_space<hbm>> -> memref<10000xf32, #tpu.memory_space<hbm>>
        tpu.wait_dma2 semaphore(%arg20 : memref<!tpu.dma_semaphore, #tpu.memory_space<semaphore_mem>>) src(%dma_wait3A_46 : memref<10000xf32, #tpu.memory_space<hbm>>) dst(%arg16 : memref<10000xf32, #tpu.memory_space<vmem>>)
        %parallel_loop3A_47 = arith.constant 0 : i32
        %parallel_loop3A_48 = arith.constant 625 : i32
        %parallel_loop3A_49 = arith.constant 1 : i32
        scf.for %parallel_loop3A_72 = %parallel_loop3A_47 to %parallel_loop3A_48 step %parallel_loop3A_49  : i32 {
          %parallel_loop3A_73 = arith.constant 16 : i32
          %parallel_loop3A_74 = arith.muli %parallel_loop3A_72, %parallel_loop3A_73 : i32
          %parallel_loop3A_75 = arith.index_cast %parallel_loop3A_74 : i32 to index
          %parallel_loop3A_76 = tpu.vector_load %arg14[%parallel_loop3A_75] {strides = array<i32>} : memref<10000xi32, #tpu.memory_space<vmem>>, vector<16xi32>,
          %parallel_loop3A_77 = arith.constant 16 : i32
          %parallel_loop3A_78 = arith.muli %parallel_loop3A_72, %parallel_loop3A_77 : i32
          %parallel_loop3A_79 = arith.index_cast %parallel_loop3A_78 : i32 to index
          %parallel_loop3A_80 = tpu.vector_load %arg16[%parallel_loop3A_79] {strides = array<i32>} : memref<10000xf32, #tpu.memory_space<vmem>>, vector<16xf32>,
          %parallel_loop3A_81 = arith.constant 16383 : i32
          %parallel_loop3A_82 = vector.broadcast %parallel_loop3A_81 : i32 to vector<16xi32>
          %parallel_loop3A_83 = arith.andi %parallel_loop3A_76, %parallel_loop3A_82 : vector<16xi32>
          %parallel_loop3A_84 = arith.constant 14 : i32
          %parallel_loop3A_85 = vector.broadcast %parallel_loop3A_84 : i32 to vector<16xi32>
          %parallel_loop3A_86 = arith.shrui %parallel_loop3A_76, %parallel_loop3A_85 : vector<16xi32>
          %parallel_loop3A_87 = tpu.vector_load_idx %arg7[%parallel_loop3A_83] : memref<10000xf32, #tpu.memory_space<vmem>>[vector<16xi32>], vector<16xf32>,
          %parallel_loop3A_88 = arith.mulf %parallel_loop3A_87, %parallel_loop3A_80 : vector<16xf32>
          tpu.vector_store_idx %arg11[%parallel_loop3A_86], %parallel_loop3A_88 {add = true} : memref<10000xf32, #tpu.memory_space<vmem>>[vector<16xi32>], vector<16xf32>,
          %parallel_loop3A_89 = tpu.vector_load_idx %arg8[%parallel_loop3A_83] : memref<10000xf32, #tpu.memory_space<vmem>>[vector<16xi32>], vector<16xf32>,
          %parallel_loop3A_90 = arith.mulf %parallel_loop3A_89, %parallel_loop3A_80 : vector<16xf32>
          tpu.vector_store_idx %arg12[%parallel_loop3A_86], %parallel_loop3A_90 {add = true} : memref<10000xf32, #tpu.memory_space<vmem>>[vector<16xi32>], vector<16xf32>,
        } {sc.loop_unroll_factor = 2 : i64, sc.parallel_access}
        %add3A_50 = arith.constant 1 : i32
        %add3A_51 = arith.addi %scan3A_41, %add3A_50 : i32
        %lt3A = arith.constant 16 : i32
        %lt3A_52 = arith.cmpi slt, %add3A_51, %lt3A : i32
        %convert_element_type3A = arith.extui %lt3A_52 : i1 to i32
        %cond3A = arith.constant 0 : i32
        %cond3A_53 = arith.cmpi ne, %convert_element_type3A, %cond3A : i32
        scf.if %cond3A_53 {
          %add3A_72 = arith.constant 20000 : i32
          %add3A_73 = arith.addi %mul3A_43, %add3A_72 : i32
          %dma_start3A_74 = tpu.memref_slice %arg3[%add3A_73] : memref<320000xi32, #tpu.memory_space<hbm>> -> memref<10000xi32, #tpu.memory_space<hbm>>
          %dma_start3A_75 = tpu.memref_slice %arg3[%add3A_73] : memref<320000xi32, #tpu.memory_space<hbm>> -> memref<10000xi32, #tpu.memory_space<hbm>>
          tpu.enqueue_dma source(%dma_start3A_75 : memref<10000xi32, #tpu.memory_space<hbm>>) target(%arg14 : memref<10000xi32, #tpu.memory_space<vmem>>) target_semaphore(%arg18 : memref<!tpu.dma_semaphore, #tpu.memory_space<semaphore_mem>>)
          %add3A_76 = arith.constant 20000 : i32
          %add3A_77 = arith.addi %mul3A_43, %add3A_76 : i32
          %dma_start3A_78 = tpu.memref_slice %arg5[%add3A_77] : memref<320000xf32, #tpu.memory_space<hbm>> -> memref<10000xf32, #tpu.memory_space<hbm>>
          %dma_start3A_79 = tpu.memref_slice %arg5[%add3A_77] : memref<320000xf32, #tpu.memory_space<hbm>> -> memref<10000xf32, #tpu.memory_space<hbm>>
          tpu.enqueue_dma source(%dma_start3A_79 : memref<10000xf32, #tpu.memory_space<hbm>>) target(%arg16 : memref<10000xf32, #tpu.memory_space<vmem>>) target_semaphore(%arg20 : memref<!tpu.dma_semaphore, #tpu.memory_space<semaphore_mem>>)
        } else {
        }
        %add3A_54 = arith.constant 10000 : i32
        %add3A_55 = arith.addi %mul3A_43, %add3A_54 : i32
        %dma_wait3A_56 = tpu.memref_slice %arg3[%add3A_55] : memref<320000xi32, #tpu.memory_space<hbm>> -> memref<10000xi32, #tpu.memory_space<hbm>>
        %dma_wait3A_57 = tpu.memref_slice %arg3[%add3A_55] : memref<320000xi32, #tpu.memory_space<hbm>> -> memref<10000xi32, #tpu.memory_space<hbm>>
        tpu.wait_dma2 semaphore(%arg19 : memref<!tpu.dma_semaphore, #tpu.memory_space<semaphore_mem>>) src(%dma_wait3A_57 : memref<10000xi32, #tpu.memory_space<hbm>>) dst(%arg15 : memref<10000xi32, #tpu.memory_space<vmem>>)
        %add3A_58 = arith.constant 10000 : i32
        %add3A_59 = arith.addi %mul3A_43, %add3A_58 : i32
        %dma_wait3A_60 = tpu.memref_slice %arg5[%add3A_59] : memref<320000xf32, #tpu.memory_space<hbm>> -> memref<10000xf32, #tpu.memory_space<hbm>>
        %dma_wait3A_61 = tpu.memref_slice %arg5[%add3A_59] : memref<320000xf32, #tpu.memory_space<hbm>> -> memref<10000xf32, #tpu.memory_space<hbm>>
        tpu.wait_dma2 semaphore(%arg21 : memref<!tpu.dma_semaphore, #tpu.memory_space<semaphore_mem>>) src(%dma_wait3A_61 : memref<10000xf32, #tpu.memory_space<hbm>>) dst(%arg17 : memref<10000xf32, #tpu.memory_space<vmem>>)
        %parallel_loop3A_62 = arith.constant 0 : i32
        %parallel_loop3A_63 = arith.constant 625 : i32
        %parallel_loop3A_64 = arith.constant 1 : i32
        scf.for %parallel_loop3A_72 = %parallel_loop3A_62 to %parallel_loop3A_63 step %parallel_loop3A_64  : i32 {
          %parallel_loop3A_73 = arith.constant 16 : i32
          %parallel_loop3A_74 = arith.muli %parallel_loop3A_72, %parallel_loop3A_73 : i32
          %parallel_loop3A_75 = arith.index_cast %parallel_loop3A_74 : i32 to index
          %parallel_loop3A_76 = tpu.vector_load %arg15[%parallel_loop3A_75] {strides = array<i32>} : memref<10000xi32, #tpu.memory_space<vmem>>, vector<16xi32>,
          %parallel_loop3A_77 = arith.constant 16 : i32
          %parallel_loop3A_78 = arith.muli %parallel_loop3A_72, %parallel_loop3A_77 : i32
          %parallel_loop3A_79 = arith.index_cast %parallel_loop3A_78 : i32 to index
          %parallel_loop3A_80 = tpu.vector_load %arg17[%parallel_loop3A_79] {strides = array<i32>} : memref<10000xf32, #tpu.memory_space<vmem>>, vector<16xf32>,
          %parallel_loop3A_81 = arith.constant 16383 : i32
          %parallel_loop3A_82 = vector.broadcast %parallel_loop3A_81 : i32 to vector<16xi32>
          %parallel_loop3A_83 = arith.andi %parallel_loop3A_76, %parallel_loop3A_82 : vector<16xi32>
          %parallel_loop3A_84 = arith.constant 14 : i32
          %parallel_loop3A_85 = vector.broadcast %parallel_loop3A_84 : i32 to vector<16xi32>
          %parallel_loop3A_86 = arith.shrui %parallel_loop3A_76, %parallel_loop3A_85 : vector<16xi32>
          %parallel_loop3A_87 = tpu.vector_load_idx %arg7[%parallel_loop3A_83] : memref<10000xf32, #tpu.memory_space<vmem>>[vector<16xi32>], vector<16xf32>,
          %parallel_loop3A_88 = arith.mulf %parallel_loop3A_87, %parallel_loop3A_80 : vector<16xf32>
          tpu.vector_store_idx %arg11[%parallel_loop3A_86], %parallel_loop3A_88 {add = true} : memref<10000xf32, #tpu.memory_space<vmem>>[vector<16xi32>], vector<16xf32>,
          %parallel_loop3A_89 = tpu.vector_load_idx %arg8[%parallel_loop3A_83] : memref<10000xf32, #tpu.memory_space<vmem>>[vector<16xi32>], vector<16xf32>,
          %parallel_loop3A_90 = arith.mulf %parallel_loop3A_89, %parallel_loop3A_80 : vector<16xf32>
          tpu.vector_store_idx %arg12[%parallel_loop3A_86], %parallel_loop3A_90 {add = true} : memref<10000xf32, #tpu.memory_space<vmem>>[vector<16xi32>], vector<16xf32>,
        } {sc.loop_unroll_factor = 2 : i64, sc.parallel_access}
        %add3A_65 = arith.constant 1 : i32
        %add3A_66 = arith.addi %scan3A_41, %add3A_65 : i32
        %lt3A_67 = arith.constant 16 : i32
        %lt3A_68 = arith.cmpi slt, %add3A_66, %lt3A_67 : i32
        %convert_element_type3A_69 = arith.extui %lt3A_68 : i1 to i32
        %cond3A_70 = arith.constant 0 : i32
        %cond3A_71 = arith.cmpi ne, %convert_element_type3A_69, %cond3A_70 : i32
        scf.if %cond3A_71 {
          %add3A_72 = arith.constant 30000 : i32
          %add3A_73 = arith.addi %mul3A_43, %add3A_72 : i32
          %dma_start3A_74 = tpu.memref_slice %arg3[%add3A_73] : memref<320000xi32, #tpu.memory_space<hbm>> -> memref<10000xi32, #tpu.memory_space<hbm>>
          %dma_start3A_75 = tpu.memref_slice %arg3[%add3A_73] : memref<320000xi32, #tpu.memory_space<hbm>> -> memref<10000xi32, #tpu.memory_space<hbm>>
          tpu.enqueue_dma source(%dma_start3A_75 : memref<10000xi32, #tpu.memory_space<hbm>>) target(%arg15 : memref<10000xi32, #tpu.memory_space<vmem>>) target_semaphore(%arg19 : memref<!tpu.dma_semaphore, #tpu.memory_space<semaphore_mem>>)
          %add3A_76 = arith.constant 30000 : i32
          %add3A_77 = arith.addi %mul3A_43, %add3A_76 : i32
          %dma_start3A_78 = tpu.memref_slice %arg5[%add3A_77] : memref<320000xf32, #tpu.memory_space<hbm>> -> memref<10000xf32, #tpu.memory_space<hbm>>
          %dma_start3A_79 = tpu.memref_slice %arg5[%add3A_77] : memref<320000xf32, #tpu.memory_space<hbm>> -> memref<10000xf32, #tpu.memory_space<hbm>>
          tpu.enqueue_dma source(%dma_start3A_79 : memref<10000xf32, #tpu.memory_space<hbm>>) target(%arg17 : memref<10000xf32, #tpu.memory_space<vmem>>) target_semaphore(%arg21 : memref<!tpu.dma_semaphore, #tpu.memory_space<semaphore_mem>>)
        } else {
        }
      }
      %scan3A_37 = arith.constant 16 : i32
      %parallel_loop3A_38 = arith.constant 0 : i32
      %parallel_loop3A_39 = arith.constant 625 : i32
      %parallel_loop3A_40 = arith.constant 1 : i32
      scf.for %parallel_loop3A_41 = %parallel_loop3A_38 to %parallel_loop3A_39 step %parallel_loop3A_40  : i32 {
        %parallel_loop3A_42 = arith.constant 16 : i32
        %parallel_loop3A_43 = arith.muli %parallel_loop3A_41, %parallel_loop3A_42 : i32
        %parallel_loop3A_44 = arith.index_cast %parallel_loop3A_43 : i32 to index
        %parallel_loop3A_45 = tpu.vector_load %arg11[%parallel_loop3A_44] {strides = array<i32>} : memref<10000xf32, #tpu.memory_space<vmem>>, vector<16xf32>,
        %parallel_loop3A_46 = arith.constant 0.899999976 : f32
        %parallel_loop3A_47 = vector.broadcast %parallel_loop3A_46 : f32 to vector<16xf32>
        %parallel_loop3A_48 = arith.mulf %parallel_loop3A_47, %parallel_loop3A_45 : vector<16xf32>
        %parallel_loop3A_49 = arith.index_cast %parallel_loop3A_43 : i32 to index
        %parallel_loop3A_50 = tpu.vector_load %arg9[%parallel_loop3A_49] {strides = array<i32>} : memref<10000xf32, #tpu.memory_space<vmem>>, vector<16xf32>,
        %parallel_loop3A_51 = arith.constant 1.000000e-01 : f32
        %parallel_loop3A_52 = vector.broadcast %parallel_loop3A_51 : f32 to vector<16xf32>
        %parallel_loop3A_53 = arith.mulf %parallel_loop3A_52, %parallel_loop3A_50 : vector<16xf32>
        %parallel_loop3A_54 = arith.addf %parallel_loop3A_48, %parallel_loop3A_53 : vector<16xf32>
        %parallel_loop3A_55 = arith.index_cast %parallel_loop3A_43 : i32 to index
        %parallel_loop3A_56 = tpu.vector_load %arg7[%parallel_loop3A_55] {strides = array<i32>} : memref<10000xf32, #tpu.memory_space<vmem>>, vector<16xf32>,
        tpu.vector_store %arg7[%parallel_loop3A_55], %parallel_loop3A_54 {strides = array<i32>} : memref<10000xf32, #tpu.memory_space<vmem>>, vector<16xf32>,
        %parallel_loop3A_57 = arith.index_cast %parallel_loop3A_43 : i32 to index
        %parallel_loop3A_58 = tpu.vector_load %arg12[%parallel_loop3A_57] {strides = array<i32>} : memref<10000xf32, #tpu.memory_space<vmem>>, vector<16xf32>,
        %parallel_loop3A_59 = arith.constant 0.899999976 : f32
        %parallel_loop3A_60 = vector.broadcast %parallel_loop3A_59 : f32 to vector<16xf32>
        %parallel_loop3A_61 = arith.mulf %parallel_loop3A_60, %parallel_loop3A_58 : vector<16xf32>
        %parallel_loop3A_62 = arith.index_cast %parallel_loop3A_43 : i32 to index
        %parallel_loop3A_63 = tpu.vector_load %arg10[%parallel_loop3A_62] {strides = array<i32>} : memref<10000xf32, #tpu.memory_space<vmem>>, vector<16xf32>,
        %parallel_loop3A_64 = arith.constant 1.000000e-01 : f32
        %parallel_loop3A_65 = vector.broadcast %parallel_loop3A_64 : f32 to vector<16xf32>
        %parallel_loop3A_66 = arith.mulf %parallel_loop3A_65, %parallel_loop3A_63 : vector<16xf32>
        %parallel_loop3A_67 = arith.addf %parallel_loop3A_61, %parallel_loop3A_66 : vector<16xf32>
        %parallel_loop3A_68 = arith.index_cast %parallel_loop3A_43 : i32 to index
        %parallel_loop3A_69 = tpu.vector_load %arg8[%parallel_loop3A_68] {strides = array<i32>} : memref<10000xf32, #tpu.memory_space<vmem>>, vector<16xf32>,
        tpu.vector_store %arg8[%parallel_loop3A_68], %parallel_loop3A_67 {strides = array<i32>} : memref<10000xf32, #tpu.memory_space<vmem>>, vector<16xf32>,
      } {sc.loop_unroll_factor = 1 : i64, sc.parallel_access}
    }
    %scan3A_11 = arith.constant 10 : i32
    "tpu.region"() ({
      %run_scoped3A = tpu.sem_alloc : memref<!tpu.dma_semaphore, #tpu.memory_space<semaphore_mem>>
      %dma_start3A = arith.constant 0 : i32
      %dma_start3A_14 = tpu.memref_slice %arg6[%mul3A_2, %dma_start3A] : memref<64x10000xf32, #tpu.memory_space<hbm>> -> memref<1x10000xf32, #tpu.memory_space<hbm>>
      %dma_start3A_15 = tpu.memref_squeeze %dma_start3A_14 : memref<1x10000xf32, #tpu.memory_space<hbm>> -> memref<10000xf32, #tpu.memory_space<hbm>>
      %dma_start3A_16 = arith.constant 0 : i32
      %dma_start3A_17 = tpu.memref_slice %arg6[%mul3A_2, %dma_start3A_16] : memref<64x10000xf32, #tpu.memory_space<hbm>> -> memref<1x10000xf32, #tpu.memory_space<hbm>>
      %dma_start3A_18 = tpu.memref_squeeze %dma_start3A_17 : memref<1x10000xf32, #tpu.memory_space<hbm>> -> memref<10000xf32, #tpu.memory_space<hbm>>
      tpu.enqueue_dma source(%arg7 : memref<10000xf32, #tpu.memory_space<vmem>>) target(%dma_start3A_18 : memref<10000xf32, #tpu.memory_space<hbm>>) target_semaphore(%run_scoped3A : memref<!tpu.dma_semaphore, #tpu.memory_space<semaphore_mem>>)
      %dma_wait3A = arith.constant 0 : i32
      %dma_wait3A_19 = tpu.memref_slice %arg6[%mul3A_2, %dma_wait3A] : memref<64x10000xf32, #tpu.memory_space<hbm>> -> memref<1x10000xf32, #tpu.memory_space<hbm>>
      %dma_wait3A_20 = tpu.memref_squeeze %dma_wait3A_19 : memref<1x10000xf32, #tpu.memory_space<hbm>> -> memref<10000xf32, #tpu.memory_space<hbm>>
      %dma_wait3A_21 = arith.constant 0 : i32
      %dma_wait3A_22 = tpu.memref_slice %arg6[%mul3A_2, %dma_wait3A_21] : memref<64x10000xf32, #tpu.memory_space<hbm>> -> memref<1x10000xf32, #tpu.memory_space<hbm>>
      %dma_wait3A_23 = tpu.memref_squeeze %dma_wait3A_22 : memref<1x10000xf32, #tpu.memory_space<hbm>> -> memref<10000xf32, #tpu.memory_space<hbm>>
      tpu.wait_dma2 semaphore(%run_scoped3A : memref<!tpu.dma_semaphore, #tpu.memory_space<semaphore_mem>>) src(%arg7 : memref<10000xf32, #tpu.memory_space<vmem>>) dst(%dma_wait3A_23 : memref<10000xf32, #tpu.memory_space<hbm>>)
      tpu.yield
    }) : () -> ()
    %add3A_12 = arith.constant 1 : i32
    %add3A_13 = arith.addi %mul3A_2, %add3A_12 : i32
    "tpu.region"() ({
      %run_scoped3A = tpu.sem_alloc : memref<!tpu.dma_semaphore, #tpu.memory_space<semaphore_mem>>
      %dma_start3A = arith.constant 0 : i32
      %dma_start3A_14 = tpu.memref_slice %arg6[%add3A_13, %dma_start3A] : memref<64x10000xf32, #tpu.memory_space<hbm>> -> memref<1x10000xf32, #tpu.memory_space<hbm>>
      %dma_start3A_15 = tpu.memref_squeeze %dma_start3A_14 : memref<1x10000xf32, #tpu.memory_space<hbm>> -> memref<10000xf32, #tpu.memory_space<hbm>>
      %dma_start3A_16 = arith.constant 0 : i32
      %dma_start3A_17 = tpu.memref_slice %arg6[%add3A_13, %dma_start3A_16] : memref<64x10000xf32, #tpu.memory_space<hbm>> -> memref<1x10000xf32, #tpu.memory_space<hbm>>
      %dma_start3A_18 = tpu.memref_squeeze %dma_start3A_17 : memref<1x10000xf32, #tpu.memory_space<hbm>> -> memref<10000xf32, #tpu.memory_space<hbm>>
      tpu.enqueue_dma source(%arg8 : memref<10000xf32, #tpu.memory_space<vmem>>) target(%dma_start3A_18 : memref<10000xf32, #tpu.memory_space<hbm>>) target_semaphore(%run_scoped3A : memref<!tpu.dma_semaphore, #tpu.memory_space<semaphore_mem>>)
      %dma_wait3A = arith.constant 0 : i32
      %dma_wait3A_19 = tpu.memref_slice %arg6[%add3A_13, %dma_wait3A] : memref<64x10000xf32, #tpu.memory_space<hbm>> -> memref<1x10000xf32, #tpu.memory_space<hbm>>
      %dma_wait3A_20 = tpu.memref_squeeze %dma_wait3A_19 : memref<1x10000xf32, #tpu.memory_space<hbm>> -> memref<10000xf32, #tpu.memory_space<hbm>>
      %dma_wait3A_21 = arith.constant 0 : i32
      %dma_wait3A_22 = tpu.memref_slice %arg6[%add3A_13, %dma_wait3A_21] : memref<64x10000xf32, #tpu.memory_space<hbm>> -> memref<1x10000xf32, #tpu.memory_space<hbm>>
      %dma_wait3A_23 = tpu.memref_squeeze %dma_wait3A_22 : memref<1x10000xf32, #tpu.memory_space<hbm>> -> memref<10000xf32, #tpu.memory_space<hbm>>
      tpu.wait_dma2 semaphore(%run_scoped3A : memref<!tpu.dma_semaphore, #tpu.memory_space<semaphore_mem>>) src(%arg8 : memref<10000xf32, #tpu.memory_space<vmem>>) dst(%dma_wait3A_23 : memref<10000xf32, #tpu.memory_space<hbm>>)
      tpu.yield
    }) : () -> ()
    return
  }
}

#map = affine_map<(d0, d1) -> (0, 0)>
#map1 = affine_map<(d0, d1) -> (0)>
module attributes {stable_mosaic.version = 14 : i64} {
  func.func @_sc_body(%arg0: i32, %arg1: i32, %arg2: memref<64x10000xf32, #tpu.memory_space<hbm>>, %arg3: memref<320000xi32, #tpu.memory_space<hbm>>, %arg4: memref<10000xf32, #tpu.memory_space<hbm>>, %arg5: memref<320000xf32, #tpu.memory_space<hbm>>, %arg6: memref<64x10000xf32, #tpu.memory_space<hbm>>, %arg7: memref<10000xf32, #tpu.memory_space<vmem>>, %arg8: memref<10000xf32, #tpu.memory_space<vmem>>, %arg9: memref<10000xf32, #tpu.memory_space<vmem>>, %arg10: memref<10000xf32, #tpu.memory_space<vmem>>, %arg11: memref<10000xf32, #tpu.memory_space<vmem>>, %arg12: memref<10000xf32, #tpu.memory_space<vmem>>, %arg13: memref<10000xf32, #tpu.memory_space<vmem>>, %arg14: memref<10000xi32, #tpu.memory_space<vmem>>, %arg15: memref<10000xi32, #tpu.memory_space<vmem>>, %arg16: memref<10000xf32, #tpu.memory_space<vmem>>, %arg17: memref<10000xf32, #tpu.memory_space<vmem>>, %arg18: memref<!tpu.dma_semaphore, #tpu.memory_space<semaphore_mem>>, %arg19: memref<!tpu.dma_semaphore, #tpu.memory_space<semaphore_mem>>, %arg20: memref<!tpu.dma_semaphore, #tpu.memory_space<semaphore_mem>>, %arg21: memref<!tpu.dma_semaphore, #tpu.memory_space<semaphore_mem>>) attributes {dimension_semantics = [#tpu.dimension_semantics<core_parallel>, #tpu.dimension_semantics<subcore_parallel>], iteration_bounds = array<i64: 2, 16>, scalar_prefetch = 0 : i64, scratch_operands = 15 : i64, tpu.core_type = #tpu.core_type<sc_vector_subcore>, window_params = [{transform_indices = #map}, {transform_indices = #map1}, {transform_indices = #map1}, {transform_indices = #map1}, {transform_indices = #map}]} {
    %mul3A = arith.constant 2 : i32
    %mul3A_0 = arith.muli %arg1, %mul3A : i32
    %add3A = arith.addi %mul3A_0, %arg0 : i32
    %mul3A_1 = arith.constant 2 : i32
    %mul3A_2 = arith.muli %add3A, %mul3A_1 : i32
    "tpu.region"() ({
      %run_scoped3A = tpu.sem_alloc : memref<!tpu.dma_semaphore, #tpu.memory_space<semaphore_mem>>
      %dma_start3A_56 = arith.constant 0 : i32
      %dma_start3A_57 = tpu.memref_slice %arg2[%mul3A_2, %dma_start3A_56] : memref<64x10000xf32, #tpu.memory_space<hbm>> -> memref<1x10000xf32, #tpu.memory_space<hbm>>
      %dma_start3A_58 = tpu.memref_squeeze %dma_start3A_57 : memref<1x10000xf32, #tpu.memory_space<hbm>> -> memref<10000xf32, #tpu.memory_space<hbm>>
      %dma_start3A_59 = arith.constant 0 : i32
      %dma_start3A_60 = tpu.memref_slice %arg2[%mul3A_2, %dma_start3A_59] : memref<64x10000xf32, #tpu.memory_space<hbm>> -> memref<1x10000xf32, #tpu.memory_space<hbm>>
      %dma_start3A_61 = tpu.memref_squeeze %dma_start3A_60 : memref<1x10000xf32, #tpu.memory_space<hbm>> -> memref<10000xf32, #tpu.memory_space<hbm>>
      tpu.enqueue_dma source(%dma_start3A_61 : memref<10000xf32, #tpu.memory_space<hbm>>) target(%arg7 : memref<10000xf32, #tpu.memory_space<vmem>>) target_semaphore(%run_scoped3A : memref<!tpu.dma_semaphore, #tpu.memory_space<semaphore_mem>>)
      %dma_wait3A_62 = arith.constant 0 : i32
      %dma_wait3A_63 = tpu.memref_slice %arg2[%mul3A_2, %dma_wait3A_62] : memref<64x10000xf32, #tpu.memory_space<hbm>> -> memref<1x10000xf32, #tpu.memory_space<hbm>>
      %dma_wait3A_64 = tpu.memref_squeeze %dma_wait3A_63 : memref<1x10000xf32, #tpu.memory_space<hbm>> -> memref<10000xf32, #tpu.memory_space<hbm>>
      %dma_wait3A_65 = arith.constant 0 : i32
      %dma_wait3A_66 = tpu.memref_slice %arg2[%mul3A_2, %dma_wait3A_65] : memref<64x10000xf32, #tpu.memory_space<hbm>> -> memref<1x10000xf32, #tpu.memory_space<hbm>>
      %dma_wait3A_67 = tpu.memref_squeeze %dma_wait3A_66 : memref<1x10000xf32, #tpu.memory_space<hbm>> -> memref<10000xf32, #tpu.memory_space<hbm>>
      tpu.wait_dma2 semaphore(%run_scoped3A : memref<!tpu.dma_semaphore, #tpu.memory_space<semaphore_mem>>) src(%dma_wait3A_67 : memref<10000xf32, #tpu.memory_space<hbm>>) dst(%arg7 : memref<10000xf32, #tpu.memory_space<vmem>>)
      tpu.yield
    }) : () -> ()
    %add3A_3 = arith.constant 1 : i32
    %add3A_4 = arith.addi %mul3A_2, %add3A_3 : i32
    "tpu.region"() ({
      %run_scoped3A = tpu.sem_alloc : memref<!tpu.dma_semaphore, #tpu.memory_space<semaphore_mem>>
      %dma_start3A_56 = arith.constant 0 : i32
      %dma_start3A_57 = tpu.memref_slice %arg2[%add3A_4, %dma_start3A_56] : memref<64x10000xf32, #tpu.memory_space<hbm>> -> memref<1x10000xf32, #tpu.memory_space<hbm>>
      %dma_start3A_58 = tpu.memref_squeeze %dma_start3A_57 : memref<1x10000xf32, #tpu.memory_space<hbm>> -> memref<10000xf32, #tpu.memory_space<hbm>>
      %dma_start3A_59 = arith.constant 0 : i32
      %dma_start3A_60 = tpu.memref_slice %arg2[%add3A_4, %dma_start3A_59] : memref<64x10000xf32, #tpu.memory_space<hbm>> -> memref<1x10000xf32, #tpu.memory_space<hbm>>
      %dma_start3A_61 = tpu.memref_squeeze %dma_start3A_60 : memref<1x10000xf32, #tpu.memory_space<hbm>> -> memref<10000xf32, #tpu.memory_space<hbm>>
      tpu.enqueue_dma source(%dma_start3A_61 : memref<10000xf32, #tpu.memory_space<hbm>>) target(%arg8 : memref<10000xf32, #tpu.memory_space<vmem>>) target_semaphore(%run_scoped3A : memref<!tpu.dma_semaphore, #tpu.memory_space<semaphore_mem>>)
      %dma_wait3A_62 = arith.constant 0 : i32
      %dma_wait3A_63 = tpu.memref_slice %arg2[%add3A_4, %dma_wait3A_62] : memref<64x10000xf32, #tpu.memory_space<hbm>> -> memref<1x10000xf32, #tpu.memory_space<hbm>>
      %dma_wait3A_64 = tpu.memref_squeeze %dma_wait3A_63 : memref<1x10000xf32, #tpu.memory_space<hbm>> -> memref<10000xf32, #tpu.memory_space<hbm>>
      %dma_wait3A_65 = arith.constant 0 : i32
      %dma_wait3A_66 = tpu.memref_slice %arg2[%add3A_4, %dma_wait3A_65] : memref<64x10000xf32, #tpu.memory_space<hbm>> -> memref<1x10000xf32, #tpu.memory_space<hbm>>
      %dma_wait3A_67 = tpu.memref_squeeze %dma_wait3A_66 : memref<1x10000xf32, #tpu.memory_space<hbm>> -> memref<10000xf32, #tpu.memory_space<hbm>>
      tpu.wait_dma2 semaphore(%run_scoped3A : memref<!tpu.dma_semaphore, #tpu.memory_space<semaphore_mem>>) src(%dma_wait3A_67 : memref<10000xf32, #tpu.memory_space<hbm>>) dst(%arg8 : memref<10000xf32, #tpu.memory_space<vmem>>)
      tpu.yield
    }) : () -> ()
    "tpu.region"() ({
      %run_scoped3A = tpu.sem_alloc : memref<!tpu.dma_semaphore, #tpu.memory_space<semaphore_mem>>
      %dma_start3A_56 = arith.constant 0 : i32
      %dma_start3A_57 = tpu.memref_slice %arg2[%mul3A_2, %dma_start3A_56] : memref<64x10000xf32, #tpu.memory_space<hbm>> -> memref<1x10000xf32, #tpu.memory_space<hbm>>
      %dma_start3A_58 = tpu.memref_squeeze %dma_start3A_57 : memref<1x10000xf32, #tpu.memory_space<hbm>> -> memref<10000xf32, #tpu.memory_space<hbm>>
      %dma_start3A_59 = arith.constant 0 : i32
      %dma_start3A_60 = tpu.memref_slice %arg2[%mul3A_2, %dma_start3A_59] : memref<64x10000xf32, #tpu.memory_space<hbm>> -> memref<1x10000xf32, #tpu.memory_space<hbm>>
      %dma_start3A_61 = tpu.memref_squeeze %dma_start3A_60 : memref<1x10000xf32, #tpu.memory_space<hbm>> -> memref<10000xf32, #tpu.memory_space<hbm>>
      tpu.enqueue_dma source(%dma_start3A_61 : memref<10000xf32, #tpu.memory_space<hbm>>) target(%arg9 : memref<10000xf32, #tpu.memory_space<vmem>>) target_semaphore(%run_scoped3A : memref<!tpu.dma_semaphore, #tpu.memory_space<semaphore_mem>>)
      %dma_wait3A_62 = arith.constant 0 : i32
      %dma_wait3A_63 = tpu.memref_slice %arg2[%mul3A_2, %dma_wait3A_62] : memref<64x10000xf32, #tpu.memory_space<hbm>> -> memref<1x10000xf32, #tpu.memory_space<hbm>>
      %dma_wait3A_64 = tpu.memref_squeeze %dma_wait3A_63 : memref<1x10000xf32, #tpu.memory_space<hbm>> -> memref<10000xf32, #tpu.memory_space<hbm>>
      %dma_wait3A_65 = arith.constant 0 : i32
      %dma_wait3A_66 = tpu.memref_slice %arg2[%mul3A_2, %dma_wait3A_65] : memref<64x10000xf32, #tpu.memory_space<hbm>> -> memref<1x10000xf32, #tpu.memory_space<hbm>>
      %dma_wait3A_67 = tpu.memref_squeeze %dma_wait3A_66 : memref<1x10000xf32, #tpu.memory_space<hbm>> -> memref<10000xf32, #tpu.memory_space<hbm>>
      tpu.wait_dma2 semaphore(%run_scoped3A : memref<!tpu.dma_semaphore, #tpu.memory_space<semaphore_mem>>) src(%dma_wait3A_67 : memref<10000xf32, #tpu.memory_space<hbm>>) dst(%arg9 : memref<10000xf32, #tpu.memory_space<vmem>>)
      tpu.yield
    }) : () -> ()
    %add3A_5 = arith.constant 1 : i32
    %add3A_6 = arith.addi %mul3A_2, %add3A_5 : i32
    "tpu.region"() ({
      %run_scoped3A = tpu.sem_alloc : memref<!tpu.dma_semaphore, #tpu.memory_space<semaphore_mem>>
      %dma_start3A_56 = arith.constant 0 : i32
      %dma_start3A_57 = tpu.memref_slice %arg2[%add3A_6, %dma_start3A_56] : memref<64x10000xf32, #tpu.memory_space<hbm>> -> memref<1x10000xf32, #tpu.memory_space<hbm>>
      %dma_start3A_58 = tpu.memref_squeeze %dma_start3A_57 : memref<1x10000xf32, #tpu.memory_space<hbm>> -> memref<10000xf32, #tpu.memory_space<hbm>>
      %dma_start3A_59 = arith.constant 0 : i32
      %dma_start3A_60 = tpu.memref_slice %arg2[%add3A_6, %dma_start3A_59] : memref<64x10000xf32, #tpu.memory_space<hbm>> -> memref<1x10000xf32, #tpu.memory_space<hbm>>
      %dma_start3A_61 = tpu.memref_squeeze %dma_start3A_60 : memref<1x10000xf32, #tpu.memory_space<hbm>> -> memref<10000xf32, #tpu.memory_space<hbm>>
      tpu.enqueue_dma source(%dma_start3A_61 : memref<10000xf32, #tpu.memory_space<hbm>>) target(%arg10 : memref<10000xf32, #tpu.memory_space<vmem>>) target_semaphore(%run_scoped3A : memref<!tpu.dma_semaphore, #tpu.memory_space<semaphore_mem>>)
      %dma_wait3A_62 = arith.constant 0 : i32
      %dma_wait3A_63 = tpu.memref_slice %arg2[%add3A_6, %dma_wait3A_62] : memref<64x10000xf32, #tpu.memory_space<hbm>> -> memref<1x10000xf32, #tpu.memory_space<hbm>>
      %dma_wait3A_64 = tpu.memref_squeeze %dma_wait3A_63 : memref<1x10000xf32, #tpu.memory_space<hbm>> -> memref<10000xf32, #tpu.memory_space<hbm>>
      %dma_wait3A_65 = arith.constant 0 : i32
      %dma_wait3A_66 = tpu.memref_slice %arg2[%add3A_6, %dma_wait3A_65] : memref<64x10000xf32, #tpu.memory_space<hbm>> -> memref<1x10000xf32, #tpu.memory_space<hbm>>
      %dma_wait3A_67 = tpu.memref_squeeze %dma_wait3A_66 : memref<1x10000xf32, #tpu.memory_space<hbm>> -> memref<10000xf32, #tpu.memory_space<hbm>>
      tpu.wait_dma2 semaphore(%run_scoped3A : memref<!tpu.dma_semaphore, #tpu.memory_space<semaphore_mem>>) src(%dma_wait3A_67 : memref<10000xf32, #tpu.memory_space<hbm>>) dst(%arg10 : memref<10000xf32, #tpu.memory_space<vmem>>)
      tpu.yield
    }) : () -> ()
    %broadcast_in_dim3A = arith.constant 1.000000e+00 : f32
    %broadcast_in_dim3A_7 = vector.broadcast %broadcast_in_dim3A : f32 to vector<16xf32>
    %parallel_loop3A = arith.constant 0 : i32
    %parallel_loop3A_8 = arith.constant 625 : i32
    %parallel_loop3A_9 = arith.constant 1 : i32
    scf.for %parallel_loop3A_56 = %parallel_loop3A to %parallel_loop3A_8 step %parallel_loop3A_9  : i32 {
      %parallel_loop3A_57 = arith.constant 16 : i32
      %parallel_loop3A_58 = arith.muli %parallel_loop3A_56, %parallel_loop3A_57 : i32
      %parallel_loop3A_59 = arith.index_cast %parallel_loop3A_58 : i32 to index
      %parallel_loop3A_60 = tpu.vector_load %arg13[%parallel_loop3A_59] {strides = array<i32>} : memref<10000xf32, #tpu.memory_space<vmem>>, vector<16xf32>,
      tpu.vector_store %arg13[%parallel_loop3A_59], %broadcast_in_dim3A_7 {strides = array<i32>} : memref<10000xf32, #tpu.memory_space<vmem>>, vector<16xf32>,
    } {sc.loop_unroll_factor = 1 : i64, sc.parallel_access}
    %dma_start3A = arith.constant 0 : i32
    %dma_start3A_10 = tpu.memref_slice %arg3[%dma_start3A] : memref<320000xi32, #tpu.memory_space<hbm>> -> memref<10000xi32, #tpu.memory_space<hbm>>
    %dma_start3A_11 = arith.constant 0 : i32
    %dma_start3A_12 = tpu.memref_slice %arg3[%dma_start3A_11] : memref<320000xi32, #tpu.memory_space<hbm>> -> memref<10000xi32, #tpu.memory_space<hbm>>
    tpu.enqueue_dma source(%dma_start3A_12 : memref<10000xi32, #tpu.memory_space<hbm>>) target(%arg14 : memref<10000xi32, #tpu.memory_space<vmem>>) target_semaphore(%arg18 : memref<!tpu.dma_semaphore, #tpu.memory_space<semaphore_mem>>)
    %dma_start3A_13 = arith.constant 10000 : i32
    %dma_start3A_14 = tpu.memref_slice %arg3[%dma_start3A_13] : memref<320000xi32, #tpu.memory_space<hbm>> -> memref<10000xi32, #tpu.memory_space<hbm>>
    %dma_start3A_15 = arith.constant 10000 : i32
    %dma_start3A_16 = tpu.memref_slice %arg3[%dma_start3A_15] : memref<320000xi32, #tpu.memory_space<hbm>> -> memref<10000xi32, #tpu.memory_space<hbm>>
    tpu.enqueue_dma source(%dma_start3A_16 : memref<10000xi32, #tpu.memory_space<hbm>>) target(%arg15 : memref<10000xi32, #tpu.memory_space<vmem>>) target_semaphore(%arg19 : memref<!tpu.dma_semaphore, #tpu.memory_space<semaphore_mem>>)
    %scan3A = arith.constant 0 : i32
    %scan3A_17 = arith.constant 0 : i32
    %scan3A_18 = arith.constant 16 : i32
    %scan3A_19 = arith.addi %scan3A_17, %scan3A_18 : i32
    %scan3A_20 = arith.constant 1 : i32
    scf.for %scan3A_56 = %scan3A_17 to %scan3A_19 step %scan3A_20  : i32 {
      %mul3A_57 = arith.constant 20000 : i32
      %mul3A_58 = arith.muli %scan3A_56, %mul3A_57 : i32
      %dma_wait3A_59 = tpu.memref_slice %arg3[%mul3A_58] : memref<320000xi32, #tpu.memory_space<hbm>> -> memref<10000xi32, #tpu.memory_space<hbm>>
      %dma_wait3A_60 = tpu.memref_slice %arg3[%mul3A_58] : memref<320000xi32, #tpu.memory_space<hbm>> -> memref<10000xi32, #tpu.memory_space<hbm>>
      tpu.wait_dma2 semaphore(%arg18 : memref<!tpu.dma_semaphore, #tpu.memory_space<semaphore_mem>>) src(%dma_wait3A_60 : memref<10000xi32, #tpu.memory_space<hbm>>) dst(%arg14 : memref<10000xi32, #tpu.memory_space<vmem>>)
      %parallel_loop3A_61 = arith.constant 0 : i32
      %parallel_loop3A_62 = arith.constant 625 : i32
      %parallel_loop3A_63 = arith.constant 1 : i32
      scf.for %parallel_loop3A_84 = %parallel_loop3A_61 to %parallel_loop3A_62 step %parallel_loop3A_63  : i32 {
        %parallel_loop3A_85 = arith.constant 16 : i32
        %parallel_loop3A_86 = arith.muli %parallel_loop3A_84, %parallel_loop3A_85 : i32
        %parallel_loop3A_87 = arith.index_cast %parallel_loop3A_86 : i32 to index
        %parallel_loop3A_88 = tpu.vector_load %arg14[%parallel_loop3A_87] {strides = array<i32>} : memref<10000xi32, #tpu.memory_space<vmem>>, vector<16xi32>,
        %parallel_loop3A_89 = arith.constant 14 : i32
        %parallel_loop3A_90 = vector.broadcast %parallel_loop3A_89 : i32 to vector<16xi32>
        %parallel_loop3A_91 = arith.shrui %parallel_loop3A_88, %parallel_loop3A_90 : vector<16xi32>
        tpu.vector_store_idx %arg13[%parallel_loop3A_91], %broadcast_in_dim3A_7 {add = true} : memref<10000xf32, #tpu.memory_space<vmem>>[vector<16xi32>], vector<16xf32>,
      } {sc.loop_unroll_factor = 2 : i64, sc.parallel_access}
      %add3A_64 = arith.constant 1 : i32
      %add3A_65 = arith.addi %scan3A_56, %add3A_64 : i32
      %lt3A = arith.constant 16 : i32
      %lt3A_66 = arith.cmpi slt, %add3A_65, %lt3A : i32
      %convert_element_type3A_67 = arith.extui %lt3A_66 : i1 to i32
      %cond3A_68 = arith.constant 0 : i32
      %cond3A_69 = arith.cmpi ne, %convert_element_type3A_67, %cond3A_68 : i32
      scf.if %cond3A_69 {
        %add3A_84 = arith.constant 20000 : i32
        %add3A_85 = arith.addi %mul3A_58, %add3A_84 : i32
        %dma_start3A_86 = tpu.memref_slice %arg3[%add3A_85] : memref<320000xi32, #tpu.memory_space<hbm>> -> memref<10000xi32, #tpu.memory_space<hbm>>
        %dma_start3A_87 = tpu.memref_slice %arg3[%add3A_85] : memref<320000xi32, #tpu.memory_space<hbm>> -> memref<10000xi32, #tpu.memory_space<hbm>>
        tpu.enqueue_dma source(%dma_start3A_87 : memref<10000xi32, #tpu.memory_space<hbm>>) target(%arg14 : memref<10000xi32, #tpu.memory_space<vmem>>) target_semaphore(%arg18 : memref<!tpu.dma_semaphore, #tpu.memory_space<semaphore_mem>>)
      } else {
      }
      %add3A_70 = arith.constant 10000 : i32
      %add3A_71 = arith.addi %mul3A_58, %add3A_70 : i32
      %dma_wait3A_72 = tpu.memref_slice %arg3[%add3A_71] : memref<320000xi32, #tpu.memory_space<hbm>> -> memref<10000xi32, #tpu.memory_space<hbm>>
      %dma_wait3A_73 = tpu.memref_slice %arg3[%add3A_71] : memref<320000xi32, #tpu.memory_space<hbm>> -> memref<10000xi32, #tpu.memory_space<hbm>>
      tpu.wait_dma2 semaphore(%arg19 : memref<!tpu.dma_semaphore, #tpu.memory_space<semaphore_mem>>) src(%dma_wait3A_73 : memref<10000xi32, #tpu.memory_space<hbm>>) dst(%arg15 : memref<10000xi32, #tpu.memory_space<vmem>>)
      %parallel_loop3A_74 = arith.constant 0 : i32
      %parallel_loop3A_75 = arith.constant 625 : i32
      %parallel_loop3A_76 = arith.constant 1 : i32
      scf.for %parallel_loop3A_84 = %parallel_loop3A_74 to %parallel_loop3A_75 step %parallel_loop3A_76  : i32 {
        %parallel_loop3A_85 = arith.constant 16 : i32
        %parallel_loop3A_86 = arith.muli %parallel_loop3A_84, %parallel_loop3A_85 : i32
        %parallel_loop3A_87 = arith.index_cast %parallel_loop3A_86 : i32 to index
        %parallel_loop3A_88 = tpu.vector_load %arg15[%parallel_loop3A_87] {strides = array<i32>} : memref<10000xi32, #tpu.memory_space<vmem>>, vector<16xi32>,
        %parallel_loop3A_89 = arith.constant 14 : i32
        %parallel_loop3A_90 = vector.broadcast %parallel_loop3A_89 : i32 to vector<16xi32>
        %parallel_loop3A_91 = arith.shrui %parallel_loop3A_88, %parallel_loop3A_90 : vector<16xi32>
        tpu.vector_store_idx %arg13[%parallel_loop3A_91], %broadcast_in_dim3A_7 {add = true} : memref<10000xf32, #tpu.memory_space<vmem>>[vector<16xi32>], vector<16xf32>,
      } {sc.loop_unroll_factor = 2 : i64, sc.parallel_access}
      %add3A_77 = arith.constant 1 : i32
      %add3A_78 = arith.addi %scan3A_56, %add3A_77 : i32
      %lt3A_79 = arith.constant 16 : i32
      %lt3A_80 = arith.cmpi slt, %add3A_78, %lt3A_79 : i32
      %convert_element_type3A_81 = arith.extui %lt3A_80 : i1 to i32
      %cond3A_82 = arith.constant 0 : i32
      %cond3A_83 = arith.cmpi ne, %convert_element_type3A_81, %cond3A_82 : i32
      scf.if %cond3A_83 {
        %add3A_84 = arith.constant 30000 : i32
        %add3A_85 = arith.addi %mul3A_58, %add3A_84 : i32
        %dma_start3A_86 = tpu.memref_slice %arg3[%add3A_85] : memref<320000xi32, #tpu.memory_space<hbm>> -> memref<10000xi32, #tpu.memory_space<hbm>>
        %dma_start3A_87 = tpu.memref_slice %arg3[%add3A_85] : memref<320000xi32, #tpu.memory_space<hbm>> -> memref<10000xi32, #tpu.memory_space<hbm>>
        tpu.enqueue_dma source(%dma_start3A_87 : memref<10000xi32, #tpu.memory_space<hbm>>) target(%arg15 : memref<10000xi32, #tpu.memory_space<vmem>>) target_semaphore(%arg19 : memref<!tpu.dma_semaphore, #tpu.memory_space<semaphore_mem>>)
      } else {
      }
    }
    %scan3A_21 = arith.constant 16 : i32
    %parallel_loop3A_22 = arith.constant 0 : i32
    %parallel_loop3A_23 = arith.constant 625 : i32
    %parallel_loop3A_24 = arith.constant 1 : i32
    scf.for %parallel_loop3A_56 = %parallel_loop3A_22 to %parallel_loop3A_23 step %parallel_loop3A_24  : i32 {
      %parallel_loop3A_57 = arith.constant 16 : i32
      %parallel_loop3A_58 = arith.muli %parallel_loop3A_56, %parallel_loop3A_57 : i32
      %parallel_loop3A_59 = arith.index_cast %parallel_loop3A_58 : i32 to index
      %parallel_loop3A_60 = tpu.vector_load %arg13[%parallel_loop3A_59] {strides = array<i32>} : memref<10000xf32, #tpu.memory_space<vmem>>, vector<16xf32>,
      %parallel_loop3A_61 = tpu.bitcast %parallel_loop3A_60 : vector<16xf32> -> vector<16xi32>
      %parallel_loop3A_62 = arith.constant 1 : i32
      %parallel_loop3A_63 = vector.broadcast %parallel_loop3A_62 : i32 to vector<16xi32>
      %parallel_loop3A_64 = arith.shrui %parallel_loop3A_61, %parallel_loop3A_63 : vector<16xi32>
      %parallel_loop3A_65 = arith.constant 1597463007 : i32
      %parallel_loop3A_66 = vector.broadcast %parallel_loop3A_65 : i32 to vector<16xi32>
      %parallel_loop3A_67 = arith.subi %parallel_loop3A_66, %parallel_loop3A_64 : vector<16xi32>
      %parallel_loop3A_68 = tpu.bitcast %parallel_loop3A_67 : vector<16xi32> -> vector<16xf32>
      %parallel_loop3A_69 = arith.constant 5.000000e-01 : f32
      %parallel_loop3A_70 = vector.broadcast %parallel_loop3A_69 : f32 to vector<16xf32>
      %parallel_loop3A_71 = arith.mulf %parallel_loop3A_70, %parallel_loop3A_60 : vector<16xf32>
      %parallel_loop3A_72 = arith.mulf %parallel_loop3A_71, %parallel_loop3A_68 : vector<16xf32>
      %parallel_loop3A_73 = arith.mulf %parallel_loop3A_72, %parallel_loop3A_68 : vector<16xf32>
      %parallel_loop3A_74 = arith.constant 1.500000e+00 : f32
      %parallel_loop3A_75 = vector.broadcast %parallel_loop3A_74 : f32 to vector<16xf32>
      %parallel_loop3A_76 = arith.subf %parallel_loop3A_75, %parallel_loop3A_73 : vector<16xf32>
      %parallel_loop3A_77 = arith.mulf %parallel_loop3A_68, %parallel_loop3A_76 : vector<16xf32>
      %parallel_loop3A_78 = arith.constant 5.000000e-01 : f32
      %parallel_loop3A_79 = vector.broadcast %parallel_loop3A_78 : f32 to vector<16xf32>
      %parallel_loop3A_80 = arith.mulf %parallel_loop3A_79, %parallel_loop3A_60 : vector<16xf32>
      %parallel_loop3A_81 = arith.mulf %parallel_loop3A_80, %parallel_loop3A_77 : vector<16xf32>
      %parallel_loop3A_82 = arith.mulf %parallel_loop3A_81, %parallel_loop3A_77 : vector<16xf32>
      %parallel_loop3A_83 = arith.constant 1.500000e+00 : f32
      %parallel_loop3A_84 = vector.broadcast %parallel_loop3A_83 : f32 to vector<16xf32>
      %parallel_loop3A_85 = arith.subf %parallel_loop3A_84, %parallel_loop3A_82 : vector<16xf32>
      %parallel_loop3A_86 = arith.mulf %parallel_loop3A_77, %parallel_loop3A_85 : vector<16xf32>
      %parallel_loop3A_87 = arith.constant 5.000000e-01 : f32
      %parallel_loop3A_88 = vector.broadcast %parallel_loop3A_87 : f32 to vector<16xf32>
      %parallel_loop3A_89 = arith.mulf %parallel_loop3A_88, %parallel_loop3A_60 : vector<16xf32>
      %parallel_loop3A_90 = arith.mulf %parallel_loop3A_89, %parallel_loop3A_86 : vector<16xf32>
      %parallel_loop3A_91 = arith.mulf %parallel_loop3A_90, %parallel_loop3A_86 : vector<16xf32>
      %parallel_loop3A_92 = arith.constant 1.500000e+00 : f32
      %parallel_loop3A_93 = vector.broadcast %parallel_loop3A_92 : f32 to vector<16xf32>
      %parallel_loop3A_94 = arith.subf %parallel_loop3A_93, %parallel_loop3A_91 : vector<16xf32>
      %parallel_loop3A_95 = arith.mulf %parallel_loop3A_86, %parallel_loop3A_94 : vector<16xf32>
      %parallel_loop3A_96 = arith.index_cast %parallel_loop3A_58 : i32 to index
      %parallel_loop3A_97 = tpu.vector_load %arg13[%parallel_loop3A_96] {strides = array<i32>} : memref<10000xf32, #tpu.memory_space<vmem>>, vector<16xf32>,
      tpu.vector_store %arg13[%parallel_loop3A_96], %parallel_loop3A_95 {strides = array<i32>} : memref<10000xf32, #tpu.memory_space<vmem>>, vector<16xf32>,
    } {sc.loop_unroll_factor = 1 : i64, sc.parallel_access}
    %eq3A = arith.constant 0 : i32
    %eq3A_25 = arith.cmpi eq, %add3A, %eq3A : i32
    %convert_element_type3A = arith.extui %eq3A_25 : i1 to i32
    %cond3A = arith.constant 0 : i32
    %cond3A_26 = arith.cmpi ne, %convert_element_type3A, %cond3A : i32
    scf.if %cond3A_26 {
      "tpu.region"() ({
        %run_scoped3A = tpu.sem_alloc : memref<!tpu.dma_semaphore, #tpu.memory_space<semaphore_mem>>
        tpu.enqueue_dma source(%arg13 : memref<10000xf32, #tpu.memory_space<vmem>>) target(%arg4 : memref<10000xf32, #tpu.memory_space<hbm>>) target_semaphore(%run_scoped3A : memref<!tpu.dma_semaphore, #tpu.memory_space<semaphore_mem>>)
        tpu.wait_dma2 semaphore(%run_scoped3A : memref<!tpu.dma_semaphore, #tpu.memory_space<semaphore_mem>>) src(%arg13 : memref<10000xf32, #tpu.memory_space<vmem>>) dst(%arg4 : memref<10000xf32, #tpu.memory_space<hbm>>)
        tpu.yield
      }) : () -> ()
    } else {
    }
    %dma_start3A_27 = arith.constant 0 : i32
    %dma_start3A_28 = tpu.memref_slice %arg3[%dma_start3A_27] : memref<320000xi32, #tpu.memory_space<hbm>> -> memref<10000xi32, #tpu.memory_space<hbm>>
    %dma_start3A_29 = arith.constant 0 : i32
    %dma_start3A_30 = tpu.memref_slice %arg3[%dma_start3A_29] : memref<320000xi32, #tpu.memory_space<hbm>> -> memref<10000xi32, #tpu.memory_space<hbm>>
    tpu.enqueue_dma source(%dma_start3A_30 : memref<10000xi32, #tpu.memory_space<hbm>>) target(%arg14 : memref<10000xi32, #tpu.memory_space<vmem>>) target_semaphore(%arg18 : memref<!tpu.dma_semaphore, #tpu.memory_space<semaphore_mem>>)
    %dma_start3A_31 = arith.constant 10000 : i32
    %dma_start3A_32 = tpu.memref_slice %arg3[%dma_start3A_31] : memref<320000xi32, #tpu.memory_space<hbm>> -> memref<10000xi32, #tpu.memory_space<hbm>>
    %dma_start3A_33 = arith.constant 10000 : i32
    %dma_start3A_34 = tpu.memref_slice %arg3[%dma_start3A_33] : memref<320000xi32, #tpu.memory_space<hbm>> -> memref<10000xi32, #tpu.memory_space<hbm>>
    tpu.enqueue_dma source(%dma_start3A_34 : memref<10000xi32, #tpu.memory_space<hbm>>) target(%arg15 : memref<10000xi32, #tpu.memory_space<vmem>>) target_semaphore(%arg19 : memref<!tpu.dma_semaphore, #tpu.memory_space<semaphore_mem>>)
    %scan3A_35 = arith.constant 0 : i32
    %scan3A_36 = arith.constant 0 : i32
    %scan3A_37 = arith.constant 16 : i32
    %scan3A_38 = arith.addi %scan3A_36, %scan3A_37 : i32
    %scan3A_39 = arith.constant 1 : i32
    scf.for %scan3A_56 = %scan3A_36 to %scan3A_38 step %scan3A_39  : i32 {
      %mul3A_57 = arith.constant 20000 : i32
      %mul3A_58 = arith.muli %scan3A_56, %mul3A_57 : i32
      %dma_wait3A_59 = tpu.memref_slice %arg3[%mul3A_58] : memref<320000xi32, #tpu.memory_space<hbm>> -> memref<10000xi32, #tpu.memory_space<hbm>>
      %dma_wait3A_60 = tpu.memref_slice %arg3[%mul3A_58] : memref<320000xi32, #tpu.memory_space<hbm>> -> memref<10000xi32, #tpu.memory_space<hbm>>
      tpu.wait_dma2 semaphore(%arg18 : memref<!tpu.dma_semaphore, #tpu.memory_space<semaphore_mem>>) src(%dma_wait3A_60 : memref<10000xi32, #tpu.memory_space<hbm>>) dst(%arg14 : memref<10000xi32, #tpu.memory_space<vmem>>)
      %gt3A = arith.constant 0 : i32
      %gt3A_61 = arith.cmpi sgt, %scan3A_56, %gt3A : i32
      %convert_element_type3A_62 = arith.extui %gt3A_61 : i1 to i32
      %cond3A_63 = arith.constant 0 : i32
      %cond3A_64 = arith.cmpi ne, %convert_element_type3A_62, %cond3A_63 : i32
      scf.if %cond3A_64 {
        %sub3A = arith.constant 20000 : i32
        %sub3A_99 = arith.subi %mul3A_58, %sub3A : i32
        %dma_wait3A_100 = tpu.memref_slice %arg5[%sub3A_99] : memref<320000xf32, #tpu.memory_space<hbm>> -> memref<10000xf32, #tpu.memory_space<hbm>>
        %dma_wait3A_101 = tpu.memref_slice %arg5[%sub3A_99] : memref<320000xf32, #tpu.memory_space<hbm>> -> memref<10000xf32, #tpu.memory_space<hbm>>
        tpu.wait_dma2 semaphore(%arg20 : memref<!tpu.dma_semaphore, #tpu.memory_space<semaphore_mem>>) src(%arg16 : memref<10000xf32, #tpu.memory_space<vmem>>) dst(%dma_wait3A_101 : memref<10000xf32, #tpu.memory_space<hbm>>)
      } else {
      }
      %parallel_loop3A_65 = arith.constant 0 : i32
      %parallel_loop3A_66 = arith.constant 625 : i32
      %parallel_loop3A_67 = arith.constant 1 : i32
      scf.for %parallel_loop3A_99 = %parallel_loop3A_65 to %parallel_loop3A_66 step %parallel_loop3A_67  : i32 {
        %parallel_loop3A_100 = arith.constant 16 : i32
        %parallel_loop3A_101 = arith.muli %parallel_loop3A_99, %parallel_loop3A_100 : i32
        %parallel_loop3A_102 = arith.index_cast %parallel_loop3A_101 : i32 to index
        %parallel_loop3A_103 = tpu.vector_load %arg14[%parallel_loop3A_102] {strides = array<i32>} : memref<10000xi32, #tpu.memory_space<vmem>>, vector<16xi32>,
        %parallel_loop3A_104 = arith.constant 16383 : i32
        %parallel_loop3A_105 = vector.broadcast %parallel_loop3A_104 : i32 to vector<16xi32>
        %parallel_loop3A_106 = arith.andi %parallel_loop3A_103, %parallel_loop3A_105 : vector<16xi32>
        %parallel_loop3A_107 = arith.constant 14 : i32
        %parallel_loop3A_108 = vector.broadcast %parallel_loop3A_107 : i32 to vector<16xi32>
        %parallel_loop3A_109 = arith.shrui %parallel_loop3A_103, %parallel_loop3A_108 : vector<16xi32>
        %parallel_loop3A_110 = tpu.vector_load_idx %arg13[%parallel_loop3A_106] : memref<10000xf32, #tpu.memory_space<vmem>>[vector<16xi32>], vector<16xf32>,
        %parallel_loop3A_111 = tpu.vector_load_idx %arg13[%parallel_loop3A_109] : memref<10000xf32, #tpu.memory_space<vmem>>[vector<16xi32>], vector<16xf32>,
        %parallel_loop3A_112 = arith.mulf %parallel_loop3A_110, %parallel_loop3A_111 : vector<16xf32>
        %parallel_loop3A_113 = arith.index_cast %parallel_loop3A_101 : i32 to index
        %parallel_loop3A_114 = tpu.vector_load %arg16[%parallel_loop3A_113] {strides = array<i32>} : memref<10000xf32, #tpu.memory_space<vmem>>, vector<16xf32>,
        tpu.vector_store %arg16[%parallel_loop3A_113], %parallel_loop3A_112 {strides = array<i32>} : memref<10000xf32, #tpu.memory_space<vmem>>, vector<16xf32>,
      } {sc.loop_unroll_factor = 2 : i64, sc.parallel_access}
      %dma_start3A_68 = tpu.memref_slice %arg5[%mul3A_58] : memref<320000xf32, #tpu.memory_space<hbm>> -> memref<10000xf32, #tpu.memory_space<hbm>>
      %dma_start3A_69 = tpu.memref_slice %arg5[%mul3A_58] : memref<320000xf32, #tpu.memory_space<hbm>> -> memref<10000xf32, #tpu.memory_space<hbm>>
      tpu.enqueue_dma source(%arg16 : memref<10000xf32, #tpu.memory_space<vmem>>) target(%dma_start3A_69 : memref<10000xf32, #tpu.memory_space<hbm>>) target_semaphore(%arg20 : memref<!tpu.dma_semaphore, #tpu.memory_space<semaphore_mem>>)
      %add3A_70 = arith.constant 1 : i32
      %add3A_71 = arith.addi %scan3A_56, %add3A_70 : i32
      %lt3A = arith.constant 16 : i32
      %lt3A_72 = arith.cmpi slt, %add3A_71, %lt3A : i32
      %convert_element_type3A_73 = arith.extui %lt3A_72 : i1 to i32
      %cond3A_74 = arith.constant 0 : i32
      %cond3A_75 = arith.cmpi ne, %convert_element_type3A_73, %cond3A_74 : i32
      scf.if %cond3A_75 {
        %add3A_99 = arith.constant 20000 : i32
        %add3A_100 = arith.addi %mul3A_58, %add3A_99 : i32
        %dma_start3A_101 = tpu.memref_slice %arg3[%add3A_100] : memref<320000xi32, #tpu.memory_space<hbm>> -> memref<10000xi32, #tpu.memory_space<hbm>>
        %dma_start3A_102 = tpu.memref_slice %arg3[%add3A_100] : memref<320000xi32, #tpu.memory_space<hbm>> -> memref<10000xi32, #tpu.memory_space<hbm>>
        tpu.enqueue_dma source(%dma_start3A_102 : memref<10000xi32, #tpu.memory_space<hbm>>) target(%arg14 : memref<10000xi32, #tpu.memory_space<vmem>>) target_semaphore(%arg18 : memref<!tpu.dma_semaphore, #tpu.memory_space<semaphore_mem>>)
      } else {
      }
      %add3A_76 = arith.constant 10000 : i32
      %add3A_77 = arith.addi %mul3A_58, %add3A_76 : i32
      %dma_wait3A_78 = tpu.memref_slice %arg3[%add3A_77] : memref<320000xi32, #tpu.memory_space<hbm>> -> memref<10000xi32, #tpu.memory_space<hbm>>
      %dma_wait3A_79 = tpu.memref_slice %arg3[%add3A_77] : memref<320000xi32, #tpu.memory_space<hbm>> -> memref<10000xi32, #tpu.memory_space<hbm>>
      tpu.wait_dma2 semaphore(%arg19 : memref<!tpu.dma_semaphore, #tpu.memory_space<semaphore_mem>>) src(%dma_wait3A_79 : memref<10000xi32, #tpu.memory_space<hbm>>) dst(%arg15 : memref<10000xi32, #tpu.memory_space<vmem>>)
      %gt3A_80 = arith.constant 0 : i32
      %gt3A_81 = arith.cmpi sgt, %scan3A_56, %gt3A_80 : i32
      %convert_element_type3A_82 = arith.extui %gt3A_81 : i1 to i32
      %cond3A_83 = arith.constant 0 : i32
      %cond3A_84 = arith.cmpi ne, %convert_element_type3A_82, %cond3A_83 : i32
      scf.if %cond3A_84 {
        %sub3A = arith.constant 10000 : i32
        %sub3A_99 = arith.subi %mul3A_58, %sub3A : i32
        %dma_wait3A_100 = tpu.memref_slice %arg5[%sub3A_99] : memref<320000xf32, #tpu.memory_space<hbm>> -> memref<10000xf32, #tpu.memory_space<hbm>>
        %dma_wait3A_101 = tpu.memref_slice %arg5[%sub3A_99] : memref<320000xf32, #tpu.memory_space<hbm>> -> memref<10000xf32, #tpu.memory_space<hbm>>
        tpu.wait_dma2 semaphore(%arg21 : memref<!tpu.dma_semaphore, #tpu.memory_space<semaphore_mem>>) src(%arg17 : memref<10000xf32, #tpu.memory_space<vmem>>) dst(%dma_wait3A_101 : memref<10000xf32, #tpu.memory_space<hbm>>)
      } else {
      }
      %parallel_loop3A_85 = arith.constant 0 : i32
      %parallel_loop3A_86 = arith.constant 625 : i32
      %parallel_loop3A_87 = arith.constant 1 : i32
      scf.for %parallel_loop3A_99 = %parallel_loop3A_85 to %parallel_loop3A_86 step %parallel_loop3A_87  : i32 {
        %parallel_loop3A_100 = arith.constant 16 : i32
        %parallel_loop3A_101 = arith.muli %parallel_loop3A_99, %parallel_loop3A_100 : i32
        %parallel_loop3A_102 = arith.index_cast %parallel_loop3A_101 : i32 to index
        %parallel_loop3A_103 = tpu.vector_load %arg15[%parallel_loop3A_102] {strides = array<i32>} : memref<10000xi32, #tpu.memory_space<vmem>>, vector<16xi32>,
        %parallel_loop3A_104 = arith.constant 16383 : i32
        %parallel_loop3A_105 = vector.broadcast %parallel_loop3A_104 : i32 to vector<16xi32>
        %parallel_loop3A_106 = arith.andi %parallel_loop3A_103, %parallel_loop3A_105 : vector<16xi32>
        %parallel_loop3A_107 = arith.constant 14 : i32
        %parallel_loop3A_108 = vector.broadcast %parallel_loop3A_107 : i32 to vector<16xi32>
        %parallel_loop3A_109 = arith.shrui %parallel_loop3A_103, %parallel_loop3A_108 : vector<16xi32>
        %parallel_loop3A_110 = tpu.vector_load_idx %arg13[%parallel_loop3A_106] : memref<10000xf32, #tpu.memory_space<vmem>>[vector<16xi32>], vector<16xf32>,
        %parallel_loop3A_111 = tpu.vector_load_idx %arg13[%parallel_loop3A_109] : memref<10000xf32, #tpu.memory_space<vmem>>[vector<16xi32>], vector<16xf32>,
        %parallel_loop3A_112 = arith.mulf %parallel_loop3A_110, %parallel_loop3A_111 : vector<16xf32>
        %parallel_loop3A_113 = arith.index_cast %parallel_loop3A_101 : i32 to index
        %parallel_loop3A_114 = tpu.vector_load %arg17[%parallel_loop3A_113] {strides = array<i32>} : memref<10000xf32, #tpu.memory_space<vmem>>, vector<16xf32>,
        tpu.vector_store %arg17[%parallel_loop3A_113], %parallel_loop3A_112 {strides = array<i32>} : memref<10000xf32, #tpu.memory_space<vmem>>, vector<16xf32>,
      } {sc.loop_unroll_factor = 2 : i64, sc.parallel_access}
      %add3A_88 = arith.constant 10000 : i32
      %add3A_89 = arith.addi %mul3A_58, %add3A_88 : i32
      %dma_start3A_90 = tpu.memref_slice %arg5[%add3A_89] : memref<320000xf32, #tpu.memory_space<hbm>> -> memref<10000xf32, #tpu.memory_space<hbm>>
      %dma_start3A_91 = tpu.memref_slice %arg5[%add3A_89] : memref<320000xf32, #tpu.memory_space<hbm>> -> memref<10000xf32, #tpu.memory_space<hbm>>
      tpu.enqueue_dma source(%arg17 : memref<10000xf32, #tpu.memory_space<vmem>>) target(%dma_start3A_91 : memref<10000xf32, #tpu.memory_space<hbm>>) target_semaphore(%arg21 : memref<!tpu.dma_semaphore, #tpu.memory_space<semaphore_mem>>)
      %add3A_92 = arith.constant 1 : i32
      %add3A_93 = arith.addi %scan3A_56, %add3A_92 : i32
      %lt3A_94 = arith.constant 16 : i32
      %lt3A_95 = arith.cmpi slt, %add3A_93, %lt3A_94 : i32
      %convert_element_type3A_96 = arith.extui %lt3A_95 : i1 to i32
      %cond3A_97 = arith.constant 0 : i32
      %cond3A_98 = arith.cmpi ne, %convert_element_type3A_96, %cond3A_97 : i32
      scf.if %cond3A_98 {
        %add3A_99 = arith.constant 30000 : i32
        %add3A_100 = arith.addi %mul3A_58, %add3A_99 : i32
        %dma_start3A_101 = tpu.memref_slice %arg3[%add3A_100] : memref<320000xi32, #tpu.memory_space<hbm>> -> memref<10000xi32, #tpu.memory_space<hbm>>
        %dma_start3A_102 = tpu.memref_slice %arg3[%add3A_100] : memref<320000xi32, #tpu.memory_space<hbm>> -> memref<10000xi32, #tpu.memory_space<hbm>>
        tpu.enqueue_dma source(%dma_start3A_102 : memref<10000xi32, #tpu.memory_space<hbm>>) target(%arg15 : memref<10000xi32, #tpu.memory_space<vmem>>) target_semaphore(%arg19 : memref<!tpu.dma_semaphore, #tpu.memory_space<semaphore_mem>>)
      } else {
      }
    }
    %scan3A_40 = arith.constant 16 : i32
    %dma_wait3A = arith.constant 300000 : i32
    %dma_wait3A_41 = tpu.memref_slice %arg5[%dma_wait3A] : memref<320000xf32, #tpu.memory_space<hbm>> -> memref<10000xf32, #tpu.memory_space<hbm>>
    %dma_wait3A_42 = arith.constant 300000 : i32
    %dma_wait3A_43 = tpu.memref_slice %arg5[%dma_wait3A_42] : memref<320000xf32, #tpu.memory_space<hbm>> -> memref<10000xf32, #tpu.memory_space<hbm>>
    tpu.wait_dma2 semaphore(%arg20 : memref<!tpu.dma_semaphore, #tpu.memory_space<semaphore_mem>>) src(%arg16 : memref<10000xf32, #tpu.memory_space<vmem>>) dst(%dma_wait3A_43 : memref<10000xf32, #tpu.memory_space<hbm>>)
    %dma_wait3A_44 = arith.constant 310000 : i32
    %dma_wait3A_45 = tpu.memref_slice %arg5[%dma_wait3A_44] : memref<320000xf32, #tpu.memory_space<hbm>> -> memref<10000xf32, #tpu.memory_space<hbm>>
    %dma_wait3A_46 = arith.constant 310000 : i32
    %dma_wait3A_47 = tpu.memref_slice %arg5[%dma_wait3A_46] : memref<320000xf32, #tpu.memory_space<hbm>> -> memref<10000xf32, #tpu.memory_space<hbm>>
    tpu.wait_dma2 semaphore(%arg21 : memref<!tpu.dma_semaphore, #tpu.memory_space<semaphore_mem>>) src(%arg17 : memref<10000xf32, #tpu.memory_space<vmem>>) dst(%dma_wait3A_47 : memref<10000xf32, #tpu.memory_space<hbm>>)
    %scan3A_48 = arith.constant 0 : i32
    %scan3A_49 = arith.constant 0 : i32
    %scan3A_50 = arith.constant 10 : i32
    %scan3A_51 = arith.addi %scan3A_49, %scan3A_50 : i32
    %scan3A_52 = arith.constant 1 : i32
    scf.for %scan3A_56 = %scan3A_49 to %scan3A_51 step %scan3A_52  : i32 {
      %parallel_loop3A_57 = arith.constant 0 : i32
      %parallel_loop3A_58 = arith.constant 625 : i32
      %parallel_loop3A_59 = arith.constant 1 : i32
      scf.for %parallel_loop3A_85 = %parallel_loop3A_57 to %parallel_loop3A_58 step %parallel_loop3A_59  : i32 {
        %parallel_loop3A_86 = arith.constant 16 : i32
        %parallel_loop3A_87 = arith.muli %parallel_loop3A_85, %parallel_loop3A_86 : i32
        %parallel_loop3A_88 = arith.index_cast %parallel_loop3A_87 : i32 to index
        %parallel_loop3A_89 = tpu.vector_load %arg13[%parallel_loop3A_88] {strides = array<i32>} : memref<10000xf32, #tpu.memory_space<vmem>>, vector<16xf32>,
        %parallel_loop3A_90 = arith.mulf %parallel_loop3A_89, %parallel_loop3A_89 : vector<16xf32>
        %parallel_loop3A_91 = arith.index_cast %parallel_loop3A_87 : i32 to index
        %parallel_loop3A_92 = tpu.vector_load %arg7[%parallel_loop3A_91] {strides = array<i32>} : memref<10000xf32, #tpu.memory_space<vmem>>, vector<16xf32>,
        %parallel_loop3A_93 = arith.mulf %parallel_loop3A_90, %parallel_loop3A_92 : vector<16xf32>
        %parallel_loop3A_94 = arith.index_cast %parallel_loop3A_87 : i32 to index
        %parallel_loop3A_95 = tpu.vector_load %arg11[%parallel_loop3A_94] {strides = array<i32>} : memref<10000xf32, #tpu.memory_space<vmem>>, vector<16xf32>,
        tpu.vector_store %arg11[%parallel_loop3A_94], %parallel_loop3A_93 {strides = array<i32>} : memref<10000xf32, #tpu.memory_space<vmem>>, vector<16xf32>,
        %parallel_loop3A_96 = arith.index_cast %parallel_loop3A_87 : i32 to index
        %parallel_loop3A_97 = tpu.vector_load %arg8[%parallel_loop3A_96] {strides = array<i32>} : memref<10000xf32, #tpu.memory_space<vmem>>, vector<16xf32>,
        %parallel_loop3A_98 = arith.mulf %parallel_loop3A_90, %parallel_loop3A_97 : vector<16xf32>
        %parallel_loop3A_99 = arith.index_cast %parallel_loop3A_87 : i32 to index
        %parallel_loop3A_100 = tpu.vector_load %arg12[%parallel_loop3A_99] {strides = array<i32>} : memref<10000xf32, #tpu.memory_space<vmem>>, vector<16xf32>,
        tpu.vector_store %arg12[%parallel_loop3A_99], %parallel_loop3A_98 {strides = array<i32>} : memref<10000xf32, #tpu.memory_space<vmem>>, vector<16xf32>,
      } {sc.loop_unroll_factor = 1 : i64, sc.parallel_access}
      %dma_start3A_60 = arith.constant 0 : i32
      %dma_start3A_61 = tpu.memref_slice %arg3[%dma_start3A_60] : memref<320000xi32, #tpu.memory_space<hbm>> -> memref<10000xi32, #tpu.memory_space<hbm>>
      %dma_start3A_62 = arith.constant 0 : i32
      %dma_start3A_63 = tpu.memref_slice %arg3[%dma_start3A_62] : memref<320000xi32, #tpu.memory_space<hbm>> -> memref<10000xi32, #tpu.memory_space<hbm>>
      tpu.enqueue_dma source(%dma_start3A_63 : memref<10000xi32, #tpu.memory_space<hbm>>) target(%arg14 : memref<10000xi32, #tpu.memory_space<vmem>>) target_semaphore(%arg18 : memref<!tpu.dma_semaphore, #tpu.memory_space<semaphore_mem>>)
      %dma_start3A_64 = arith.constant 10000 : i32
      %dma_start3A_65 = tpu.memref_slice %arg3[%dma_start3A_64] : memref<320000xi32, #tpu.memory_space<hbm>> -> memref<10000xi32, #tpu.memory_space<hbm>>
      %dma_start3A_66 = arith.constant 10000 : i32
      %dma_start3A_67 = tpu.memref_slice %arg3[%dma_start3A_66] : memref<320000xi32, #tpu.memory_space<hbm>> -> memref<10000xi32, #tpu.memory_space<hbm>>
      tpu.enqueue_dma source(%dma_start3A_67 : memref<10000xi32, #tpu.memory_space<hbm>>) target(%arg15 : memref<10000xi32, #tpu.memory_space<vmem>>) target_semaphore(%arg19 : memref<!tpu.dma_semaphore, #tpu.memory_space<semaphore_mem>>)
      %dma_start3A_68 = arith.constant 0 : i32
      %dma_start3A_69 = tpu.memref_slice %arg5[%dma_start3A_68] : memref<320000xf32, #tpu.memory_space<hbm>> -> memref<10000xf32, #tpu.memory_space<hbm>>
      %dma_start3A_70 = arith.constant 0 : i32
      %dma_start3A_71 = tpu.memref_slice %arg5[%dma_start3A_70] : memref<320000xf32, #tpu.memory_space<hbm>> -> memref<10000xf32, #tpu.memory_space<hbm>>
      tpu.enqueue_dma source(%dma_start3A_71 : memref<10000xf32, #tpu.memory_space<hbm>>) target(%arg16 : memref<10000xf32, #tpu.memory_space<vmem>>) target_semaphore(%arg20 : memref<!tpu.dma_semaphore, #tpu.memory_space<semaphore_mem>>)
      %dma_start3A_72 = arith.constant 10000 : i32
      %dma_start3A_73 = tpu.memref_slice %arg5[%dma_start3A_72] : memref<320000xf32, #tpu.memory_space<hbm>> -> memref<10000xf32, #tpu.memory_space<hbm>>
      %dma_start3A_74 = arith.constant 10000 : i32
      %dma_start3A_75 = tpu.memref_slice %arg5[%dma_start3A_74] : memref<320000xf32, #tpu.memory_space<hbm>> -> memref<10000xf32, #tpu.memory_space<hbm>>
      tpu.enqueue_dma source(%dma_start3A_75 : memref<10000xf32, #tpu.memory_space<hbm>>) target(%arg17 : memref<10000xf32, #tpu.memory_space<vmem>>) target_semaphore(%arg21 : memref<!tpu.dma_semaphore, #tpu.memory_space<semaphore_mem>>)
      %scan3A_76 = arith.constant 0 : i32
      %scan3A_77 = arith.constant 0 : i32
      %scan3A_78 = arith.constant 16 : i32
      %scan3A_79 = arith.addi %scan3A_77, %scan3A_78 : i32
      %scan3A_80 = arith.constant 1 : i32
      scf.for %scan3A_85 = %scan3A_77 to %scan3A_79 step %scan3A_80  : i32 {
        %mul3A_86 = arith.constant 20000 : i32
        %mul3A_87 = arith.muli %scan3A_85, %mul3A_86 : i32
        %dma_wait3A_88 = tpu.memref_slice %arg3[%mul3A_87] : memref<320000xi32, #tpu.memory_space<hbm>> -> memref<10000xi32, #tpu.memory_space<hbm>>
        %dma_wait3A_89 = tpu.memref_slice %arg3[%mul3A_87] : memref<320000xi32, #tpu.memory_space<hbm>> -> memref<10000xi32, #tpu.memory_space<hbm>>
        tpu.wait_dma2 semaphore(%arg18 : memref<!tpu.dma_semaphore, #tpu.memory_space<semaphore_mem>>) src(%dma_wait3A_89 : memref<10000xi32, #tpu.memory_space<hbm>>) dst(%arg14 : memref<10000xi32, #tpu.memory_space<vmem>>)
        %dma_wait3A_90 = tpu.memref_slice %arg5[%mul3A_87] : memref<320000xf32, #tpu.memory_space<hbm>> -> memref<10000xf32, #tpu.memory_space<hbm>>
        %dma_wait3A_91 = tpu.memref_slice %arg5[%mul3A_87] : memref<320000xf32, #tpu.memory_space<hbm>> -> memref<10000xf32, #tpu.memory_space<hbm>>
        tpu.wait_dma2 semaphore(%arg20 : memref<!tpu.dma_semaphore, #tpu.memory_space<semaphore_mem>>) src(%dma_wait3A_91 : memref<10000xf32, #tpu.memory_space<hbm>>) dst(%arg16 : memref<10000xf32, #tpu.memory_space<vmem>>)
        %parallel_loop3A_92 = arith.constant 0 : i32
        %parallel_loop3A_93 = arith.constant 625 : i32
        %parallel_loop3A_94 = arith.constant 1 : i32
        scf.for %parallel_loop3A_119 = %parallel_loop3A_92 to %parallel_loop3A_93 step %parallel_loop3A_94  : i32 {
          %parallel_loop3A_120 = arith.constant 16 : i32
          %parallel_loop3A_121 = arith.muli %parallel_loop3A_119, %parallel_loop3A_120 : i32
          %parallel_loop3A_122 = arith.index_cast %parallel_loop3A_121 : i32 to index
          %parallel_loop3A_123 = tpu.vector_load %arg14[%parallel_loop3A_122] {strides = array<i32>} : memref<10000xi32, #tpu.memory_space<vmem>>, vector<16xi32>,
          %parallel_loop3A_124 = arith.constant 16 : i32
          %parallel_loop3A_125 = arith.muli %parallel_loop3A_119, %parallel_loop3A_124 : i32
          %parallel_loop3A_126 = arith.index_cast %parallel_loop3A_125 : i32 to index
          %parallel_loop3A_127 = tpu.vector_load %arg16[%parallel_loop3A_126] {strides = array<i32>} : memref<10000xf32, #tpu.memory_space<vmem>>, vector<16xf32>,
          %parallel_loop3A_128 = arith.constant 16383 : i32
          %parallel_loop3A_129 = vector.broadcast %parallel_loop3A_128 : i32 to vector<16xi32>
          %parallel_loop3A_130 = arith.andi %parallel_loop3A_123, %parallel_loop3A_129 : vector<16xi32>
          %parallel_loop3A_131 = arith.constant 14 : i32
          %parallel_loop3A_132 = vector.broadcast %parallel_loop3A_131 : i32 to vector<16xi32>
          %parallel_loop3A_133 = arith.shrui %parallel_loop3A_123, %parallel_loop3A_132 : vector<16xi32>
          %parallel_loop3A_134 = tpu.vector_load_idx %arg7[%parallel_loop3A_130] : memref<10000xf32, #tpu.memory_space<vmem>>[vector<16xi32>], vector<16xf32>,
          %parallel_loop3A_135 = arith.mulf %parallel_loop3A_134, %parallel_loop3A_127 : vector<16xf32>
          tpu.vector_store_idx %arg11[%parallel_loop3A_133], %parallel_loop3A_135 {add = true} : memref<10000xf32, #tpu.memory_space<vmem>>[vector<16xi32>], vector<16xf32>,
          %parallel_loop3A_136 = tpu.vector_load_idx %arg8[%parallel_loop3A_130] : memref<10000xf32, #tpu.memory_space<vmem>>[vector<16xi32>], vector<16xf32>,
          %parallel_loop3A_137 = arith.mulf %parallel_loop3A_136, %parallel_loop3A_127 : vector<16xf32>
          tpu.vector_store_idx %arg12[%parallel_loop3A_133], %parallel_loop3A_137 {add = true} : memref<10000xf32, #tpu.memory_space<vmem>>[vector<16xi32>], vector<16xf32>,
        } {sc.loop_unroll_factor = 2 : i64, sc.parallel_access}
        %add3A_95 = arith.constant 1 : i32
        %add3A_96 = arith.addi %scan3A_85, %add3A_95 : i32
        %lt3A = arith.constant 16 : i32
        %lt3A_97 = arith.cmpi slt, %add3A_96, %lt3A : i32
        %convert_element_type3A_98 = arith.extui %lt3A_97 : i1 to i32
        %cond3A_99 = arith.constant 0 : i32
        %cond3A_100 = arith.cmpi ne, %convert_element_type3A_98, %cond3A_99 : i32
        scf.if %cond3A_100 {
          %add3A_119 = arith.constant 20000 : i32
          %add3A_120 = arith.addi %mul3A_87, %add3A_119 : i32
          %dma_start3A_121 = tpu.memref_slice %arg3[%add3A_120] : memref<320000xi32, #tpu.memory_space<hbm>> -> memref<10000xi32, #tpu.memory_space<hbm>>
          %dma_start3A_122 = tpu.memref_slice %arg3[%add3A_120] : memref<320000xi32, #tpu.memory_space<hbm>> -> memref<10000xi32, #tpu.memory_space<hbm>>
          tpu.enqueue_dma source(%dma_start3A_122 : memref<10000xi32, #tpu.memory_space<hbm>>) target(%arg14 : memref<10000xi32, #tpu.memory_space<vmem>>) target_semaphore(%arg18 : memref<!tpu.dma_semaphore, #tpu.memory_space<semaphore_mem>>)
          %add3A_123 = arith.constant 20000 : i32
          %add3A_124 = arith.addi %mul3A_87, %add3A_123 : i32
          %dma_start3A_125 = tpu.memref_slice %arg5[%add3A_124] : memref<320000xf32, #tpu.memory_space<hbm>> -> memref<10000xf32, #tpu.memory_space<hbm>>
          %dma_start3A_126 = tpu.memref_slice %arg5[%add3A_124] : memref<320000xf32, #tpu.memory_space<hbm>> -> memref<10000xf32, #tpu.memory_space<hbm>>
          tpu.enqueue_dma source(%dma_start3A_126 : memref<10000xf32, #tpu.memory_space<hbm>>) target(%arg16 : memref<10000xf32, #tpu.memory_space<vmem>>) target_semaphore(%arg20 : memref<!tpu.dma_semaphore, #tpu.memory_space<semaphore_mem>>)
        } else {
        }
        %add3A_101 = arith.constant 10000 : i32
        %add3A_102 = arith.addi %mul3A_87, %add3A_101 : i32
        %dma_wait3A_103 = tpu.memref_slice %arg3[%add3A_102] : memref<320000xi32, #tpu.memory_space<hbm>> -> memref<10000xi32, #tpu.memory_space<hbm>>
        %dma_wait3A_104 = tpu.memref_slice %arg3[%add3A_102] : memref<320000xi32, #tpu.memory_space<hbm>> -> memref<10000xi32, #tpu.memory_space<hbm>>
        tpu.wait_dma2 semaphore(%arg19 : memref<!tpu.dma_semaphore, #tpu.memory_space<semaphore_mem>>) src(%dma_wait3A_104 : memref<10000xi32, #tpu.memory_space<hbm>>) dst(%arg15 : memref<10000xi32, #tpu.memory_space<vmem>>)
        %add3A_105 = arith.constant 10000 : i32
        %add3A_106 = arith.addi %mul3A_87, %add3A_105 : i32
        %dma_wait3A_107 = tpu.memref_slice %arg5[%add3A_106] : memref<320000xf32, #tpu.memory_space<hbm>> -> memref<10000xf32, #tpu.memory_space<hbm>>
        %dma_wait3A_108 = tpu.memref_slice %arg5[%add3A_106] : memref<320000xf32, #tpu.memory_space<hbm>> -> memref<10000xf32, #tpu.memory_space<hbm>>
        tpu.wait_dma2 semaphore(%arg21 : memref<!tpu.dma_semaphore, #tpu.memory_space<semaphore_mem>>) src(%dma_wait3A_108 : memref<10000xf32, #tpu.memory_space<hbm>>) dst(%arg17 : memref<10000xf32, #tpu.memory_space<vmem>>)
        %parallel_loop3A_109 = arith.constant 0 : i32
        %parallel_loop3A_110 = arith.constant 625 : i32
        %parallel_loop3A_111 = arith.constant 1 : i32
        scf.for %parallel_loop3A_119 = %parallel_loop3A_109 to %parallel_loop3A_110 step %parallel_loop3A_111  : i32 {
          %parallel_loop3A_120 = arith.constant 16 : i32
          %parallel_loop3A_121 = arith.muli %parallel_loop3A_119, %parallel_loop3A_120 : i32
          %parallel_loop3A_122 = arith.index_cast %parallel_loop3A_121 : i32 to index
          %parallel_loop3A_123 = tpu.vector_load %arg15[%parallel_loop3A_122] {strides = array<i32>} : memref<10000xi32, #tpu.memory_space<vmem>>, vector<16xi32>,
          %parallel_loop3A_124 = arith.constant 16 : i32
          %parallel_loop3A_125 = arith.muli %parallel_loop3A_119, %parallel_loop3A_124 : i32
          %parallel_loop3A_126 = arith.index_cast %parallel_loop3A_125 : i32 to index
          %parallel_loop3A_127 = tpu.vector_load %arg17[%parallel_loop3A_126] {strides = array<i32>} : memref<10000xf32, #tpu.memory_space<vmem>>, vector<16xf32>,
          %parallel_loop3A_128 = arith.constant 16383 : i32
          %parallel_loop3A_129 = vector.broadcast %parallel_loop3A_128 : i32 to vector<16xi32>
          %parallel_loop3A_130 = arith.andi %parallel_loop3A_123, %parallel_loop3A_129 : vector<16xi32>
          %parallel_loop3A_131 = arith.constant 14 : i32
          %parallel_loop3A_132 = vector.broadcast %parallel_loop3A_131 : i32 to vector<16xi32>
          %parallel_loop3A_133 = arith.shrui %parallel_loop3A_123, %parallel_loop3A_132 : vector<16xi32>
          %parallel_loop3A_134 = tpu.vector_load_idx %arg7[%parallel_loop3A_130] : memref<10000xf32, #tpu.memory_space<vmem>>[vector<16xi32>], vector<16xf32>,
          %parallel_loop3A_135 = arith.mulf %parallel_loop3A_134, %parallel_loop3A_127 : vector<16xf32>
          tpu.vector_store_idx %arg11[%parallel_loop3A_133], %parallel_loop3A_135 {add = true} : memref<10000xf32, #tpu.memory_space<vmem>>[vector<16xi32>], vector<16xf32>,
          %parallel_loop3A_136 = tpu.vector_load_idx %arg8[%parallel_loop3A_130] : memref<10000xf32, #tpu.memory_space<vmem>>[vector<16xi32>], vector<16xf32>,
          %parallel_loop3A_137 = arith.mulf %parallel_loop3A_136, %parallel_loop3A_127 : vector<16xf32>
          tpu.vector_store_idx %arg12[%parallel_loop3A_133], %parallel_loop3A_137 {add = true} : memref<10000xf32, #tpu.memory_space<vmem>>[vector<16xi32>], vector<16xf32>,
        } {sc.loop_unroll_factor = 2 : i64, sc.parallel_access}
        %add3A_112 = arith.constant 1 : i32
        %add3A_113 = arith.addi %scan3A_85, %add3A_112 : i32
        %lt3A_114 = arith.constant 16 : i32
        %lt3A_115 = arith.cmpi slt, %add3A_113, %lt3A_114 : i32
        %convert_element_type3A_116 = arith.extui %lt3A_115 : i1 to i32
        %cond3A_117 = arith.constant 0 : i32
        %cond3A_118 = arith.cmpi ne, %convert_element_type3A_116, %cond3A_117 : i32
        scf.if %cond3A_118 {
          %add3A_119 = arith.constant 30000 : i32
          %add3A_120 = arith.addi %mul3A_87, %add3A_119 : i32
          %dma_start3A_121 = tpu.memref_slice %arg3[%add3A_120] : memref<320000xi32, #tpu.memory_space<hbm>> -> memref<10000xi32, #tpu.memory_space<hbm>>
          %dma_start3A_122 = tpu.memref_slice %arg3[%add3A_120] : memref<320000xi32, #tpu.memory_space<hbm>> -> memref<10000xi32, #tpu.memory_space<hbm>>
          tpu.enqueue_dma source(%dma_start3A_122 : memref<10000xi32, #tpu.memory_space<hbm>>) target(%arg15 : memref<10000xi32, #tpu.memory_space<vmem>>) target_semaphore(%arg19 : memref<!tpu.dma_semaphore, #tpu.memory_space<semaphore_mem>>)
          %add3A_123 = arith.constant 30000 : i32
          %add3A_124 = arith.addi %mul3A_87, %add3A_123 : i32
          %dma_start3A_125 = tpu.memref_slice %arg5[%add3A_124] : memref<320000xf32, #tpu.memory_space<hbm>> -> memref<10000xf32, #tpu.memory_space<hbm>>
          %dma_start3A_126 = tpu.memref_slice %arg5[%add3A_124] : memref<320000xf32, #tpu.memory_space<hbm>> -> memref<10000xf32, #tpu.memory_space<hbm>>
          tpu.enqueue_dma source(%dma_start3A_126 : memref<10000xf32, #tpu.memory_space<hbm>>) target(%arg17 : memref<10000xf32, #tpu.memory_space<vmem>>) target_semaphore(%arg21 : memref<!tpu.dma_semaphore, #tpu.memory_space<semaphore_mem>>)
        } else {
        }
      }
      %scan3A_81 = arith.constant 16 : i32
      %parallel_loop3A_82 = arith.constant 0 : i32
      %parallel_loop3A_83 = arith.constant 625 : i32
      %parallel_loop3A_84 = arith.constant 1 : i32
      scf.for %parallel_loop3A_85 = %parallel_loop3A_82 to %parallel_loop3A_83 step %parallel_loop3A_84  : i32 {
        %parallel_loop3A_86 = arith.constant 16 : i32
        %parallel_loop3A_87 = arith.muli %parallel_loop3A_85, %parallel_loop3A_86 : i32
        %parallel_loop3A_88 = arith.index_cast %parallel_loop3A_87 : i32 to index
        %parallel_loop3A_89 = tpu.vector_load %arg11[%parallel_loop3A_88] {strides = array<i32>} : memref<10000xf32, #tpu.memory_space<vmem>>, vector<16xf32>,
        %parallel_loop3A_90 = arith.constant 0.899999976 : f32
        %parallel_loop3A_91 = vector.broadcast %parallel_loop3A_90 : f32 to vector<16xf32>
        %parallel_loop3A_92 = arith.mulf %parallel_loop3A_91, %parallel_loop3A_89 : vector<16xf32>
        %parallel_loop3A_93 = arith.index_cast %parallel_loop3A_87 : i32 to index
        %parallel_loop3A_94 = tpu.vector_load %arg9[%parallel_loop3A_93] {strides = array<i32>} : memref<10000xf32, #tpu.memory_space<vmem>>, vector<16xf32>,
        %parallel_loop3A_95 = arith.constant 1.000000e-01 : f32
        %parallel_loop3A_96 = vector.broadcast %parallel_loop3A_95 : f32 to vector<16xf32>
        %parallel_loop3A_97 = arith.mulf %parallel_loop3A_96, %parallel_loop3A_94 : vector<16xf32>
        %parallel_loop3A_98 = arith.addf %parallel_loop3A_92, %parallel_loop3A_97 : vector<16xf32>
        %parallel_loop3A_99 = arith.index_cast %parallel_loop3A_87 : i32 to index
        %parallel_loop3A_100 = tpu.vector_load %arg7[%parallel_loop3A_99] {strides = array<i32>} : memref<10000xf32, #tpu.memory_space<vmem>>, vector<16xf32>,
        tpu.vector_store %arg7[%parallel_loop3A_99], %parallel_loop3A_98 {strides = array<i32>} : memref<10000xf32, #tpu.memory_space<vmem>>, vector<16xf32>,
        %parallel_loop3A_101 = arith.index_cast %parallel_loop3A_87 : i32 to index
        %parallel_loop3A_102 = tpu.vector_load %arg12[%parallel_loop3A_101] {strides = array<i32>} : memref<10000xf32, #tpu.memory_space<vmem>>, vector<16xf32>,
        %parallel_loop3A_103 = arith.constant 0.899999976 : f32
        %parallel_loop3A_104 = vector.broadcast %parallel_loop3A_103 : f32 to vector<16xf32>
        %parallel_loop3A_105 = arith.mulf %parallel_loop3A_104, %parallel_loop3A_102 : vector<16xf32>
        %parallel_loop3A_106 = arith.index_cast %parallel_loop3A_87 : i32 to index
        %parallel_loop3A_107 = tpu.vector_load %arg10[%parallel_loop3A_106] {strides = array<i32>} : memref<10000xf32, #tpu.memory_space<vmem>>, vector<16xf32>,
        %parallel_loop3A_108 = arith.constant 1.000000e-01 : f32
        %parallel_loop3A_109 = vector.broadcast %parallel_loop3A_108 : f32 to vector<16xf32>
        %parallel_loop3A_110 = arith.mulf %parallel_loop3A_109, %parallel_loop3A_107 : vector<16xf32>
        %parallel_loop3A_111 = arith.addf %parallel_loop3A_105, %parallel_loop3A_110 : vector<16xf32>
        %parallel_loop3A_112 = arith.index_cast %parallel_loop3A_87 : i32 to index
        %parallel_loop3A_113 = tpu.vector_load %arg8[%parallel_loop3A_112] {strides = array<i32>} : memref<10000xf32, #tpu.memory_space<vmem>>, vector<16xf32>,
        tpu.vector_store %arg8[%parallel_loop3A_112], %parallel_loop3A_111 {strides = array<i32>} : memref<10000xf32, #tpu.memory_space<vmem>>, vector<16xf32>,
      } {sc.loop_unroll_factor = 1 : i64, sc.parallel_access}
    }
    %scan3A_53 = arith.constant 10 : i32
    "tpu.region"() ({
      %run_scoped3A = tpu.sem_alloc : memref<!tpu.dma_semaphore, #tpu.memory_space<semaphore_mem>>
      %dma_start3A_56 = arith.constant 0 : i32
      %dma_start3A_57 = tpu.memref_slice %arg6[%mul3A_2, %dma_start3A_56] : memref<64x10000xf32, #tpu.memory_space<hbm>> -> memref<1x10000xf32, #tpu.memory_space<hbm>>
      %dma_start3A_58 = tpu.memref_squeeze %dma_start3A_57 : memref<1x10000xf32, #tpu.memory_space<hbm>> -> memref<10000xf32, #tpu.memory_space<hbm>>
      %dma_start3A_59 = arith.constant 0 : i32
      %dma_start3A_60 = tpu.memref_slice %arg6[%mul3A_2, %dma_start3A_59] : memref<64x10000xf32, #tpu.memory_space<hbm>> -> memref<1x10000xf32, #tpu.memory_space<hbm>>
      %dma_start3A_61 = tpu.memref_squeeze %dma_start3A_60 : memref<1x10000xf32, #tpu.memory_space<hbm>> -> memref<10000xf32, #tpu.memory_space<hbm>>
      tpu.enqueue_dma source(%arg7 : memref<10000xf32, #tpu.memory_space<vmem>>) target(%dma_start3A_61 : memref<10000xf32, #tpu.memory_space<hbm>>) target_semaphore(%run_scoped3A : memref<!tpu.dma_semaphore, #tpu.memory_space<semaphore_mem>>)
      %dma_wait3A_62 = arith.constant 0 : i32
      %dma_wait3A_63 = tpu.memref_slice %arg6[%mul3A_2, %dma_wait3A_62] : memref<64x10000xf32, #tpu.memory_space<hbm>> -> memref<1x10000xf32, #tpu.memory_space<hbm>>
      %dma_wait3A_64 = tpu.memref_squeeze %dma_wait3A_63 : memref<1x10000xf32, #tpu.memory_space<hbm>> -> memref<10000xf32, #tpu.memory_space<hbm>>
      %dma_wait3A_65 = arith.constant 0 : i32
      %dma_wait3A_66 = tpu.memref_slice %arg6[%mul3A_2, %dma_wait3A_65] : memref<64x10000xf32, #tpu.memory_space<hbm>> -> memref<1x10000xf32, #tpu.memory_space<hbm>>
      %dma_wait3A_67 = tpu.memref_squeeze %dma_wait3A_66 : memref<1x10000xf32, #tpu.memory_space<hbm>> -> memref<10000xf32, #tpu.memory_space<hbm>>
      tpu.wait_dma2 semaphore(%run_scoped3A : memref<!tpu.dma_semaphore, #tpu.memory_space<semaphore_mem>>) src(%arg7 : memref<10000xf32, #tpu.memory_space<vmem>>) dst(%dma_wait3A_67 : memref<10000xf32, #tpu.memory_space<hbm>>)
      tpu.yield
    }) : () -> ()
    %add3A_54 = arith.constant 1 : i32
    %add3A_55 = arith.addi %mul3A_2, %add3A_54 : i32
    "tpu.region"() ({
      %run_scoped3A = tpu.sem_alloc : memref<!tpu.dma_semaphore, #tpu.memory_space<semaphore_mem>>
      %dma_start3A_56 = arith.constant 0 : i32
      %dma_start3A_57 = tpu.memref_slice %arg6[%add3A_55, %dma_start3A_56] : memref<64x10000xf32, #tpu.memory_space<hbm>> -> memref<1x10000xf32, #tpu.memory_space<hbm>>
      %dma_start3A_58 = tpu.memref_squeeze %dma_start3A_57 : memref<1x10000xf32, #tpu.memory_space<hbm>> -> memref<10000xf32, #tpu.memory_space<hbm>>
      %dma_start3A_59 = arith.constant 0 : i32
      %dma_start3A_60 = tpu.memref_slice %arg6[%add3A_55, %dma_start3A_59] : memref<64x10000xf32, #tpu.memory_space<hbm>> -> memref<1x10000xf32, #tpu.memory_space<hbm>>
      %dma_start3A_61 = tpu.memref_squeeze %dma_start3A_60 : memref<1x10000xf32, #tpu.memory_space<hbm>> -> memref<10000xf32, #tpu.memory_space<hbm>>
      tpu.enqueue_dma source(%arg8 : memref<10000xf32, #tpu.memory_space<vmem>>) target(%dma_start3A_61 : memref<10000xf32, #tpu.memory_space<hbm>>) target_semaphore(%run_scoped3A : memref<!tpu.dma_semaphore, #tpu.memory_space<semaphore_mem>>)
      %dma_wait3A_62 = arith.constant 0 : i32
      %dma_wait3A_63 = tpu.memref_slice %arg6[%add3A_55, %dma_wait3A_62] : memref<64x10000xf32, #tpu.memory_space<hbm>> -> memref<1x10000xf32, #tpu.memory_space<hbm>>
      %dma_wait3A_64 = tpu.memref_squeeze %dma_wait3A_63 : memref<1x10000xf32, #tpu.memory_space<hbm>> -> memref<10000xf32, #tpu.memory_space<hbm>>
      %dma_wait3A_65 = arith.constant 0 : i32
      %dma_wait3A_66 = tpu.memref_slice %arg6[%add3A_55, %dma_wait3A_65] : memref<64x10000xf32, #tpu.memory_space<hbm>> -> memref<1x10000xf32, #tpu.memory_space<hbm>>
      %dma_wait3A_67 = tpu.memref_squeeze %dma_wait3A_66 : memref<1x10000xf32, #tpu.memory_space<hbm>> -> memref<10000xf32, #tpu.memory_space<hbm>>
      tpu.wait_dma2 semaphore(%run_scoped3A : memref<!tpu.dma_semaphore, #tpu.memory_space<semaphore_mem>>) src(%arg8 : memref<10000xf32, #tpu.memory_space<vmem>>) dst(%dma_wait3A_67 : memref<10000xf32, #tpu.memory_space<hbm>>)
      tpu.yield
    }) : () -> ()
    return
  }
}

module attributes {stable_mosaic.version = 14 : i64} {
  func.func @_pack_body(%arg0: memref<2x320000xi32, #tpu.memory_space<vmem>>, %arg1: memref<1x320000xi32, #tpu.memory_space<vmem>>) attributes {dimension_semantics = [], scalar_prefetch = 0 : i64, scratch_operands = 0 : i64, tpu.core_type = #tpu.core_type<tc>} {
    %get3A = arith.constant 0 : index
    %get3A_0 = arith.constant 0 : index
    %get3A_1 = vector.load %arg0[%get3A, %get3A_0] : memref<2x320000xi32, #tpu.memory_space<vmem>>, vector<2x320000xi32>
    %slice3A = vector.extract_strided_slice %get3A_1 {offsets = [0, 0], sizes = [1, 320000], strides = [1, 1]} : vector<2x320000xi32> to vector<1x320000xi32>
    %slice3A_2 = vector.extract_strided_slice %get3A_1 {offsets = [1, 0], sizes = [1, 320000], strides = [1, 1]} : vector<2x320000xi32> to vector<1x320000xi32>
    %shift_left3A = arith.constant 14 : i32
    %shift_left3A_3 = vector.broadcast %shift_left3A : i32 to vector<1x320000xi32>
    %shift_left3A_4 = arith.shli %slice3A_2, %shift_left3A_3 : vector<1x320000xi32>
    %add3A = arith.addi %slice3A, %shift_left3A_4 : vector<1x320000xi32>
    %swap3A = arith.constant 0 : index
    %swap3A_5 = arith.constant 0 : index
    %swap3A_6 = vector.load %arg1[%swap3A, %swap3A_5] : memref<1x320000xi32, #tpu.memory_space<vmem>>, vector<1x320000xi32>
    tpu.vector_store %arg1[%swap3A, %swap3A_5], %add3A {strides = array<i32>} : memref<1x320000xi32, #tpu.memory_space<vmem>>, vector<1x320000xi32>,
    return
  }
}

module attributes {stable_mosaic.version = 14 : i64} {
  func.func @_in_proj_body(%arg0: memref<10000x128xf32, #tpu.memory_space<vmem>>, %arg1: memref<128x64xf32, #tpu.memory_space<vmem>>, %arg2: memref<64x1xf32, #tpu.memory_space<vmem>>, %arg3: memref<64x10000xf32, #tpu.memory_space<vmem>>) attributes {dimension_semantics = [], scalar_prefetch = 0 : i64, scratch_operands = 0 : i64, tpu.core_type = #tpu.core_type<tc>} {
    %get3A = arith.constant 0 : index
    %get3A_0 = arith.constant 0 : index
    %get3A_1 = vector.load %arg1[%get3A, %get3A_0] : memref<128x64xf32, #tpu.memory_space<vmem>>, vector<128x64xf32>
    %get3A_2 = arith.constant 0 : index
    %get3A_3 = arith.constant 0 : index
    %get3A_4 = vector.load %arg0[%get3A_2, %get3A_3] : memref<10000x128xf32, #tpu.memory_space<vmem>>, vector<10000x128xf32>
    %dot_general3A = arith.constant dense<0.000000e+00> : vector<64x10000xf32>
    %dot_general3A_5 = tpu.matmul %get3A_1, %get3A_4, %dot_general3A {dimension_numbers = #tpu.dot_dimension_numbers<[0], [1], [1], [0], [0, 1, 1, 0], [], []>, transpose_lhs_hint = false} : vector<128x64xf32>, vector<10000x128xf32>, vector<64x10000xf32> -> vector<64x10000xf32>
    %get3A_6 = arith.constant 0 : index
    %get3A_7 = arith.constant 0 : index
    %get3A_8 = vector.load %arg2[%get3A_6, %get3A_7] : memref<64x1xf32, #tpu.memory_space<vmem>>, vector<64x1xf32>
    %add3A = vector.broadcast %get3A_8 : vector<64x1xf32> to vector<64x10000xf32>
    %add3A_9 = arith.addf %dot_general3A_5, %add3A : vector<64x10000xf32>
    %swap3A = arith.constant 0 : index
    %swap3A_10 = arith.constant 0 : index
    %swap3A_11 = vector.load %arg3[%swap3A, %swap3A_10] : memref<64x10000xf32, #tpu.memory_space<vmem>>, vector<64x10000xf32>
    tpu.vector_store %arg3[%swap3A, %swap3A_10], %add3A_9 {strides = array<i32>} : memref<64x10000xf32, #tpu.memory_space<vmem>>, vector<64x10000xf32>,
    return
  }
}

module attributes {stable_mosaic.version = 14 : i64} {
  func.func @_mlp_body(%arg0: i32, %arg1: memref<10000x1xf32, #tpu.memory_space<vmem>>, %arg2: memref<10000x1xf32, #tpu.memory_space<vmem>>, %arg3: memref<64x7xf32, #tpu.memory_space<vmem>>, %arg4: memref<9x11xf32, #tpu.memory_space<vmem>>, %arg5: memref<1x11xf32, #tpu.memory_space<vmem>>, %arg6: memref<11x1xf32, #tpu.memory_space<vmem>>, %arg7: memref<1x1xf32, #tpu.memory_space<vmem>>, %arg8: memref<10000x1xf32, #tpu.memory_space<vmem>>) attributes {dimension_semantics = [#tpu.dimension_semantics<arbitrary>], iteration_bounds = array<i64: 64>, scalar_prefetch = 0 : i64, scratch_operands = 0 : i64, tpu.core_type = #tpu.core_type<tc>, window_params = [{transform_indices = @transform_0, window_bounds = array<i64: 10000, 1>}, {transform_indices = @transform_1, window_bounds = array<i64: 10000, 1>}, {pipeline_mode = #tpu.pipeline_mode<synchronous>, transform_indices = @transform_2, window_bounds = array<i64: 64, 7>}, {pipeline_mode = #tpu.pipeline_mode<synchronous>, transform_indices = @transform_3, window_bounds = array<i64: 9, 11>}, {pipeline_mode = #tpu.pipeline_mode<synchronous>, transform_indices = @transform_4, window_bounds = array<i64: 1, 11>}, {pipeline_mode = #tpu.pipeline_mode<synchronous>, transform_indices = @transform_5, window_bounds = array<i64: 11, 1>}, {pipeline_mode = #tpu.pipeline_mode<synchronous>, transform_indices = @transform_6, window_bounds = array<i64: 1, 1>}, {transform_indices = @transform_7, window_bounds = array<i64: 10000, 1>}]} {
    %get3A = arith.constant 0 : index
    %get3A_0 = arith.constant 0 : index
    %get3A_1 = vector.load %arg1[%get3A, %get3A_0] : memref<10000x1xf32, #tpu.memory_space<vmem>>, vector<10000x1xf32>
    %get3A_2 = arith.constant 0 : index
    %get3A_3 = arith.constant 0 : index
    %get3A_4 = vector.load %arg2[%get3A_2, %get3A_3] : memref<10000x1xf32, #tpu.memory_space<vmem>>, vector<10000x1xf32>
    %get3A_5 = arith.constant 0 : index
    %get3A_6 = arith.constant 0 : index
    %get3A_7 = vector.load %arg3[%get3A_5, %get3A_6] : memref<64x7xf32, #tpu.memory_space<vmem>>, vector<1x7xf32>
    %broadcast_in_dim3A = vector.shape_cast %get3A_7 : vector<1x7xf32> to vector<1x7xf32>
    %broadcast_in_dim3A_8 = vector.broadcast %broadcast_in_dim3A : vector<1x7xf32> to vector<10000x7xf32>
    %concatenate3A = tpu.concatenate %get3A_1, %get3A_4, %broadcast_in_dim3A_8 in 1 : vector<10000x1xf32>, vector<10000x1xf32>, vector<10000x7xf32> -> vector<10000x9xf32>
    %get3A_9 = arith.constant 0 : index
    %get3A_10 = arith.constant 0 : index
    %get3A_11 = vector.load %arg4[%get3A_9, %get3A_10] : memref<9x11xf32, #tpu.memory_space<vmem>>, vector<9x11xf32>
    %dot_general3A = arith.constant dense<0.000000e+00> : vector<10000x11xf32>
    %dot_general3A_12 = tpu.matmul %concatenate3A, %get3A_11, %dot_general3A {dimension_numbers = #tpu.dot_dimension_numbers<[1], [0], [0], [1], [0, 0, 1, 1], [], []>, transpose_lhs_hint = false} : vector<10000x9xf32>, vector<9x11xf32>, vector<10000x11xf32> -> vector<10000x11xf32>
    %get3A_13 = arith.constant 0 : index
    %get3A_14 = arith.constant 0 : index
    %get3A_15 = vector.load %arg5[%get3A_13, %get3A_14] : memref<1x11xf32, #tpu.memory_space<vmem>>, vector<1x11xf32>
    %add3A = vector.broadcast %get3A_15 : vector<1x11xf32> to vector<10000x11xf32>
    %add3A_16 = arith.addf %dot_general3A_12, %add3A : vector<10000x11xf32>
    %ge3A = arith.constant 0.000000e+00 : f32
    %ge3A_17 = vector.broadcast %ge3A : f32 to vector<10000x11xf32>
    %ge3A_18 = arith.cmpf oge, %add3A_16, %ge3A_17 : vector<10000x11xf32>
    %mul3A = arith.constant 0.00999999977 : f32
    %mul3A_19 = vector.broadcast %mul3A : f32 to vector<10000x11xf32>
    %mul3A_20 = arith.mulf %mul3A_19, %add3A_16 : vector<10000x11xf32>
    %select_n3A = arith.select %ge3A_18, %add3A_16, %mul3A_20 : vector<10000x11xi1>, vector<10000x11xf32>
    %get3A_21 = arith.constant 0 : index
    %get3A_22 = arith.constant 0 : index
    %get3A_23 = vector.load %arg6[%get3A_21, %get3A_22] : memref<11x1xf32, #tpu.memory_space<vmem>>, vector<11x1xf32>
    %dot_general3A_24 = arith.constant dense<0.000000e+00> : vector<10000x1xf32>
    %dot_general3A_25 = tpu.matmul %select_n3A, %get3A_23, %dot_general3A_24 {dimension_numbers = #tpu.dot_dimension_numbers<[1], [0], [0], [1], [0, 0, 1, 1], [], []>, transpose_lhs_hint = false} : vector<10000x11xf32>, vector<11x1xf32>, vector<10000x1xf32> -> vector<10000x1xf32>
    %get3A_26 = arith.constant 0 : index
    %get3A_27 = arith.constant 0 : index
    %get3A_28 = vector.load %arg7[%get3A_26, %get3A_27] : memref<1x1xf32, #tpu.memory_space<vmem>>, vector<1x1xf32>
    %add3A_29 = vector.broadcast %get3A_28 : vector<1x1xf32> to vector<10000x1xf32>
    %add3A_30 = arith.addf %dot_general3A_25, %add3A_29 : vector<10000x1xf32>
    %div3A = arith.constant 2.000000e+00 : f32
    %div3A_31 = vector.broadcast %div3A : f32 to vector<10000x1xf32>
    %div3A_32 = arith.divf %add3A_30, %div3A_31 : vector<10000x1xf32>
    %swap3A = arith.constant 0 : index
    %swap3A_33 = arith.constant 0 : index
    %swap3A_34 = vector.load %arg8[%swap3A, %swap3A_33] : memref<10000x1xf32, #tpu.memory_space<vmem>>, vector<10000x1xf32>
    tpu.vector_store %arg8[%swap3A, %swap3A_33], %div3A_32 {strides = array<i32>} : memref<10000x1xf32, #tpu.memory_space<vmem>>, vector<10000x1xf32>,
    return
  }
  func.func @transform_0(%arg0: i32) -> (i32, i32) {
    %c0_i32 = arith.constant 0 : i32
    %c0_i32_0 = arith.constant 0 : i32
    return %arg0, %c0_i32 : i32, i32
  }
  func.func @transform_1(%arg0: i32) -> (i32, i32) {
    %c0_i32 = arith.constant 0 : i32
    %c0_i32_0 = arith.constant 0 : i32
    return %arg0, %c0_i32 : i32, i32
  }
  func.func @transform_2(%arg0: i32) -> (i32, i32) {
    %c0_i32 = arith.constant 0 : i32
    %c0_i32_0 = arith.constant 0 : i32
    %c0_i32_1 = arith.constant 0 : i32
    return %c0_i32, %c0_i32_0 : i32, i32
  }
  func.func @transform_3(%arg0: i32) -> (i32, i32) {
    %c0_i32 = arith.constant 0 : i32
    %c0_i32_0 = arith.constant 0 : i32
    %c0_i32_1 = arith.constant 0 : i32
    return %c0_i32, %c0_i32_0 : i32, i32
  }
  func.func @transform_4(%arg0: i32) -> (i32, i32) {
    %c0_i32 = arith.constant 0 : i32
    %c0_i32_0 = arith.constant 0 : i32
    %c0_i32_1 = arith.constant 0 : i32
    return %c0_i32, %c0_i32_0 : i32, i32
  }
  func.func @transform_5(%arg0: i32) -> (i32, i32) {
    %c0_i32 = arith.constant 0 : i32
    %c0_i32_0 = arith.constant 0 : i32
    %c0_i32_1 = arith.constant 0 : i32
    return %c0_i32, %c0_i32_0 : i32, i32
  }
  func.func @transform_6(%arg0: i32) -> (i32, i32) {
    %c0_i32 = arith.constant 0 : i32
    %c0_i32_0 = arith.constant 0 : i32
    %c0_i32_1 = arith.constant 0 : i32
    return %c0_i32, %c0_i32_0 : i32, i32
  }
  func.func @transform_7(%arg0: i32) -> (i32, i32) {
    %c0_i32 = arith.constant 0 : i32
    %c0_i32_0 = arith.constant 0 : i32
    return %arg0, %c0_i32 : i32, i32
  }
}

module attributes {stable_mosaic.version = 14 : i64} {
  func.func @_out_proj_body(%arg0: memref<64x10000xf32, #tpu.memory_space<vmem>>, %arg1: memref<64x64xf32, #tpu.memory_space<vmem>>, %arg2: memref<1x64xf32, #tpu.memory_space<vmem>>, %arg3: memref<10000x64xf32, #tpu.memory_space<vmem>>) attributes {dimension_semantics = [], scalar_prefetch = 0 : i64, scratch_operands = 0 : i64, tpu.core_type = #tpu.core_type<tc>} {
    %get3A = arith.constant 0 : index
    %get3A_0 = arith.constant 0 : index
    %get3A_1 = vector.load %arg0[%get3A, %get3A_0] : memref<64x10000xf32, #tpu.memory_space<vmem>>, vector<64x10000xf32>
    %get3A_2 = arith.constant 0 : index
    %get3A_3 = arith.constant 0 : index
    %get3A_4 = vector.load %arg1[%get3A_2, %get3A_3] : memref<64x64xf32, #tpu.memory_space<vmem>>, vector<64x64xf32>
    %dot_general3A = arith.constant dense<0.000000e+00> : vector<10000x64xf32>
    %dot_general3A_5 = tpu.matmul %get3A_1, %get3A_4, %dot_general3A {dimension_numbers = #tpu.dot_dimension_numbers<[0], [0], [1], [1], [0, 1, 1, 1], [], []>, transpose_lhs_hint = false} : vector<64x10000xf32>, vector<64x64xf32>, vector<10000x64xf32> -> vector<10000x64xf32>
    %get3A_6 = arith.constant 0 : index
    %get3A_7 = arith.constant 0 : index
    %get3A_8 = vector.load %arg2[%get3A_6, %get3A_7] : memref<1x64xf32, #tpu.memory_space<vmem>>, vector<1x64xf32>
    %add3A = vector.broadcast %get3A_8 : vector<1x64xf32> to vector<10000x64xf32>
    %add3A_9 = arith.addf %dot_general3A_5, %add3A : vector<10000x64xf32>
    %swap3A = arith.constant 0 : index
    %swap3A_10 = arith.constant 0 : index
    %swap3A_11 = vector.load %arg3[%swap3A, %swap3A_10] : memref<10000x64xf32, #tpu.memory_space<vmem>>, vector<10000x64xf32>
    tpu.vector_store %arg3[%swap3A, %swap3A_10], %add3A_9 {strides = array<i32>} : memref<10000x64xf32, #tpu.memory_space<vmem>>, vector<10000x64xf32>,
    return
  }
}

</mosaic_0001>

<sc_bundles>
// kernel: kernel.11.cloned.1.call-start
scs
__scs_entry_jumppad:
0x0: {  	(pc) =	sbr.rel $0x88, $3  }
0x1: {  	(tag) =	ssettag $0x0;
	lr =	simm.s32 $0x1  }
0x2: {  	[smem:$0x3F96] =	sst lr;
	_ =	strace $0xD0000000  }
0x3: {  	_ = 	snop  }
0x4: {  	_ = 	snop  }
0x5: {  	_ = 	snop  }
0x6: {  	_ = 	snop  }
0x7: {  	_ = 	snop  }
__scs_overlays_trampoline_lowered:
0x8: {  	[smem:$0x3FA5] =	sst s0  }
0x9: {  	[smem:$0x3FA6] =	sst s1  }
0xa: {  	[smem:$0x3FA7] =	sst s2  }
0xb: {  	[smem:$0x3FA8] =	sst s3  }
0xc: {  	[smem:$0x3FA9] =	sst s4  }
0xd: {  	[smem:$0x3FAA] =	sst s5  }
0xe: {  	[smem:$0x3FAB] =	sst s6  }
0xf: {  	[smem:$0x3FAC] =	sst s7  }
0x10: {  	[smem:$0x3FAD] =	sst s8  }
0x11: {  	[smem:$0x3FAE] =	sst s9;
	s0 =	simm.s32 @!p0 $0x0  }
0x12: {  	s1 =	sld [smem:$0x3F94];
	s0 =	simm.s32 @p0 $0x1  }
0x13: {  	[smem:$0x3FAF] =	sst s0;
	s0 =	simm.s32 @!p1 $0x0  }
0x14: {  	s2 =	sld [smem:$0x3F93];
	s0 =	simm.s32 @p1 $0x1  }
0x15: {  	[smem:$0x3FB0] =	sst s0;
	s0 =	simm.s32 @!p2 $0x0  }
0x16: {  	s3 =	sld [smem:$0x3FDB];
	s0 =	simm.s32 @p2 $0x1  }
0x17: {  	s4 =	simm.s32 $0x1BF5;
	[smem:$0x3FB2] =	sst s0  }
0x18: {  	s0 =	sld [smem:$0x3F95];
	_ =	swait.ge [sflag:s4], $0x0  }
0x19: {  	s7 =	sld [smem:$0x3F96]  }
0x1a: {  	s8 =	sadd.s32 $0xFFFFE003, lr  }
0x1b: {  	s9 =	sadd.s32 $0xFFFFFEF7, lr;
	s5 =	simm.s32 $0xFFFFFFFF;
	p2 =	slt.u32 s8, $0xFFFFF086  }
0x1c: {  	p1 =	slt.u32 s9, $0xF7A;
	s5 =	simm.s32 @!p2 $0x0  }
0x1d: {  	s5 =	simm.s32 @p1 $0x1;
	p0 =	seq.s32 s7, s2  }
0x1e: {  	s7 =	smul.u32 @!p0 $0xF7A, s2;
	p2 =	seq.s32 @!p0 s5, $0x0  }
0x1f: {  	s9 =	smul.u32 $0xF7A, s1;
	s8 =	simm.s32 @!p0 $0x1BF5;
	p2 =	por !p2, p0  }
0x20: {  	[sflag:s8] =	ssyncset.s32 @!p0 $0xFFFFF086;
	s6 =	sadd.s32 @!p0 s3, s7;
	s7 =	simm.s32 @!p0 $0x108  }
0x21: {  	s3 =	sadd.s32 s3, s9;
	s6 =	sadd.s32 @!p0 $0x88, s6;
	s7 =	simm.s32 @p2 $0x1082  }
0x22: {  	[simem:s7], [sflag:s8] =	dma.local @!p0 [hbm:s6], $0xF7A  }
0x23: {  	s9 =	sor.u32 $0xD0000000, s2;
	s6 =	simm.s32 $0x108;
	_ =	swait.ge @!p0 [sflag:s8], $0x0  }
0x24: {  	s3 =	sadd.s32 $0x88, s3;
	s6 =	simm.s32 @!p1 $0x1082;
	[sflag:s4] =	ssyncset.s32 $0xFFFFF086  }
0x25: {  	[simem:s6], [sflag:s4] =	dma.local [hbm:s3], $0xF7A  }
0x26: {  	[smem:$0x3F96] =	sst s1;
	(tag) =	ssettag s2;
	_ =	strace s9  }
0x27: {  	s1 =	sld [smem:$0x3FA6]  }
0x28: {  	s2 =	sld [smem:$0x3FA7]  }
0x29: {  	s4 =	sld [smem:$0x3FA9]  }
0x2a: {  	p0 =	seq.s32 s5, $0x0;
	s5 =	sld [smem:$0x3FAA]  }
0x2b: {  	s6 =	sld [smem:$0x3FAB]  }
0x2c: {  	s7 =	sld [smem:$0x3FAC]  }
0x2d: {  	s3 =	simm.s32 $0x108;
	s8 =	sld [smem:$0x3FAD]  }
0x2e: {  	s3 =	simm.s32 @!p0 $0x1082;
	s9 =	sld [smem:$0x3FAE]  }
0x2f: {  	lr =	sadd.s32 s0, s3;
	s0 =	sld [smem:$0x3FA5]  }
0x30: {  	s3 =	sld [smem:$0x3FA8]  }
0x31: {  	[smem:$0x3FB1] =	sst s10  }
0x32: {  	s10 =	sld [smem:$0x3FAF];
	_ =	sdelay $0x3  }
0x33: {  	p0 =	seq.s32 s10, $0x1;
	s10 =	sld [smem:$0x3FB1];
	_ =	sdelay $0x3  }
0x34: {  	[smem:$0x3FB1] =	sst s10  }
0x35: {  	s10 =	sld [smem:$0x3FB0];
	_ =	sdelay $0x3  }
0x36: {  	p1 =	seq.s32 s10, $0x1;
	s10 =	sld [smem:$0x3FB1];
	_ =	sdelay $0x3  }
0x37: {  	[smem:$0x3FB1] =	sst s10  }
0x38: {  	s10 =	sld [smem:$0x3FB2]  }
0x39: {  	_ = 	snop;
	(pc) =	sbr.ind lr, $3  }
0x3a: {  	_ = 	snop  }
0x3b: {  	_ = 	snop  }
0x3c: {  	p2 =	seq.s32 s10, $0x1;
	s10 =	sld [smem:$0x3FB1]  }
0x3d: {  	_ =	shalt  }
0x3e: {  	_ =	shalt  }
0x3f: {  	_ =	shalt  }
0x40: {  	_ =	shalt  }
0x41: {  	_ =	shalt  }
0x42: {  	_ =	shalt  }
0x43: {  	_ =	shalt  }
0x44: {  	_ =	shalt  }
0x45: {  	_ =	shalt  }
0x46: {  	_ =	shalt  }
0x47: {  	_ =	shalt  }
0x48: {  	_ =	shalt  }
0x49: {  	_ =	shalt  }
0x4a: {  	_ =	shalt  }
0x4b: {  	_ =	shalt  }
0x4c: {  	_ =	shalt  }
0x4d: {  	_ =	shalt  }
0x4e: {  	_ =	shalt  }
0x4f: {  	_ =	shalt  }
0x50: {  	_ =	shalt  }
0x51: {  	_ =	shalt  }
0x52: {  	_ =	shalt  }
0x53: {  	_ =	shalt  }
0x54: {  	_ =	shalt  }
0x55: {  	_ =	shalt  }
0x56: {  	_ =	shalt  }
0x57: {  	_ =	shalt  }
0x58: {  	_ =	shalt  }
0x59: {  	_ =	shalt  }
0x5a: {  	_ =	shalt  }
0x5b: {  	_ =	shalt  }
0x5c: {  	_ =	shalt  }
0x5d: {  	_ =	shalt  }
0x5e: {  	_ =	shalt  }
0x5f: {  	_ =	shalt  }
0x60: {  	_ =	shalt  }
0x61: {  	_ =	shalt  }
0x62: {  	_ =	shalt  }
0x63: {  	_ =	shalt  }
0x64: {  	_ =	shalt  }
0x65: {  	_ =	shalt  }
0x66: {  	_ =	shalt  }
0x67: {  	_ =	shalt  }
0x68: {  	_ =	shalt  }
0x69: {  	_ =	shalt  }
0x6a: {  	_ =	shalt  }
0x6b: {  	_ =	shalt  }
0x6c: {  	_ =	shalt  }
0x6d: {  	_ =	shalt  }
0x6e: {  	_ =	shalt  }
0x6f: {  	_ =	shalt  }
0x70: {  	_ =	shalt  }
0x71: {  	_ =	shalt  }
0x72: {  	_ =	shalt  }
0x73: {  	_ =	shalt  }
0x74: {  	_ =	shalt  }
0x75: {  	_ =	shalt  }
0x76: {  	_ =	shalt  }
0x77: {  	_ =	shalt  }
0x78: {  	_ =	shalt  }
0x79: {  	_ =	shalt  }
0x7a: {  	_ =	shalt  }
0x7b: {  	_ =	shalt  }
0x7c: {  	_ =	shalt  }
0x7d: {  	_ =	shalt  }
0x7e: {  	_ =	shalt  }
0x7f: {  	_ =	shalt  }
0x80: {  	_ =	shalt  }
0x81: {  	_ =	shalt  }
0x82: {  	_ =	shalt  }
0x83: {  	_ =	shalt  }
0x84: {  	_ =	shalt  }
0x85: {  	_ =	shalt  }
0x86: {  	_ =	shalt  }
0x87: {  	_ =	shalt  }
.Lfunc_end0:
.L_simem_size_0:
called_computation.1_lowered:
.L_overlay_start_0:
0x88: {  	s2 =	sld [smem:$0x3FD9]  }
0x89: {  	s3 =	sld [smem:$0x3FFE];
	_ =	sdelay $0x1  }
0x8a: {  	s1 =	srdreg.scid  }
0x8b: {  	s0 =	sand.u32 $0x1, s1  }
0x8c: {  	s17 =	sshll.u32 s0, $0xA;
	s2 =	sadd.s32 s3, s2  }
0x8d: {  	s2 =	sadd.s32 s2, s17  }
0x8e: {  	[smem:$0x3FBD] =	sst s2  }
0x8f: {  	_ = 	snop  }
0x90: {  	s2 =	sld [smem:$0x3FD0];
	(tm) =	ssettm $0x1  }
0x91: {  	s18 =	sld [smem:$0x3FFB];
	_ =	sdelay $0x3  }
0x92: {  	_ =	strace s18  }
0x93: {  	s3 =	sld [smem:$0x3FFC];
	_ =	sdelay $0x3  }
0x94: {  	_ =	strace s3  }
0x95: {  	s3 =	sld [smem:$0x3FFD];
	_ =	sdelay $0x3  }
0x96: {  	_ =	strace s3  }
0x97: {  	_ =	strace $0x8FFFFFFF  }
0x98: {  	s19 =	sld [smem:$0x3FDB];
	_ =	sdelay $0x1  }
0x99: {  	s4 =	simm.s32 $_scs_section_size  }
0x9a: {  	s5 =	simm.s32 $_size__tile_overlayer_lowered;
	s6 =	simm.s32 $_tile_overlayer_lowered  }
0x9b: {  	s22 =	simm.s32 $0x1BFF;
	s21 =	sshll.u32 s6, $0x1;
	s3 =	sadd.s32 s4, s19  }
0x9c: {  	s7 =	simm.s32 $0x0;
	s20 =	sshll.u32 s5, $0x1;
	s5 =	sadd.s32 s21, s3  }
0x9d: {  	[timem:s7], [sflag:s22] =	dma.local [hbm:s5], s20  }
0x9e: {  	_ =	swait.ge [sflag:s22], s20  }
0x9f: {  	s4 =	ssub.s32 $0x0, s20;
	[sflag:s22] =	ssyncset.done $0x0  }
0xa0: {  	[sflag:s22] =	ssyncadd.s32 s4;
	_ =	sdelay $0x1  }
0xa1: {  	s23 =	simm.s32 $0x1B8B  }
0xa2: {  	_ =	swait.ge [sflag:s23], $0x1  }
0xa3: {  	[sflag:s23] =	ssyncset.done $0x0  }
0xa4: {  	s25 =	simm.s32 $0x1B8E;
	s24 =	sld [smem:$0x3FFE];
	[sflag:s23] =	ssyncadd.s32 $0xFFFFFFFF  }
0xa5: {  	s26 =	simm.s32 $execute0_lowered;
	[smem:$0x3FD2] =	sst s25  }
0xa6: {  	s5 =	sshll.u32 s26, $0x1;
	_ =	strace $0x80000049;
	[dreg:$0x1] =	wrdreg $0xFFFFFFFF  }
0xa7: {  	s28 =	simm.s32 $_size_execute0_lowered;
	s3 =	sadd.s32 s3, s5;
	[dreg:$0x0] =	wrdreg $0x0  }
0xa8: {  	s5 =	sshll.u32 s28, $0x1;
	[dreg:$0x2] =	wrdreg s3  }
0xa9: {  	[dreg:$0x3] =	wrdreg s5  }
0xaa: {  	[dreg:$0x4] =	wrdreg $0xC0  }
0xab: {  	_ =	task [dreg:s7], $0x5FFFF  }
0xac: {  	[dreg:$0x1] =	wrdreg $0xFFFFFFFF  }
0xad: {  	[dreg:$0x0] =	wrdreg $0x60  }
0xae: {  	[dreg:$0x2] =	wrdreg s2  }
0xaf: {  	[dreg:$0x3] =	wrdreg s24  }
0xb0: {  	[dreg:$0x4] =	wrdreg $0x9  }
0xb1: {  	_ =	task.clear_ibuf [dreg:s7], $0x5FFFF;
	_ =	strace $0x90000049  }
0xb2: {  	s29 =	simm.s32 $0x9;
	_ =	strace $0x8000004B  }
0xb3: {  	_ =	swait.ge [sflag:s29], $0x1  }
0xb4: {  	[sflag:s29] =	ssyncadd.s32 $0xFFFFFFFF  }
0xb5: {  	_ =	strace $0x9000004B  }
0xb6: {  	_ =	sfence  }
0xb7: {  	s30 =	sld [smem:$0x0];
	_ =	sdelay $0x2  }
0xb8: {  	s31 =	sshll.u32 s1, $0xD;
	s1 =	sshrl.u32 s1, $0x2  }
0xb9: {  	s3 =	sand.u32 $0x4000, s31;
	s1 =	sadd.s32 s1, s30  }
0xba: {  	s0 =	sor.u32 s3, s0;
	s1 =	sshll.u32 s1, $0x11  }
0xbb: {  	s0 =	sor.u32 s1, s0  }
0xbc: {  	s0 =	sadd.s32 $0x8F2B, s0  }
0xbd: {  	[sflag:s0] =	ssyncadd.remote.s32 $0x1  }
0xbe: {  	_ =	sfence.sel $0xFFFF  }
0xbf: {  	[dreg:$0x0] =	wrdreg $0xFFFFFFFF;
	(pc) =	sbr.abs _section_cstart, $3  }
0xc0: {  	[dreg:$0x1] =	wrdreg $0xFFFFFFFF  }
0xc1: {  	_ =	task.clear_ibuf [dreg:s7], $0x2FFFF;
	_ =	strace $0x9FFFFFFF  }
0xc2: {  	(tm) =	ssettm $0x7FFFFFFF  }
0xc3: {  	_ =	shalt  }
tec
execute0_lowered:
.L_overlay_start_1:
0x0: {  	(tag) =	ssettag $0x1  }
0x1: {  	s0 =	rddreg [dreg:$0x0]  }
0x2: {  	s1 =	rddreg [dreg:$0x1];
	s2 =	simm.s32 $0x0  }
0x3: {  	s3 =	srdreg.scid;
	s5 =	stileid.u32;
	s13 =	simm.s32 $0x80  }
0x4: {  	s14 =	simm.s32 $0x400;
	s15 =	simm.s32 $0x5;
	s16 =	simm.s32 $0x2780  }
0x5: {  	s20 =	simm.s32 $0x11480;
	s21 =	simm.s32 $0x13C00;
	s22 =	simm.s32 $0x16380  }
0x6: {  	s28 =	simm.s32 $0xC580;
	s29 =	simm.s32 $0x2;
	s30 =	simm.s32 $0x4  }
0x7: {  	s31 =	simm.s32 $0x0;
	[smem:$0x7FF] =	sst s2;
	s4 =	sand.u32 $0x1, s3  }
0x8: {  	s23 =	sshll.u32 s5, $0x9;
	s5 =	sshrl.u32 s5, $0x1;
	s3 =	sadd.s32 $0x1800, s1  }
0x9: {  	s8 =	sadd.s32 $0x1F200, s1;
	s11 =	sadd.s32 $0xB600, s1;
	s9 =	sadd.s32 $0x1FCE2, s1  }
0xa: {  	_ =	strace $0x8000004A;
	s6 =	sshll.u32 s4, $0x8;
	s7 =	smul.u32 $0x13C00, s5  }
0xb: {  	s24 =	sand.u32 $0x200, s23;
	[dreg:$0x3] =	wrdreg s8;
	s5 =	sadd.s32 $0x1F800, s1  }
0xc: {  	s4 =	ssub.s32 $0x2, s4;
	s8 =	sadd.s32 $0x1CE2, s1;
	s6 =	sor.u32 s6, s24  }
0xd: {  	s23 =	simm.s32 $0x18B00;
	s25 =	sshrl.u32 s4, $0x1;
	s6 =	sor.u32 s7, s6  }
0xe: {  	s24 =	simm.s32 $0x1;
	s4 =	ssub.s32 s4, s25;
	s10 =	sshrl.u32 s6, $0x3  }
0xf: {  	s25 =	simm.s32 $0x3;
	s12 =	sor.u32 $0x10, s10;
	s26 =	sadd.s32 s11, s10  }
0x10: {  	s6 =	sadd.s32 s0, s10;
	s7 =	sadd.s32 s0, s12;
	[dreg:$0x4] =	wrdreg s26  }
0x11: {  	s11 =	sadd.s32 s11, s12;
	s12 =	smax.u32 s4, $0x1;
	s26 =	simm.s32 $0x9E00  }
.LBB2_1:
0x12: {  	[tilespmem:s2], [sflag:$0x5] =	stream.strided.gather [hbm4b:s6+s13], $0x2780, s14, s13, $0x38;
	[tilespmem:$0x1B280] =	vst v63  }
0x13: {  	_ =	swait.ge [sflag:s15], $0x2780  }
0x14: {  	[sflag:s15] =	ssyncset.done $0x0  }
0x15: {  	[sflag:s15] =	ssyncadd.s32 $0xFFFFD880  }
0x16: {  	[tilespmem:s16], [sflag:$0x5] =	stream.strided.gather [hbm4b:s7+s13], $0x2780, s14, s13, $0x38;
	[tilespmem:$0x1B280] =	vst v63  }
0x17: {  	_ =	swait.ge [sflag:s15], $0x2780  }
0x18: {  	[sflag:s15] =	ssyncset.done $0x0  }
0x19: {  	s0 =	simm.s32 $0x4F00;
	[sflag:s15] =	ssyncadd.s32 $0xFFFFD880  }
0x1a: {  	[tilespmem:s0], [sflag:$0x5] =	stream.strided.gather [hbm4b:s6+s13], $0x2780, s14, s13, $0x38;
	[tilespmem:$0x1B280] =	vst v63  }
0x1b: {  	_ =	swait.ge [sflag:s15], $0x2780  }
0x1c: {  	[sflag:s15] =	ssyncset.done $0x0  }
0x1d: {  	s18 =	simm.s32 $0x7680;
	[sflag:s15] =	ssyncadd.s32 $0xFFFFD880  }
0x1e: {  	[tilespmem:s18], [sflag:$0x5] =	stream.strided.gather [hbm4b:s7+s13], $0x2780, s14, s13, $0x38;
	[tilespmem:$0x1B280] =	vst v63  }
0x1f: {  	_ =	swait.ge [sflag:s15], $0x2780  }
0x20: {  	[sflag:s15] =	ssyncset.done $0x0  }
0x21: {  	s1 =	simm.s32 $0xED00;
	s19 =	rddreg [dreg:$0x3];
	[sflag:s15] =	ssyncadd.s32 $0xFFFFD880  }
0x22: {  	[tilespmem:s1], [sflag:$0x5] =	stream.linear.gather [hbm4b:s19+s2], $0x2780, $0x38;
	[tilespmem:$0x1B280] =	vst v63  }
0x23: {  	_ =	swait.ge [sflag:s15], $0x2780  }
0x24: {  	[sflag:s15] =	ssyncset.done $0x0  }
0x25: {  	s0 =	simm.s32 $0x0;
	[sflag:s15] =	ssyncadd.s32 $0xFFFFD880  }
.LBB2_2:
0x26: {  	s1 =	simm.s32 $0x0  }
0x27: {  	v1 =	vld [tilespmem:s1+$0xED00]  }
0x28: {  	v0 =	vld [tilespmem:s1+$0x0]  }
0x29: {  	v2 =	vld [tilespmem:s1+$0x2780];
	_ =	sdelay $0x1  }
0x2a: {  	s4 =	simm.s32 $0x40  }
.LBB2_3:
0x2b: {  	s17 =	sshra.s32 s4, $0x2;
	p0 =	sne.s32 s4, $0x9C00;
	s4 =	sadd.s32 $0x40, s4;
	v3 =	vmul.f32 v1, v1  }
.Ltmp0:
0x2c: {  	v1 =	vld [tilespmem:s17+$0xED00];
	(pc) =	sbr.rel @p0 .LBB2_3-.Ltmp0, $4  }
0x2d: {  	v4 =	vmul.f32 v0, v3;
	v0 =	vld [tilespmem:s17+$0x0];
	v3 =	vmul.f32 v2, v3  }
0x2e: {  	v2 =	vld [tilespmem:s17+$0x2780]  }
0x2f: {  	[tilespmem:s1+$0xC580] =	vst v3  }
0x30: {  	[tilespmem:s1+$0x9E00] =	vst v4;
	s1 =	smov.u32 s17  }
0x31: {  	v1 =	vmul.f32 v1, v1;
	_ =	sdelay $0x1  }
0x32: {  	v2 =	vmul.f32 v2, v1  }
0x33: {  	v0 =	vmul.f32 v0, v1  }
0x34: {  	[tilespmem:s1+$0xC580] =	vst v2  }
0x35: {  	[tilespmem:s1+$0x9E00] =	vst v0;
	s1 =	simm.s32 $0x0  }
0x36: {  	[tilespmem:s20], [sflag:$0x1] =	stream.linear.gather [hbm4b:s3+s1], $0x2710, $0x38;
	[tilespmem:$0x1B280] =	vst v63  }
0x37: {  	_ = 	snop  }
0x38: {  	[tilespmem:s21], [sflag:$0x2] =	stream.linear.gather [hbm4b:s8+s1], $0x2710, $0x38;
	[tilespmem:$0x1B280] =	vst v63  }
0x39: {  	_ = 	snop  }
0x3a: {  	[tilespmem:s22], [sflag:$0x3] =	stream.linear.gather [hbm4b:s5+s1], $0x2710, $0x38;
	[tilespmem:$0x1B280] =	vst v63  }
0x3b: {  	_ = 	snop  }
0x3c: {  	[tilespmem:s23], [sflag:$0x4] =	stream.linear.gather [hbm4b:s9+s1], $0x2710, $0x38;
	[tilespmem:$0x1B280] =	vst v63  }
.LBB2_5:
0x3d: {  	_ =	swait.ge [sflag:s24], $0x2710  }
0x3e: {  	[sflag:s24] =	ssyncset.done $0x0  }
0x3f: {  	[sflag:s24] =	ssyncadd.s32 $0xFFFFD8F0  }
0x40: {  	_ =	swait.ge [sflag:s25], $0x2710  }
0x41: {  	[sflag:s25] =	ssyncset.done $0x0  }
0x42: {  	s4 =	simm.s32 $0x11490;
	[sflag:s25] =	ssyncadd.s32 $0xFFFFD8F0  }
0x43: {  	v0 =	vld [tilespmem:s4+$0x0];
	_ =	sdelay $0x4  }
0x44: {  	v1 =	vand.u32 $0x3FFF, v0;
	_ =	sdelay $0x1  }
0x45: {  	s10 =	simm.s32 $0x114B0;
	v3 =	vld [tilespmem:s4+$0xFFFFFFF0]  }
0x46: {  	s17 =	simm.s32 $0x16390;
	v4 =	vld [tilespmem:s10+$0x0]  }
0x47: {  	v5 =	vld [tilespmem:s17+$0x0]  }
0x48: {  	v2 =	vld.idx.msk [tilespmem:v1+s2+$0x0], $0xffff;
	_ =	sdelay $0x1  }
0x49: {  	v8 =	vshrl.u32 v0, $0xE  }
0x4a: {  	v9 =	vld [tilespmem:s10+$0xFFFFFFF0]  }
0x4b: {  	s18 =	simm.s32 $0x163B0;
	v7 =	vand.u32 $0x3FFF, v3  }
0x4c: {  	v6 =	vld [tilespmem:s18+$0x0];
	v11 =	vand.u32 $0x3FFF, v4;
	v2 =	vmul.f32 v2, v5  }
0x4d: {  	v0 =	vld [tilespmem:s17+$0xFFFFFFF0]  }
0x4e: {  	[tilespmem:v8+s26+$0x0] =	vst.idx.add.f32.msk $0xffff, v2  }
0x4f: {  	v2 =	vand.u32 $0x3FFF, v9;
	v13 =	vld.idx.msk [tilespmem:v1+s16+$0x0], $0xffff  }
0x50: {  	v12 =	vld.idx.msk [tilespmem:v7+s2+$0x0], $0xffff  }
0x51: {  	s19 =	simm.s32 $0x114D0;
	v14 =	vld.idx.msk [tilespmem:v11+s2+$0x0], $0xffff  }
0x52: {  	v10 =	vld [tilespmem:s19+$0x0];
	v1 =	vshrl.u32 v3, $0xE  }
0x53: {  	v16 =	vld [tilespmem:s19+$0xFFFFFFF0];
	v3 =	vshrl.u32 v4, $0xE  }
0x54: {  	v4 =	vmul.f32 v13, v5;
	v13 =	vld.idx.msk [tilespmem:v2+s2+$0x0], $0xffff  }
0x55: {  	v12 =	vmul.f32 v12, v0;
	v5 =	vld [tilespmem:s18+$0xFFFFFFF0]  }
0x56: {  	[tilespmem:v8+s28+$0x0] =	vst.idx.add.f32.msk $0xffff, v4;
	v4 =	vmul.f32 v14, v6  }
0x57: {  	[tilespmem:v1+s26+$0x0] =	vst.idx.add.f32.msk $0xffff, v12;
	v8 =	vand.u32 $0x3FFF, v10  }
0x58: {  	[tilespmem:v3+s26+$0x0] =	vst.idx.add.f32.msk $0xffff, v4  }
0x59: {  	v11 =	vld.idx.msk [tilespmem:v11+s16+$0x0], $0xffff  }
0x5a: {  	s17 =	simm.s32 $0x163D0;
	v12 =	vld.idx.msk [tilespmem:v7+s16+$0x0], $0xffff;
	v4 =	vshrl.u32 v9, $0xE;
	v9 =	vand.u32 $0x3FFF, v16  }
0x5b: {  	v14 =	vld [tilespmem:s17+$0x0]  }
0x5c: {  	s19 =	simm.s32 $0x114F0;
	s18 =	simm.s32 $0x4;
	v7 =	vshrl.u32 v16, $0xE;
	v13 =	vmul.f32 v13, v5;
	v15 =	vld.idx.msk [tilespmem:v8+s2+$0x0], $0xffff  }
.LBB2_6:
0x5d: {  	v16 =	vld [tilespmem:s19+$0x0];
	s18 =	sadd.s32 $0x2, s18  }
0x5e: {  	v18 =	vshrl.u32 v10, $0xE;
	v10 =	vmul.f32 v11, v6;
	v17 =	vld [tilespmem:s19+$0xFFFFFFF0];
	p0 =	slt.u32 s18, $0x26E  }
0x5f: {  	v20 =	vmul.f32 v12, v0;
	v0 =	vmov v5;
	v19 =	vld.idx.msk [tilespmem:v9+s2+$0x0], $0xffff  }
0x60: {  	[tilespmem:v3+s28+$0x0] =	vst.idx.add.f32.msk $0xffff, v10;
	v3 =	vmov v18  }
0x61: {  	v5 =	vld [tilespmem:s17+$0xFFFFFFF0];
	v11 =	vmul.f32 v15, v14;
	v6 =	vmov v14  }
0x62: {  	v14 =	vand.u32 $0x3FFF, v16;
	[tilespmem:v4+s26+$0x0] =	vst.idx.add.f32.msk $0xffff, v13;
	v10 =	vmov v16  }
0x63: {  	v15 =	vshrl.u32 v17, $0xE;
	v13 =	vand.u32 $0x3FFF, v17;
	[tilespmem:v18+s26+$0x0] =	vst.idx.add.f32.msk $0xffff, v11  }
.Ltmp1:
0x64: {  	v11 =	vld.idx.msk [tilespmem:v8+s16+$0x0], $0xffff;
	v8 =	vmov v14;
	(pc) =	sbr.rel @p0 .LBB2_6-.Ltmp1, $4  }
0x65: {  	v12 =	vld.idx.msk [tilespmem:v2+s16+$0x0], $0xffff;
	v2 =	vmov v9;
	v9 =	vmov v13  }
0x66: {  	v13 =	vmul.f32 v19, v5;
	[tilespmem:v1+s28+$0x0] =	vst.idx.add.f32.msk $0xffff, v20;
	v1 =	vmovc v4;
	v4 =	vmov v7;
	v7 =	vmov v15  }
0x67: {  	s17 =	sadd.s32 $0x20, s17;
	v15 =	vld.idx.msk [tilespmem:v14+s2+$0x0], $0xffff  }
0x68: {  	s19 =	sadd.s32 $0x20, s19;
	v14 =	vld [tilespmem:s17+$0x0]  }
0x69: {  	_ =	sdelay $0x3  }
0x6a: {  	v16 =	vld.idx.msk [tilespmem:v9+s2+$0x0], $0xffff  }
0x6b: {  	v10 =	vshrl.u32 v10, $0xE;
	v17 =	vld [tilespmem:s17+$0xFFFFFFF0];
	_ =	sdelay $0x2  }
0x6c: {  	[tilespmem:v4+s26+$0x0] =	vst.idx.add.f32.msk $0xffff, v13;
	v15 =	vmul.f32 v15, v14  }
0x6d: {  	v2 =	vld.idx.msk [tilespmem:v2+s16+$0x0], $0xffff  }
0x6e: {  	v13 =	vmul.f32 v16, v17;
	[tilespmem:v10+s26+$0x0] =	vst.idx.add.f32.msk $0xffff, v15  }
0x6f: {  	v8 =	vld.idx.msk [tilespmem:v8+s16+$0x0], $0xffff  }
0x70: {  	[tilespmem:v7+s26+$0x0] =	vst.idx.add.f32.msk $0xffff, v13  }
0x71: {  	v9 =	vld.idx.msk [tilespmem:v9+s16+$0x0], $0xffff  }
0x72: {  	v0 =	vmul.f32 v12, v0  }
0x73: {  	v6 =	vmul.f32 v11, v6  }
0x74: {  	[tilespmem:v1+s28+$0x0] =	vst.idx.add.f32.msk $0xffff, v0;
	v0 =	vmul.f32 v2, v5  }
0x75: {  	[tilespmem:v3+s28+$0x0] =	vst.idx.add.f32.msk $0xffff, v6;
	v3 =	vmul.f32 v8, v14  }
0x76: {  	[tilespmem:v4+s28+$0x0] =	vst.idx.add.f32.msk $0xffff, v0;
	v1 =	vmul.f32 v9, v17  }
0x77: {  	[tilespmem:v10+s28+$0x0] =	vst.idx.add.f32.msk $0xffff, v3  }
0x78: {  	[tilespmem:v7+s28+$0x0] =	vst.idx.add.f32.msk $0xffff, v1  }
0x79: {  	v0 =	vld [tilespmem:$0x13B80];
	_ =	sdelay $0x4  }
0x7a: {  	v1 =	vand.u32 $0x3FFF, v0;
	_ =	sdelay $0x3  }
0x7b: {  	v2 =	vld [tilespmem:$0x18A80]  }
0x7c: {  	v3 =	vld.idx.msk [tilespmem:v1+s2+$0x0], $0xffff;
	_ =	sdelay $0x1  }
0x7d: {  	v0 =	vshrl.u32 v0, $0xE;
	_ =	sdelay $0x2  }
0x7e: {  	v3 =	vmul.f32 v3, v2;
	_ =	sdelay $0x1  }
0x7f: {  	[tilespmem:v0+s26+$0x0] =	vst.idx.add.f32.msk $0xffff, v3  }
0x80: {  	v1 =	vld.idx.msk [tilespmem:v1+s16+$0x0], $0xffff;
	_ =	sdelay $0x2  }
0x81: {  	s4 =	smul.u32 $0x4E20, s1  }
0x82: {  	p0 =	seq.s32 s1, $0xF  }
0x83: {  	s17 =	sshrl.u32 @!p0 s4, $0x3;
	v1 =	vmul.f32 v1, v2  }
0x84: {  	s4 =	sadd.s32 @!p0 $0x9C4, s17  }
0x85: {  	s19 =	simm.s32 @!p0 $0x0;
	s10 =	simm.s32 @!p0 $0x11480;
	s18 =	sadd.s32 @!p0 s3, s4;
	[tilespmem:v0+s28+$0x0] =	vst.idx.add.f32.msk $0xffff, v1  }
0x86: {  	[tilespmem:s10], [sflag:$0x1] =	stream.linear.gather @!p0 [hbm4b:s18+s19], $0x2710, $0x38;
	[tilespmem:$0x1B280] =	vst v63  }
0x87: {  	s4 =	sadd.s32 @!p0 s5, s4;
	s10 =	simm.s32 @!p0 $0x16380  }
0x88: {  	[tilespmem:s10], [sflag:$0x3] =	stream.linear.gather @!p0 [hbm4b:s4+s19], $0x2710, $0x38;
	[tilespmem:$0x1B280] =	vst v63  }
0x89: {  	_ =	swait.ge [sflag:s29], $0x2710  }
0x8a: {  	[sflag:s29] =	ssyncset.done $0x0  }
0x8b: {  	[sflag:s29] =	ssyncadd.s32 $0xFFFFD8F0  }
0x8c: {  	_ =	swait.ge [sflag:s30], $0x2710  }
0x8d: {  	[sflag:s30] =	ssyncset.done $0x0  }
0x8e: {  	s10 =	simm.s32 $0x13C10;
	[sflag:s30] =	ssyncadd.s32 $0xFFFFD8F0  }
0x8f: {  	v0 =	vld [tilespmem:s10+$0x0];
	_ =	sdelay $0x4  }
0x90: {  	v1 =	vand.u32 $0x3FFF, v0;
	_ =	sdelay $0x1  }
0x91: {  	s18 =	simm.s32 $0x13C30;
	v3 =	vld [tilespmem:s10+$0xFFFFFFF0]  }
0x92: {  	s19 =	simm.s32 $0x18B10;
	v4 =	vld [tilespmem:s18+$0x0]  }
0x93: {  	v5 =	vld [tilespmem:s19+$0x0]  }
0x94: {  	v2 =	vld.idx.msk [tilespmem:v1+s2+$0x0], $0xffff;
	_ =	sdelay $0x1  }
0x95: {  	v8 =	vshrl.u32 v0, $0xE  }
0x96: {  	v9 =	vld [tilespmem:s18+$0xFFFFFFF0]  }
0x97: {  	s18 =	simm.s32 $0x18B30;
	v7 =	vand.u32 $0x3FFF, v3  }
0x98: {  	v6 =	vld [tilespmem:s18+$0x0];
	v11 =	vand.u32 $0x3FFF, v4;
	v2 =	vmul.f32 v2, v5  }
0x99: {  	v0 =	vld [tilespmem:s19+$0xFFFFFFF0]  }
0x9a: {  	[tilespmem:v8+s26+$0x0] =	vst.idx.add.f32.msk $0xffff, v2  }
0x9b: {  	v2 =	vand.u32 $0x3FFF, v9;
	v13 =	vld.idx.msk [tilespmem:v1+s16+$0x0], $0xffff  }
0x9c: {  	v12 =	vld.idx.msk [tilespmem:v7+s2+$0x0], $0xffff  }
0x9d: {  	s19 =	simm.s32 $0x13C50;
	v14 =	vld.idx.msk [tilespmem:v11+s2+$0x0], $0xffff  }
0x9e: {  	v10 =	vld [tilespmem:s19+$0x0];
	v1 =	vshrl.u32 v3, $0xE  }
0x9f: {  	v16 =	vld [tilespmem:s19+$0xFFFFFFF0];
	v3 =	vshrl.u32 v4, $0xE  }
0xa0: {  	v4 =	vmul.f32 v13, v5;
	v13 =	vld.idx.msk [tilespmem:v2+s2+$0x0], $0xffff  }
0xa1: {  	v12 =	vmul.f32 v12, v0;
	v5 =	vld [tilespmem:s18+$0xFFFFFFF0]  }
0xa2: {  	[tilespmem:v8+s28+$0x0] =	vst.idx.add.f32.msk $0xffff, v4;
	v4 =	vmul.f32 v14, v6  }
0xa3: {  	[tilespmem:v1+s26+$0x0] =	vst.idx.add.f32.msk $0xffff, v12;
	v8 =	vand.u32 $0x3FFF, v10  }
0xa4: {  	[tilespmem:v3+s26+$0x0] =	vst.idx.add.f32.msk $0xffff, v4  }
0xa5: {  	v11 =	vld.idx.msk [tilespmem:v11+s16+$0x0], $0xffff  }
0xa6: {  	s18 =	simm.s32 $0x18B50;
	v12 =	vld.idx.msk [tilespmem:v7+s16+$0x0], $0xffff;
	v4 =	vshrl.u32 v9, $0xE;
	v9 =	vand.u32 $0x3FFF, v16  }
0xa7: {  	v14 =	vld [tilespmem:s18+$0x0]  }
0xa8: {  	s1 =	sadd.s32 $0x1, s1;
	s4 =	simm.s32 $0x13C70;
	s19 =	simm.s32 $0x4;
	v7 =	vshrl.u32 v16, $0xE;
	v13 =	vmul.f32 v13, v5;
	v15 =	vld.idx.msk [tilespmem:v8+s2+$0x0], $0xffff  }
.LBB2_8:
0xa9: {  	v16 =	vld [tilespmem:s4+$0x0];
	s19 =	sadd.s32 $0x2, s19  }
0xaa: {  	v18 =	vshrl.u32 v10, $0xE;
	v10 =	vmul.f32 v11, v6;
	v17 =	vld [tilespmem:s4+$0xFFFFFFF0];
	p1 =	slt.u32 s19, $0x26E  }
0xab: {  	v20 =	vmul.f32 v12, v0;
	v0 =	vmov v5;
	v19 =	vld.idx.msk [tilespmem:v9+s2+$0x0], $0xffff  }
0xac: {  	[tilespmem:v3+s28+$0x0] =	vst.idx.add.f32.msk $0xffff, v10;
	v3 =	vmov v18  }
0xad: {  	v5 =	vld [tilespmem:s18+$0xFFFFFFF0];
	v11 =	vmul.f32 v15, v14;
	v6 =	vmov v14  }
0xae: {  	v14 =	vand.u32 $0x3FFF, v16;
	[tilespmem:v4+s26+$0x0] =	vst.idx.add.f32.msk $0xffff, v13;
	v10 =	vmov v16  }
0xaf: {  	v15 =	vshrl.u32 v17, $0xE;
	v13 =	vand.u32 $0x3FFF, v17;
	[tilespmem:v18+s26+$0x0] =	vst.idx.add.f32.msk $0xffff, v11  }
.Ltmp2:
0xb0: {  	v11 =	vld.idx.msk [tilespmem:v8+s16+$0x0], $0xffff;
	v8 =	vmov v14;
	(pc) =	sbr.rel @p1 .LBB2_8-.Ltmp2, $4  }
0xb1: {  	v12 =	vld.idx.msk [tilespmem:v2+s16+$0x0], $0xffff;
	v2 =	vmov v9;
	v9 =	vmov v13  }
0xb2: {  	v13 =	vmul.f32 v19, v5;
	[tilespmem:v1+s28+$0x0] =	vst.idx.add.f32.msk $0xffff, v20;
	v1 =	vmovc v4;
	v4 =	vmov v7;
	v7 =	vmov v15  }
0xb3: {  	s18 =	sadd.s32 $0x20, s18;
	v15 =	vld.idx.msk [tilespmem:v14+s2+$0x0], $0xffff  }
0xb4: {  	s4 =	sadd.s32 $0x20, s4;
	v14 =	vld [tilespmem:s18+$0x0]  }
0xb5: {  	_ =	sdelay $0x3  }
0xb6: {  	v16 =	vld.idx.msk [tilespmem:v9+s2+$0x0], $0xffff  }
0xb7: {  	v10 =	vshrl.u32 v10, $0xE;
	v17 =	vld [tilespmem:s18+$0xFFFFFFF0];
	_ =	sdelay $0x2  }
0xb8: {  	[tilespmem:v4+s26+$0x0] =	vst.idx.add.f32.msk $0xffff, v13;
	v15 =	vmul.f32 v15, v14  }
0xb9: {  	v2 =	vld.idx.msk [tilespmem:v2+s16+$0x0], $0xffff  }
0xba: {  	v57 =	vmul.f32 v16, v17;
	[tilespmem:v10+s26+$0x0] =	vst.idx.add.f32.msk $0xffff, v15  }
0xbb: {  	v8 =	vld.idx.msk [tilespmem:v8+s16+$0x0], $0xffff  }
0xbc: {  	[tilespmem:v7+s26+$0x0] =	vst.idx.add.f32.msk $0xffff, v57  }
0xbd: {  	v58 =	vld.idx.msk [tilespmem:v9+s16+$0x0], $0xffff  }
0xbe: {  	v6 =	vmul.f32 v11, v6  }
0xbf: {  	v0 =	vmul.f32 v12, v0  }
0xc0: {  	[tilespmem:v3+s28+$0x0] =	vst.idx.add.f32.msk $0xffff, v6;
	v60 =	vmul.f32 v2, v5  }
0xc1: {  	[tilespmem:v1+s28+$0x0] =	vst.idx.add.f32.msk $0xffff, v0;
	v59 =	vmul.f32 v8, v14  }
0xc2: {  	[tilespmem:v4+s28+$0x0] =	vst.idx.add.f32.msk $0xffff, v60;
	v61 =	vmul.f32 v58, v17  }
0xc3: {  	[tilespmem:v10+s28+$0x0] =	vst.idx.add.f32.msk $0xffff, v59  }
0xc4: {  	[tilespmem:v7+s28+$0x0] =	vst.idx.add.f32.msk $0xffff, v61  }
0xc5: {  	v0 =	vld [tilespmem:$0x16300];
	_ =	sdelay $0x4  }
0xc6: {  	v62 =	vand.u32 $0x3FFF, v0;
	_ =	sdelay $0x3  }
0xc7: {  	v63 =	vld [tilespmem:$0x1B200]  }
0xc8: {  	v3 =	vld.idx.msk [tilespmem:v62+s2+$0x0], $0xffff;
	_ =	sdelay $0x1  }
0xc9: {  	v0 =	vshrl.u32 v0, $0xE;
	_ =	sdelay $0x2  }
0xca: {  	v3 =	vmul.f32 v3, v63;
	_ =	sdelay $0x1  }
0xcb: {  	[tilespmem:v0+s26+$0x0] =	vst.idx.add.f32.msk $0xffff, v3  }
0xcc: {  	v1 =	vld.idx.msk [tilespmem:v62+s16+$0x0], $0xffff;
	_ =	sdelay $0x4  }
0xcd: {  	v1 =	vmul.f32 v1, v63  }
0xce: {  	s4 =	sadd.s32 @!p0 $0xEA6, s17  }
0xcf: {  	s17 =	simm.s32 @!p0 $0x0;
	s18 =	simm.s32 @!p0 $0x13C00;
	s10 =	sadd.s32 @!p0 s3, s4;
	[tilespmem:v0+s28+$0x0] =	vst.idx.add.f32.msk $0xffff, v1  }
0xd0: {  	[tilespmem:s18], [sflag:$0x2] =	stream.linear.gather @!p0 [hbm4b:s10+s17], $0x2710, $0x38;
	[tilespmem:$0x1B280] =	vst v63  }
0xd1: {  	p1 =	sne.s32 @!p0 s1, $0x10;
	s4 =	sadd.s32 @!p0 s5, s4;
	s10 =	simm.s32 @!p0 $0x18B00  }
0xd2: {  	[tilespmem:s10], [sflag:$0x4] =	stream.linear.gather @!p0 [hbm4b:s4+s17], $0x2710, $0x38;
	[tilespmem:$0x1B280] =	vst v63  }
0xd3: {  	p0 =	por p0, !p1  }
.Ltmp3:
0xd4: {  	_ = 	snop;
	(pc) =	sbr.rel @!p0 .LBB2_5-.Ltmp3, $1  }
0xd5: {  	_ =	sdelay $0x3  }
0xd6: {  	s4 =	simm.s32 $0x0  }
0xd7: {  	v0 =	vld [tilespmem:s4+$0xC580]  }
0xd8: {  	v1 =	vld [tilespmem:s4+$0x7680]  }
0xd9: {  	v2 =	vld [tilespmem:s4+$0x9E00]  }
0xda: {  	v3 =	vld [tilespmem:s4+$0x4F00];
	_ =	sdelay $0x1  }
0xdb: {  	s1 =	simm.s32 $0x10  }
0xdc: {  	v4 =	vmul.f32 $8.999999760e-01, v0;
	v5 =	vmul.f32 $1.000000010e-01, v1;
	v0 =	vld [tilespmem:s1+$0xC580]  }
0xdd: {  	v1 =	vld [tilespmem:s1+$0x7680]  }
0xde: {  	v6 =	vmul.f32 $8.999999760e-01, v2;
	v7 =	vmul.f32 $1.000000010e-01, v3;
	v2 =	vld [tilespmem:s1+$0x9E00];
	v5 =	vadd.f32 v5, v4  }
0xdf: {  	v3 =	vld [tilespmem:s1+$0x4F00]  }
0xe0: {  	s17 =	simm.s32 $0x80;
	v4 =	vadd.f32 v7, v6;
	[tilespmem:s4+$0x2780] =	vst v5  }
.LBB2_11:
0xe1: {  	s10 =	sshra.s32 s17, $0x2;
	p0 =	sne.s32 s17, $0x9C00  }
.Ltmp4:
0xe2: {  	s17 =	sadd.s32 $0x40, s17;
	v5 =	vmul.f32 $8.999999760e-01, v0;
	v0 =	vld [tilespmem:s10+$0xC580];
	v6 =	vmul.f32 $1.000000010e-01, v1;
	[tilespmem:s4+$0x0] =	vst v4;
	(pc) =	sbr.rel @p0 .LBB2_11-.Ltmp4, $4  }
0xe3: {  	s4 =	smov.u32 s1;
	s1 =	smov.u32 s10;
	v1 =	vld [tilespmem:s10+$0x7680];
	v4 =	vmul.f32 $8.999999760e-01, v2  }
0xe4: {  	v2 =	vld [tilespmem:s1+$0x9E00];
	v7 =	vmul.f32 $1.000000010e-01, v3;
	v5 =	vadd.f32 v6, v5  }
0xe5: {  	v3 =	vld [tilespmem:s1+$0x4F00]  }
0xe6: {  	v4 =	vadd.f32 v7, v4;
	[tilespmem:s4+$0x2780] =	vst v5  }
0xe7: {  	_ = 	snop  }
0xe8: {  	s0 =	sadd.s32 $0x1, s0  }
0xe9: {  	v0 =	vmul.f32 $8.999999760e-01, v0;
	v1 =	vmul.f32 $1.000000010e-01, v1;
	p0 =	sne.s32 s0, $0xA  }
.Ltmp5:
0xea: {  	v2 =	vmul.f32 $8.999999760e-01, v2;
	v3 =	vmul.f32 $1.000000010e-01, v3;
	(pc) =	sbr.rel @p0 .LBB2_2-.Ltmp5, $4  }
0xeb: {  	v0 =	vadd.f32 v1, v0  }
0xec: {  	[tilespmem:s4+$0x0] =	vst v4;
	v63 =	vadd.f32 v3, v2  }
0xed: {  	[tilespmem:s1+$0x2780] =	vst v0  }
0xee: {  	[tilespmem:s1+$0x0] =	vst v63  }
0xef: {  	s0 =	rddreg [dreg:$0x4]  }
0xf0: {  	[hbm4b:s0+s13] =	stream.strided.scatter [tilespmem:s2], [sflag:$0x5], $0x2780, s14, s13, $0x38;
	[tilespmem:$0x1B280] =	vst v63  }
0xf1: {  	s31 =	sadd.s32 $0x1, s31;
	_ =	swait.ge [sflag:s15], $0x2780  }
0xf2: {  	p0 =	sne.s32 s31, s12;
	[sflag:s15] =	ssyncset.done $0x0  }
.Ltmp6:
0xf3: {  	[sflag:s15] =	ssyncadd.s32 $0xFFFFD880;
	(pc) =	sbr.rel @p0 .LBB2_1-.Ltmp6, $4  }
0xf4: {  	[hbm4b:s11+s13] =	stream.strided.scatter [tilespmem:s16], [sflag:$0x5], $0x2780, s14, s13, $0x38;
	[tilespmem:$0x1B280] =	vst v63  }
0xf5: {  	_ =	swait.ge [sflag:s15], $0x2780  }
0xf6: {  	[sflag:s15] =	ssyncset.done $0x0  }
0xf7: {  	[sflag:s15] =	ssyncadd.s32 $0xFFFFD880  }
0xf8: {  	_ =	sfence.sel $0x180000  }
0xf9: {  	[bflag:$0x0] =	sbarrier.arrive $0xFFFF  }
0xfa: {  	_ =	strace $0x9000004A  }
0xfb: {  	s0 =	stileid.u32;
	[bflag:$0x2] =	sbarrier.arrive $0xFFFF  }
0xfc: {  	p0 =	sne.s32 s0, $0x0;
	s0 =	rddreg [dreg:$0x2]  }
0xfd: {  	s0 =	sadd.s32 @!p0 $0x100000, s0  }
0xfe: {  	[sflag:s0] =	ssyncadd.tile.s32 @!p0 $0x1;
	_ =	shalt  }
.Lfunc_end2:
_tile_overlayer_lowered:
.L_overlay_start_2:
0xff: {  	(tag) =	ssettag $0x2  }
0x100: {  	s0 =	rddreg [dreg:$0x0];
	s2 =	stileid.u32  }
0x101: {  	s1 =	rddreg [dreg:$0x1];
	p0 =	sne.s32 s2, $0x0  }
0x102: {  	s3 =	rddreg [dreg:$0x2];
	[bflag:$0x3] =	sbarrier.arrive $0xFFFF;
	s2 =	simm.s32 @!p0 $0x1C05  }
0x103: {  	[timem:s3], [sflag:s2] =	dma.local @!p0 [hbm:s0], s1  }
0x104: {  	s0 =	simm.s32 @!p0 $0x5  }
0x105: {  	_ =	swait.ge @!p0 [sflag:s0], s1  }
0x106: {  	s1 =	ssub.s32 @!p0 $0x0, s1;
	[sflag:s0] =	ssyncset.done @!p0 $0x0  }
0x107: {  	[sflag:s0] =	ssyncadd.s32 @!p0 s1  }
0x108: {  	[bflag:$0x3] =	sbarrier.arrive $0xFFFF  }
0x109: {  	_ =	shalt  }

// kernel: kernel.8.cloned.1.call-start
scs
__scs_entry_jumppad:
0x0: {  	(pc) =	sbr.rel $0x88, $3  }
0x1: {  	(tag) =	ssettag $0x0;
	lr =	simm.s32 $0x1  }
0x2: {  	[smem:$0x3F96] =	sst lr;
	_ =	strace $0xD0000000  }
0x3: {  	_ = 	snop  }
0x4: {  	_ = 	snop  }
0x5: {  	_ = 	snop  }
0x6: {  	_ = 	snop  }
0x7: {  	_ = 	snop  }
__scs_overlays_trampoline_lowered:
0x8: {  	[smem:$0x3FA5] =	sst s0  }
0x9: {  	[smem:$0x3FA6] =	sst s1  }
0xa: {  	[smem:$0x3FA7] =	sst s2  }
0xb: {  	[smem:$0x3FA8] =	sst s3  }
0xc: {  	[smem:$0x3FA9] =	sst s4  }
0xd: {  	[smem:$0x3FAA] =	sst s5  }
0xe: {  	[smem:$0x3FAB] =	sst s6  }
0xf: {  	[smem:$0x3FAC] =	sst s7  }
0x10: {  	[smem:$0x3FAD] =	sst s8  }
0x11: {  	[smem:$0x3FAE] =	sst s9;
	s0 =	simm.s32 @!p0 $0x0  }
0x12: {  	s1 =	sld [smem:$0x3F94];
	s0 =	simm.s32 @p0 $0x1  }
0x13: {  	[smem:$0x3FAF] =	sst s0;
	s0 =	simm.s32 @!p1 $0x0  }
0x14: {  	s2 =	sld [smem:$0x3F93];
	s0 =	simm.s32 @p1 $0x1  }
0x15: {  	[smem:$0x3FB0] =	sst s0;
	s0 =	simm.s32 @!p2 $0x0  }
0x16: {  	s3 =	sld [smem:$0x3FDB];
	s0 =	simm.s32 @p2 $0x1  }
0x17: {  	s4 =	simm.s32 $0x1BF5;
	[smem:$0x3FB2] =	sst s0  }
0x18: {  	s0 =	sld [smem:$0x3F95];
	_ =	swait.ge [sflag:s4], $0x0  }
0x19: {  	s7 =	sld [smem:$0x3F96]  }
0x1a: {  	s8 =	sadd.s32 $0xFFFFE003, lr  }
0x1b: {  	s9 =	sadd.s32 $0xFFFFFEF7, lr;
	s5 =	simm.s32 $0xFFFFFFFF;
	p2 =	slt.u32 s8, $0xFFFFF086  }
0x1c: {  	p1 =	slt.u32 s9, $0xF7A;
	s5 =	simm.s32 @!p2 $0x0  }
0x1d: {  	s5 =	simm.s32 @p1 $0x1;
	p0 =	seq.s32 s7, s2  }
0x1e: {  	s7 =	smul.u32 @!p0 $0xF7A, s2;
	p2 =	seq.s32 @!p0 s5, $0x0  }
0x1f: {  	s9 =	smul.u32 $0xF7A, s1;
	s8 =	simm.s32 @!p0 $0x1BF5;
	p2 =	por !p2, p0  }
0x20: {  	[sflag:s8] =	ssyncset.s32 @!p0 $0xFFFFF086;
	s6 =	sadd.s32 @!p0 s3, s7;
	s7 =	simm.s32 @!p0 $0x108  }
0x21: {  	s3 =	sadd.s32 s3, s9;
	s6 =	sadd.s32 @!p0 $0x88, s6;
	s7 =	simm.s32 @p2 $0x1082  }
0x22: {  	[simem:s7], [sflag:s8] =	dma.local @!p0 [hbm:s6], $0xF7A  }
0x23: {  	s9 =	sor.u32 $0xD0000000, s2;
	s6 =	simm.s32 $0x108;
	_ =	swait.ge @!p0 [sflag:s8], $0x0  }
0x24: {  	s3 =	sadd.s32 $0x88, s3;
	s6 =	simm.s32 @!p1 $0x1082;
	[sflag:s4] =	ssyncset.s32 $0xFFFFF086  }
0x25: {  	[simem:s6], [sflag:s4] =	dma.local [hbm:s3], $0xF7A  }
0x26: {  	[smem:$0x3F96] =	sst s1;
	(tag) =	ssettag s2;
	_ =	strace s9  }
0x27: {  	s1 =	sld [smem:$0x3FA6]  }
0x28: {  	s2 =	sld [smem:$0x3FA7]  }
0x29: {  	s4 =	sld [smem:$0x3FA9]  }
0x2a: {  	p0 =	seq.s32 s5, $0x0;
	s5 =	sld [smem:$0x3FAA]  }
0x2b: {  	s6 =	sld [smem:$0x3FAB]  }
0x2c: {  	s7 =	sld [smem:$0x3FAC]  }
0x2d: {  	s3 =	simm.s32 $0x108;
	s8 =	sld [smem:$0x3FAD]  }
0x2e: {  	s3 =	simm.s32 @!p0 $0x1082;
	s9 =	sld [smem:$0x3FAE]  }
0x2f: {  	lr =	sadd.s32 s0, s3;
	s0 =	sld [smem:$0x3FA5]  }
0x30: {  	s3 =	sld [smem:$0x3FA8]  }
0x31: {  	[smem:$0x3FB1] =	sst s10  }
0x32: {  	s10 =	sld [smem:$0x3FAF];
	_ =	sdelay $0x3  }
0x33: {  	p0 =	seq.s32 s10, $0x1;
	s10 =	sld [smem:$0x3FB1];
	_ =	sdelay $0x3  }
0x34: {  	[smem:$0x3FB1] =	sst s10  }
0x35: {  	s10 =	sld [smem:$0x3FB0];
	_ =	sdelay $0x3  }
0x36: {  	p1 =	seq.s32 s10, $0x1;
	s10 =	sld [smem:$0x3FB1];
	_ =	sdelay $0x3  }
0x37: {  	[smem:$0x3FB1] =	sst s10  }
0x38: {  	s10 =	sld [smem:$0x3FB2]  }
0x39: {  	_ = 	snop;
	(pc) =	sbr.ind lr, $3  }
0x3a: {  	_ = 	snop  }
0x3b: {  	_ = 	snop  }
0x3c: {  	p2 =	seq.s32 s10, $0x1;
	s10 =	sld [smem:$0x3FB1]  }
0x3d: {  	_ =	shalt  }
0x3e: {  	_ =	shalt  }
0x3f: {  	_ =	shalt  }
0x40: {  	_ =	shalt  }
0x41: {  	_ =	shalt  }
0x42: {  	_ =	shalt  }
0x43: {  	_ =	shalt  }
0x44: {  	_ =	shalt  }
0x45: {  	_ =	shalt  }
0x46: {  	_ =	shalt  }
0x47: {  	_ =	shalt  }
0x48: {  	_ =	shalt  }
0x49: {  	_ =	shalt  }
0x4a: {  	_ =	shalt  }
0x4b: {  	_ =	shalt  }
0x4c: {  	_ =	shalt  }
0x4d: {  	_ =	shalt  }
0x4e: {  	_ =	shalt  }
0x4f: {  	_ =	shalt  }
0x50: {  	_ =	shalt  }
0x51: {  	_ =	shalt  }
0x52: {  	_ =	shalt  }
0x53: {  	_ =	shalt  }
0x54: {  	_ =	shalt  }
0x55: {  	_ =	shalt  }
0x56: {  	_ =	shalt  }
0x57: {  	_ =	shalt  }
0x58: {  	_ =	shalt  }
0x59: {  	_ =	shalt  }
0x5a: {  	_ =	shalt  }
0x5b: {  	_ =	shalt  }
0x5c: {  	_ =	shalt  }
0x5d: {  	_ =	shalt  }
0x5e: {  	_ =	shalt  }
0x5f: {  	_ =	shalt  }
0x60: {  	_ =	shalt  }
0x61: {  	_ =	shalt  }
0x62: {  	_ =	shalt  }
0x63: {  	_ =	shalt  }
0x64: {  	_ =	shalt  }
0x65: {  	_ =	shalt  }
0x66: {  	_ =	shalt  }
0x67: {  	_ =	shalt  }
0x68: {  	_ =	shalt  }
0x69: {  	_ =	shalt  }
0x6a: {  	_ =	shalt  }
0x6b: {  	_ =	shalt  }
0x6c: {  	_ =	shalt  }
0x6d: {  	_ =	shalt  }
0x6e: {  	_ =	shalt  }
0x6f: {  	_ =	shalt  }
0x70: {  	_ =	shalt  }
0x71: {  	_ =	shalt  }
0x72: {  	_ =	shalt  }
0x73: {  	_ =	shalt  }
0x74: {  	_ =	shalt  }
0x75: {  	_ =	shalt  }
0x76: {  	_ =	shalt  }
0x77: {  	_ =	shalt  }
0x78: {  	_ =	shalt  }
0x79: {  	_ =	shalt  }
0x7a: {  	_ =	shalt  }
0x7b: {  	_ =	shalt  }
0x7c: {  	_ =	shalt  }
0x7d: {  	_ =	shalt  }
0x7e: {  	_ =	shalt  }
0x7f: {  	_ =	shalt  }
0x80: {  	_ =	shalt  }
0x81: {  	_ =	shalt  }
0x82: {  	_ =	shalt  }
0x83: {  	_ =	shalt  }
0x84: {  	_ =	shalt  }
0x85: {  	_ =	shalt  }
0x86: {  	_ =	shalt  }
0x87: {  	_ =	shalt  }
.Lfunc_end0:
.L_simem_size_0:
called_computation_lowered:
.L_overlay_start_0:
0x88: {  	s2 =	sld [smem:$0x3FD9]  }
0x89: {  	s3 =	sld [smem:$0x3FFE];
	_ =	sdelay $0x1  }
0x8a: {  	s1 =	srdreg.scid  }
0x8b: {  	s0 =	sand.u32 $0x1, s1  }
0x8c: {  	s17 =	sshll.u32 s0, $0xA;
	s2 =	sadd.s32 s3, s2  }
0x8d: {  	s2 =	sadd.s32 s2, s17  }
0x8e: {  	[smem:$0x3FBD] =	sst s2  }
0x8f: {  	_ = 	snop  }
0x90: {  	s2 =	sld [smem:$0x3FD0];
	(tm) =	ssettm $0x1  }
0x91: {  	s18 =	sld [smem:$0x3FFB];
	_ =	sdelay $0x3  }
0x92: {  	_ =	strace s18  }
0x93: {  	s3 =	sld [smem:$0x3FFC];
	_ =	sdelay $0x3  }
0x94: {  	_ =	strace s3  }
0x95: {  	s3 =	sld [smem:$0x3FFD];
	_ =	sdelay $0x3  }
0x96: {  	_ =	strace s3  }
0x97: {  	_ =	strace $0x8FFFFFFF  }
0x98: {  	s19 =	sld [smem:$0x3FDB];
	_ =	sdelay $0x1  }
0x99: {  	s4 =	simm.s32 $_scs_section_size  }
0x9a: {  	s5 =	simm.s32 $_size__tile_overlayer_lowered;
	s6 =	simm.s32 $_tile_overlayer_lowered  }
0x9b: {  	s22 =	simm.s32 $0x1BFF;
	s21 =	sshll.u32 s6, $0x1;
	s3 =	sadd.s32 s4, s19  }
0x9c: {  	s7 =	simm.s32 $0x0;
	s20 =	sshll.u32 s5, $0x1;
	s5 =	sadd.s32 s21, s3  }
0x9d: {  	[timem:s7], [sflag:s22] =	dma.local [hbm:s5], s20  }
0x9e: {  	_ =	swait.ge [sflag:s22], s20  }
0x9f: {  	s4 =	ssub.s32 $0x0, s20;
	[sflag:s22] =	ssyncset.done $0x0  }
0xa0: {  	[sflag:s22] =	ssyncadd.s32 s4;
	_ =	sdelay $0x1  }
0xa1: {  	s23 =	simm.s32 $0x1B8B  }
0xa2: {  	_ =	swait.ge [sflag:s23], $0x1  }
0xa3: {  	[sflag:s23] =	ssyncset.done $0x0  }
0xa4: {  	s25 =	simm.s32 $0x1B8E;
	s24 =	sld [smem:$0x3FFE];
	[sflag:s23] =	ssyncadd.s32 $0xFFFFFFFF  }
0xa5: {  	s26 =	simm.s32 $execute0_lowered;
	[smem:$0x3FD2] =	sst s25  }
0xa6: {  	s5 =	sshll.u32 s26, $0x1;
	_ =	strace $0x80000046;
	[dreg:$0x1] =	wrdreg $0xFFFFFFFF  }
0xa7: {  	s28 =	simm.s32 $_size_execute0_lowered;
	s3 =	sadd.s32 s3, s5;
	[dreg:$0x0] =	wrdreg $0x0  }
0xa8: {  	s5 =	sshll.u32 s28, $0x1;
	[dreg:$0x2] =	wrdreg s3  }
0xa9: {  	[dreg:$0x3] =	wrdreg s5  }
0xaa: {  	[dreg:$0x4] =	wrdreg $0xC0  }
0xab: {  	_ =	task [dreg:s7], $0x5FFFF  }
0xac: {  	[dreg:$0x1] =	wrdreg $0xFFFFFFFF  }
0xad: {  	[dreg:$0x0] =	wrdreg $0x60  }
0xae: {  	[dreg:$0x2] =	wrdreg s2  }
0xaf: {  	[dreg:$0x3] =	wrdreg s24  }
0xb0: {  	[dreg:$0x4] =	wrdreg $0x9  }
0xb1: {  	_ =	task.clear_ibuf [dreg:s7], $0x5FFFF;
	_ =	strace $0x90000046  }
0xb2: {  	s29 =	simm.s32 $0x9;
	_ =	strace $0x80000048  }
0xb3: {  	_ =	swait.ge [sflag:s29], $0x1  }
0xb4: {  	[sflag:s29] =	ssyncadd.s32 $0xFFFFFFFF  }
0xb5: {  	_ =	strace $0x90000048  }
0xb6: {  	_ =	sfence  }
0xb7: {  	s30 =	sld [smem:$0x0];
	_ =	sdelay $0x2  }
0xb8: {  	s31 =	sshll.u32 s1, $0xD;
	s1 =	sshrl.u32 s1, $0x2  }
0xb9: {  	s3 =	sand.u32 $0x4000, s31;
	s1 =	sadd.s32 s1, s30  }
0xba: {  	s0 =	sor.u32 s3, s0;
	s1 =	sshll.u32 s1, $0x11  }
0xbb: {  	s0 =	sor.u32 s1, s0  }
0xbc: {  	s0 =	sadd.s32 $0x8F2B, s0  }
0xbd: {  	[sflag:s0] =	ssyncadd.remote.s32 $0x1  }
0xbe: {  	_ =	sfence.sel $0xFFFF  }
0xbf: {  	[dreg:$0x0] =	wrdreg $0xFFFFFFFF;
	(pc) =	sbr.abs _section_cstart, $3  }
0xc0: {  	[dreg:$0x1] =	wrdreg $0xFFFFFFFF  }
0xc1: {  	_ =	task.clear_ibuf [dreg:s7], $0x2FFFF;
	_ =	strace $0x9FFFFFFF  }
0xc2: {  	(tm) =	ssettm $0x7FFFFFFF  }
0xc3: {  	_ =	shalt  }
tec
execute0_lowered:
.L_overlay_start_1:
0x0: {  	(tag) =	ssettag $0x1  }
0x1: {  	s0 =	rddreg [dreg:$0x0]  }
0x2: {  	s1 =	rddreg [dreg:$0x1];
	s2 =	srdreg.scid  }
0x3: {  	s5 =	stileid.u32;
	s14 =	simm.s32 $0x400;
	s15 =	simm.s32 $0x5  }
0x4: {  	s16 =	simm.s32 $0x2780;
	s19 =	simm.s32 $0x11480;
	s20 =	simm.s32 $0x13C00  }
0x5: {  	s21 =	simm.s32 $0x1;
	s28 =	simm.s32 $0x4;
	s29 =	simm.s32 $0x9E00  }
0x6: {  	s30 =	simm.s32 $0xC580;
	s31 =	simm.s32 $0x0;
	s4 =	sand.u32 $0x1, s2  }
0x7: {  	s3 =	sshll.u32 s5, $0x1;
	s2 =	simm.s32 $0x0;
	s22 =	sshrl.u32 s5, $0x1  }
0x8: {  	s7 =	sadd.s32 $0x1F200, s1;
	s12 =	sadd.s32 $0xB600, s1;
	s8 =	sadd.s32 $0x1CE2, s1  }
0x9: {  	s9 =	sadd.s32 $0x1FCE2, s1;
	s10 =	sor.u32 s4, s3;
	[smem:$0x7FF] =	sst s2  }
0xa: {  	s5 =	smul.u32 $0x13C00, s22;
	s3 =	sadd.s32 $0x1800, s1;
	s4 =	ssub.s32 $0x2, s4  }
0xb: {  	s22 =	simm.s32 $0xED00;
	s23 =	sshll.u32 s10, $0x8;
	_ =	strace $0x80000047  }
0xc: {  	[dreg:$0x3] =	wrdreg s7;
	s24 =	sshrl.u32 s4, $0x1;
	s6 =	sand.u32 $0x300, s23  }
0xd: {  	p0 =	sne.s32 s10, $0x0;
	s4 =	ssub.s32 s4, s24;
	s6 =	sor.u32 s5, s6  }
0xe: {  	s23 =	simm.s32 $0x2;
	s24 =	simm.s32 $0x16380;
	s11 =	sshrl.u32 s6, $0x3  }
0xf: {  	s5 =	sadd.s32 $0x1F800, s1;
	s13 =	sor.u32 $0x10, s11;
	s25 =	sadd.s32 s12, s11  }
0x10: {  	s6 =	sadd.s32 s0, s11;
	s7 =	sadd.s32 s0, s13;
	[dreg:$0x4] =	wrdreg s25  }
0x11: {  	s26 =	sadd.s32 s12, s13;
	s12 =	smax.u32 s4, $0x1;
	s13 =	simm.s32 $0x80  }
0x12: {  	v0 =	vimm.f32 $1.000000000e+00;
	s25 =	simm.s32 $0x18B00;
	[dreg:$0x5] =	wrdreg s26;
	s26 =	simm.s32 $0x3  }
.LBB2_1:
0x13: {  	[tilespmem:s2], [sflag:$0x5] =	stream.strided.gather [hbm4b:s6+s13], $0x2780, s14, s13, $0x38;
	[tilespmem:$0x1B280] =	vst v63  }
0x14: {  	_ =	swait.ge [sflag:s15], $0x2780  }
0x15: {  	[sflag:s15] =	ssyncset.done $0x0  }
0x16: {  	[sflag:s15] =	ssyncadd.s32 $0xFFFFD880  }
0x17: {  	[tilespmem:s16], [sflag:$0x5] =	stream.strided.gather [hbm4b:s7+s13], $0x2780, s14, s13, $0x38;
	[tilespmem:$0x1B280] =	vst v63  }
0x18: {  	_ =	swait.ge [sflag:s15], $0x2780  }
0x19: {  	[sflag:s15] =	ssyncset.done $0x0  }
0x1a: {  	s0 =	simm.s32 $0x4F00;
	[sflag:s15] =	ssyncadd.s32 $0xFFFFD880  }
0x1b: {  	[tilespmem:s0], [sflag:$0x5] =	stream.strided.gather [hbm4b:s6+s13], $0x2780, s14, s13, $0x38;
	[tilespmem:$0x1B280] =	vst v63  }
0x1c: {  	_ =	swait.ge [sflag:s15], $0x2780  }
0x1d: {  	[sflag:s15] =	ssyncset.done $0x0  }
0x1e: {  	s18 =	simm.s32 $0x7680;
	[sflag:s15] =	ssyncadd.s32 $0xFFFFD880  }
0x1f: {  	[tilespmem:s18], [sflag:$0x5] =	stream.strided.gather [hbm4b:s7+s13], $0x2780, s14, s13, $0x38;
	[tilespmem:$0x1B280] =	vst v63  }
0x20: {  	_ =	swait.ge [sflag:s15], $0x2780  }
0x21: {  	[sflag:s15] =	ssyncset.done $0x0  }
0x22: {  	s1 =	simm.s32 $0x0;
	s0 =	simm.s32 $0x40;
	[sflag:s15] =	ssyncadd.s32 $0xFFFFD880  }
.LBB2_2:
0x23: {  	p1 =	sne.s32 s0, $0x9C00;
	[tilespmem:s1+$0xED00] =	vst v0;
	s1 =	smov.u32 s0;
	s0 =	sadd.s32 $0x40, s0  }
.Ltmp0:
0x24: {  	(pc) =	sbr.rel @p1 .LBB2_2-.Ltmp0, $2  }
0x25: {  	_ =	sdelay $0x2  }
0x26: {  	s1 =	sshra.s32 s1, $0x2  }
0x27: {  	[tilespmem:s1+$0xED00] =	vst v0;
	s0 =	simm.s32 $0x0  }
0x28: {  	[tilespmem:s19], [sflag:$0x1] =	stream.linear.gather [hbm4b:s3+s0], $0x2710, $0x38;
	[tilespmem:$0x1B280] =	vst v63  }
0x29: {  	_ = 	snop  }
0x2a: {  	[tilespmem:s20], [sflag:$0x2] =	stream.linear.gather [hbm4b:s8+s0], $0x2710, $0x38;
	[tilespmem:$0x1B280] =	vst v63  }
.LBB2_4:
0x2b: {  	_ =	swait.ge [sflag:s21], $0x2710  }
0x2c: {  	[sflag:s21] =	ssyncset.done $0x0  }
0x2d: {  	s1 =	simm.s32 $0x11490;
	[sflag:s21] =	ssyncadd.s32 $0xFFFFD8F0  }
0x2e: {  	v3 =	vld [tilespmem:s1+$0xFFFFFFF0]  }
0x2f: {  	v2 =	vld [tilespmem:s1+$0x0];
	_ =	sdelay $0x2  }
0x30: {  	s1 =	simm.s32 $0x114B0  }
0x31: {  	v1 =	vld [tilespmem:s1+$0x0];
	v3 =	vshrl.u32 v3, $0xE  }
0x32: {  	s4 =	simm.s32 $0x2;
	v4 =	vld [tilespmem:s1+$0xFFFFFFF0];
	v2 =	vshrl.u32 v2, $0xE  }
.LBB2_5:
0x33: {  	s4 =	sadd.s32 $0x2, s4  }
0x34: {  	p1 =	slt.u32 s4, $0x26E  }
.Ltmp1:
0x35: {  	_ = 	snop;
	(pc) =	sbr.rel @p1 .LBB2_5-.Ltmp1, $4  }
0x36: {  	s1 =	sadd.s32 $0x20, s1;
	[tilespmem:v3+s22+$0x0] =	vst.idx.add.f32.msk $0xffff, v0  }
0x37: {  	v5 =	vshrl.u32 v1, $0xE;
	v1 =	vld [tilespmem:s1+$0x0]  }
0x38: {  	v3 =	vshrl.u32 v4, $0xE;
	v4 =	vld [tilespmem:s1+$0xFFFFFFF0]  }
0x39: {  	[tilespmem:v2+s22+$0x0] =	vst.idx.add.f32.msk $0xffff, v0;
	v2 =	vmov v5  }
0x3a: {  	_ =	sdelay $0x1  }
0x3b: {  	v1 =	vshrl.u32 v1, $0xE  }
0x3c: {  	v4 =	vshrl.u32 v4, $0xE;
	_ =	sdelay $0x1  }
0x3d: {  	[tilespmem:v3+s22+$0x0] =	vst.idx.add.f32.msk $0xffff, v0  }
0x3e: {  	[tilespmem:v2+s22+$0x0] =	vst.idx.add.f32.msk $0xffff, v0  }
0x3f: {  	[tilespmem:v1+s22+$0x0] =	vst.idx.add.f32.msk $0xffff, v0  }
0x40: {  	[tilespmem:v4+s22+$0x0] =	vst.idx.add.f32.msk $0xffff, v0  }
0x41: {  	v1 =	vld [tilespmem:$0x13B80];
	_ =	sdelay $0x4  }
0x42: {  	v1 =	vshrl.u32 v1, $0xE  }
0x43: {  	s1 =	smul.u32 $0x4E20, s0  }
0x44: {  	p1 =	seq.s32 s0, $0xF  }
0x45: {  	s1 =	sshrl.u32 @!p1 s1, $0x3  }
0x46: {  	s1 =	sadd.s32 @!p1 s3, s1  }
0x47: {  	s10 =	simm.s32 @!p1 $0x0;
	s11 =	simm.s32 @!p1 $0x11480;
	s4 =	sadd.s32 @!p1 $0x9C4, s1;
	[tilespmem:v1+s22+$0x0] =	vst.idx.add.f32.msk $0xffff, v0  }
0x48: {  	[tilespmem:s11], [sflag:$0x1] =	stream.linear.gather @!p1 [hbm4b:s4+s10], $0x2710, $0x38;
	[tilespmem:$0x1B280] =	vst v63  }
0x49: {  	_ =	swait.ge [sflag:s23], $0x2710  }
0x4a: {  	[sflag:s23] =	ssyncset.done $0x0  }
0x4b: {  	s18 =	simm.s32 $0x13C10;
	[sflag:s23] =	ssyncadd.s32 $0xFFFFD8F0  }
0x4c: {  	v3 =	vld [tilespmem:s18+$0xFFFFFFF0]  }
0x4d: {  	v2 =	vld [tilespmem:s18+$0x0];
	_ =	sdelay $0x2  }
0x4e: {  	s4 =	simm.s32 $0x13C30  }
0x4f: {  	v1 =	vld [tilespmem:s4+$0x0];
	v3 =	vshrl.u32 v3, $0xE  }
0x50: {  	s0 =	sadd.s32 $0x1, s0;
	s10 =	simm.s32 $0x2;
	v4 =	vld [tilespmem:s4+$0xFFFFFFF0];
	v2 =	vshrl.u32 v2, $0xE  }
.LBB2_7:
0x51: {  	s10 =	sadd.s32 $0x2, s10  }
0x52: {  	p2 =	slt.u32 s10, $0x26E  }
.Ltmp2:
0x53: {  	_ = 	snop;
	(pc) =	sbr.rel @p2 .LBB2_7-.Ltmp2, $4  }
0x54: {  	s4 =	sadd.s32 $0x20, s4;
	[tilespmem:v3+s22+$0x0] =	vst.idx.add.f32.msk $0xffff, v0  }
0x55: {  	v5 =	vshrl.u32 v1, $0xE;
	v1 =	vld [tilespmem:s4+$0x0]  }
0x56: {  	v3 =	vshrl.u32 v4, $0xE;
	v4 =	vld [tilespmem:s4+$0xFFFFFFF0]  }
0x57: {  	[tilespmem:v2+s22+$0x0] =	vst.idx.add.f32.msk $0xffff, v0;
	v2 =	vmov v5  }
0x58: {  	_ =	sdelay $0x1  }
0x59: {  	v1 =	vshrl.u32 v1, $0xE  }
0x5a: {  	v4 =	vshrl.u32 v4, $0xE;
	_ =	sdelay $0x1  }
0x5b: {  	[tilespmem:v3+s22+$0x0] =	vst.idx.add.f32.msk $0xffff, v0  }
0x5c: {  	[tilespmem:v2+s22+$0x0] =	vst.idx.add.f32.msk $0xffff, v0  }
0x5d: {  	[tilespmem:v1+s22+$0x0] =	vst.idx.add.f32.msk $0xffff, v0  }
0x5e: {  	[tilespmem:v4+s22+$0x0] =	vst.idx.add.f32.msk $0xffff, v0  }
0x5f: {  	v1 =	vld [tilespmem:$0x16300];
	_ =	sdelay $0x4  }
0x60: {  	v1 =	vshrl.u32 v1, $0xE;
	_ =	sdelay $0x3  }
0x61: {  	s1 =	sadd.s32 @!p1 $0xEA6, s1  }
0x62: {  	s4 =	simm.s32 @!p1 $0x0;
	s10 =	simm.s32 @!p1 $0x13C00;
	p2 =	sne.s32 @!p1 s0, $0x10;
	[tilespmem:v1+s22+$0x0] =	vst.idx.add.f32.msk $0xffff, v0  }
0x63: {  	[tilespmem:s10], [sflag:$0x2] =	stream.linear.gather @!p1 [hbm4b:s1+s4], $0x2710, $0x38;
	[tilespmem:$0x1B280] =	vst v63  }
0x64: {  	p1 =	por p1, !p2  }
.Ltmp3:
0x65: {  	_ = 	snop;
	(pc) =	sbr.rel @!p1 .LBB2_4-.Ltmp3, $1  }
0x66: {  	_ =	sdelay $0x3  }
0x67: {  	s1 =	simm.s32 $0x0  }
0x68: {  	v1 =	vld [tilespmem:s1+$0xED00];
	_ =	sdelay $0x4  }
0x69: {  	s0 =	simm.s32 $0x10;
	v2 =	vshrl.u32 v1, $0x1;
	v7 =	vmul.f32 $5.000000000e-01, v1  }
0x6a: {  	v1 =	vld [tilespmem:s0+$0xED00];
	v2 =	vsub.s32 $0x5F3759DF, v2  }
0x6b: {  	v3 =	vmul.f32 v2, v7;
	_ =	sdelay $0x1  }
0x6c: {  	v3 =	vmul.f32 v2, v3  }
0x6d: {  	s17 =	simm.s32 $0x20  }
0x6e: {  	v5 =	vld [tilespmem:s17+$0xED00];
	v4 =	vshrl.u32 v1, $0x1;
	v1 =	vmul.f32 $5.000000000e-01, v1;
	v3 =	vsub.f32 $1.500000000e+00, v3  }
0x6f: {  	v4 =	vsub.s32 $0x5F3759DF, v4  }
0x70: {  	v6 =	vmul.f32 v4, v1;
	v2 =	vmul.f32 v2, v3;
	_ =	sdelay $0x1  }
0x71: {  	v6 =	vmul.f32 v4, v6;
	v8 =	vmul.f32 v2, v7  }
0x72: {  	s18 =	simm.s32 $0x30;
	v9 =	vshrl.u32 v5, $0x1;
	v3 =	vmul.f32 $5.000000000e-01, v5  }
0x73: {  	v10 =	vld [tilespmem:s18+$0xED00];
	v5 =	vsub.f32 $1.500000000e+00, v6;
	v6 =	vmul.f32 v8, v2;
	v8 =	vsub.s32 $0x5F3759DF, v9  }
0x74: {  	v9 =	vmul.f32 v8, v3  }
0x75: {  	v5 =	vmul.f32 v4, v5;
	v4 =	vsub.f32 $1.500000000e+00, v6  }
0x76: {  	v6 =	vmul.f32 v8, v9  }
0x77: {  	v9 =	vmul.f32 v5, v1;
	v2 =	vmul.f32 v4, v2  }
0x78: {  	v11 =	vshrl.u32 v10, $0x1;
	v4 =	vmul.f32 $5.000000000e-01, v10  }
0x79: {  	v10 =	vsub.f32 $1.500000000e+00, v6;
	v12 =	vmul.f32 v9, v5;
	v9 =	vmul.f32 v2, v7  }
0x7a: {  	s4 =	simm.s32 $0x40  }
0x7b: {  	v7 =	vmul.f32 v8, v10;
	v8 =	vmul.f32 v9, v2;
	v9 =	vld [tilespmem:s4+$0xED00]  }
0x7c: {  	v6 =	vsub.s32 $0x5F3759DF, v11  }
0x7d: {  	v11 =	vmul.f32 v6, v4  }
0x7e: {  	v10 =	vsub.f32 $1.500000000e+00, v12  }
0x7f: {  	s10 =	simm.s32 $0x140;
	v12 =	vmul.f32 v6, v11;
	v11 =	vmul.f32 v7, v3  }
.LBB2_10:
0x80: {  	s11 =	sshra.s32 s10, $0x2;
	v13 =	vshrl.u32 v9, $0x1;
	v10 =	vmul.f32 v10, v5;
	v8 =	vsub.f32 $1.500000000e+00, v8;
	v5 =	vmovc v7;
	p1 =	sne.s32 s10, $0x9C00  }
.Ltmp4:
0x81: {  	v14 =	vmul.f32 $5.000000000e-01, v9;
	v9 =	vld [tilespmem:s11+$0xED00];
	v7 =	vsub.f32 $1.500000000e+00, v12;
	v11 =	vmul.f32 v11, v5;
	(pc) =	sbr.rel @p1 .LBB2_10-.Ltmp4, $4  }
0x82: {  	s10 =	sadd.s32 $0x40, s10;
	v12 =	vsub.s32 $0x5F3759DF, v13;
	v13 =	vmul.f32 v10, v1;
	v15 =	vmul.f32 v8, v2;
	v2 =	vmovc v10;
	v1 =	vmovc v3  }
0x83: {  	v16 =	vmul.f32 v12, v14;
	v3 =	vmovc v4;
	v4 =	vmovc v14;
	v7 =	vmul.f32 v6, v7;
	v6 =	vmov v12  }
0x84: {  	v10 =	vsub.f32 $1.500000000e+00, v11;
	v8 =	vmul.f32 v13, v2;
	[tilespmem:s1+$0xED00] =	vst v15;
	s1 =	smov.u32 s0;
	s0 =	smov.u32 s17;
	s17 =	smov.u32 s18  }
0x85: {  	v12 =	vmul.f32 v6, v16;
	s18 =	smov.u32 s4;
	s4 =	smov.u32 s11;
	v11 =	vmul.f32 v7, v3  }
0x86: {  	v13 =	vshrl.u32 v9, $0x1;
	v55 =	vmul.f32 $5.000000000e-01, v9  }
0x87: {  	v13 =	vsub.s32 $0x5F3759DF, v13  }
0x88: {  	v14 =	vmul.f32 v13, v55;
	_ =	sdelay $0x1  }
0x89: {  	v14 =	vmul.f32 v13, v14  }
0x8a: {  	v12 =	vsub.f32 $1.500000000e+00, v12  }
0x8b: {  	v14 =	vsub.f32 $1.500000000e+00, v14  }
0x8c: {  	v6 =	vmul.f32 v6, v12  }
0x8d: {  	v56 =	vmul.f32 v13, v14  }
0x8e: {  	v57 =	vmul.f32 v6, v4  }
0x8f: {  	v11 =	vmul.f32 v11, v7;
	v14 =	vmul.f32 v56, v55  }
0x90: {  	v13 =	vmul.f32 v57, v6  }
0x91: {  	v11 =	vsub.f32 $1.500000000e+00, v11;
	v14 =	vmul.f32 v14, v56  }
0x92: {  	v5 =	vmul.f32 v10, v5;
	v58 =	vsub.f32 $1.500000000e+00, v13  }
0x93: {  	v59 =	vmul.f32 v11, v7;
	v60 =	vsub.f32 $1.500000000e+00, v14  }
0x94: {  	v1 =	vmul.f32 v5, v1;
	v6 =	vmul.f32 v58, v6  }
0x95: {  	v3 =	vmul.f32 v59, v3;
	v61 =	vmul.f32 v60, v56  }
0x96: {  	v1 =	vmul.f32 v1, v5;
	v62 =	vmul.f32 v6, v4  }
0x97: {  	v8 =	vsub.f32 $1.500000000e+00, v8;
	v3 =	vmul.f32 v3, v59;
	v9 =	vmul.f32 v61, v55  }
0x98: {  	v1 =	vsub.f32 $1.500000000e+00, v1;
	v4 =	vmul.f32 v62, v6  }
0x99: {  	v2 =	vmul.f32 v8, v2;
	v3 =	vsub.f32 $1.500000000e+00, v3;
	v63 =	vmul.f32 v9, v61  }
0x9a: {  	v1 =	vmul.f32 v1, v5;
	v4 =	vsub.f32 $1.500000000e+00, v4  }
0x9b: {  	[tilespmem:s1+$0xED00] =	vst v2;
	v2 =	vmul.f32 v3, v59;
	v3 =	vsub.f32 $1.500000000e+00, v63  }
0x9c: {  	[tilespmem:s0+$0xED00] =	vst v1;
	v1 =	vmul.f32 v4, v6  }
0x9d: {  	[tilespmem:s17+$0xED00] =	vst v2;
	v2 =	vmul.f32 v3, v61  }
0x9e: {  	[tilespmem:s18+$0xED00] =	vst v1  }
0x9f: {  	[tilespmem:s4+$0xED00] =	vst v2  }
0xa0: {  	s1 =	simm.s32 @!p0 $0xED00;
	s0 =	simm.s32 @!p0 $0x0;
	s4 =	rddreg [dreg:$0x3]  }
0xa1: {  	[hbm4b:s4+s0] =	stream.linear.scatter @!p0 [tilespmem:s1], [sflag:$0x5], $0x2780, $0x38;
	[tilespmem:$0x1B280] =	vst v63  }
0xa2: {  	s0 =	simm.s32 @!p0 $0x5  }
0xa3: {  	_ =	swait.ge @!p0 [sflag:s0], $0x2780  }
0xa4: {  	[sflag:s0] =	ssyncset.done @!p0 $0x0  }
0xa5: {  	[sflag:s0] =	ssyncadd.s32 @!p0 $0xFFFFD880;
	s0 =	simm.s32 $0x0  }
0xa6: {  	[tilespmem:s19], [sflag:$0x1] =	stream.linear.gather [hbm4b:s3+s0], $0x2710, $0x38;
	[tilespmem:$0x1B280] =	vst v63  }
0xa7: {  	_ = 	snop  }
0xa8: {  	[tilespmem:s20], [sflag:$0x2] =	stream.linear.gather [hbm4b:s8+s0], $0x2710, $0x38;
	[tilespmem:$0x1B280] =	vst v63  }
.LBB2_12:
0xa9: {  	_ =	swait.ge [sflag:s21], $0x2710  }
0xaa: {  	p2 =	seq.s32 s0, $0x0;
	[sflag:s21] =	ssyncset.done $0x0  }
0xab: {  	s1 =	simm.s32 @!p2 $0x3;
	[sflag:s21] =	ssyncadd.s32 $0xFFFFD8F0  }
0xac: {  	_ =	swait.ge @!p2 [sflag:s1], $0x2710  }
0xad: {  	[sflag:s1] =	ssyncset.done @!p2 $0x0  }
0xae: {  	s11 =	simm.s32 $0x11490;
	[sflag:s1] =	ssyncadd.s32 @!p2 $0xFFFFD8F0  }
0xaf: {  	v1 =	vld [tilespmem:s11+$0xFFFFFFF0]  }
0xb0: {  	v2 =	vld [tilespmem:s11+$0x0];
	_ =	sdelay $0x1  }
0xb1: {  	s17 =	simm.s32 $0x114B0  }
0xb2: {  	v6 =	vld [tilespmem:s17+$0x0]  }
0xb3: {  	v3 =	vand.u32 $0x3FFF, v1  }
0xb4: {  	s18 =	simm.s32 $0x114D0;
	v7 =	vld [tilespmem:s17+$0xFFFFFFF0];
	v5 =	vshrl.u32 v2, $0xE  }
0xb5: {  	v8 =	vld [tilespmem:s18+$0x0];
	v2 =	vand.u32 $0x3FFF, v2  }
0xb6: {  	s10 =	simm.s32 $0x114F0;
	v10 =	vld [tilespmem:s18+$0xFFFFFFF0];
	v1 =	vshrl.u32 v1, $0xE  }
0xb7: {  	v11 =	vshrl.u32 v6, $0xE;
	v15 =	vand.u32 $0x3FFF, v6;
	v6 =	vld [tilespmem:s10+$0x0]  }
0xb8: {  	v4 =	vld.idx.msk [tilespmem:v3+s22+$0x0], $0xffff  }
0xb9: {  	v3 =	vand.u32 $0x3FFF, v7;
	v13 =	vld.idx.msk [tilespmem:v5+s22+$0x0], $0xffff  }
0xba: {  	v14 =	vld.idx.msk [tilespmem:v2+s22+$0x0], $0xffff  }
0xbb: {  	v2 =	vld.idx.msk [tilespmem:v1+s22+$0x0], $0xffff  }
0xbc: {  	v9 =	vshrl.u32 v7, $0xE;
	v5 =	vld [tilespmem:s10+$0xFFFFFFF0]  }
0xbd: {  	v7 =	vld.idx.msk [tilespmem:v15+s22+$0x0], $0xffff  }
0xbe: {  	s4 =	simm.s32 $0x16390;
	v12 =	vshrl.u32 v10, $0xE;
	v10 =	vand.u32 $0x3FFF, v10;
	v1 =	vld.idx.msk [tilespmem:v3+s22+$0x0], $0xffff  }
0xbf: {  	s1 =	smul.u32 $0x4E20, s0;
	s18 =	simm.s32 $0x6;
	s17 =	simm.s32 $0x16390;
	v3 =	vld.idx.msk [tilespmem:v11+s22+$0x0], $0xffff;
	v11 =	vshrl.u32 v8, $0xE;
	v8 =	vand.u32 $0x3FFF, v8;
	v13 =	vmul.f32 v13, v14  }
.LBB2_13:
0xc0: {  	s18 =	sadd.s32 $0x2, s18  }
0xc1: {  	s10 =	sadd.s32 $0x20, s10;
	v15 =	vmul.f32 v2, v4;
	v2 =	vld.idx.msk [tilespmem:v9+s22+$0x0], $0xffff;
	s4 =	sadd.s32 $0x20, s4;
	v14 =	vmov v6;
	v9 =	vmov v12;
	p1 =	slt.u32 s18, $0x26E  }
.Ltmp5:
0xc2: {  	v6 =	vld [tilespmem:s10+$0x0];
	[tilespmem:s17+$0x0] =	vst v13;
	v13 =	vmov v5;
	(pc) =	sbr.rel @p1 .LBB2_13-.Ltmp5, $4  }
0xc3: {  	v5 =	vld [tilespmem:s10+$0xFFFFFFF0];
	[tilespmem:s17+$0xFFFFFFF0] =	vst v15;
	s17 =	smov.u32 s4  }
0xc4: {  	v4 =	vmov v1;
	v1 =	vld.idx.msk [tilespmem:v10+s22+$0x0], $0xffff  }
0xc5: {  	v12 =	vshrl.u32 v13, $0xE;
	v10 =	vand.u32 $0x3FFF, v13;
	v13 =	vmov v3;
	v3 =	vld.idx.msk [tilespmem:v11+s22+$0x0], $0xffff  }
0xc6: {  	v11 =	vshrl.u32 v14, $0xE;
	v13 =	vmul.f32 v13, v7;
	v7 =	vld.idx.msk [tilespmem:v8+s22+$0x0], $0xffff;
	v8 =	vand.u32 $0x3FFF, v14  }
0xc7: {  	_ =	sdelay $0x3  }
0xc8: {  	v9 =	vld.idx.msk [tilespmem:v9+s22+$0x0], $0xffff;
	v15 =	vshrl.u32 v6, $0xE  }
0xc9: {  	v10 =	vld.idx.msk [tilespmem:v10+s22+$0x0], $0xffff;
	v6 =	vand.u32 $0x3FFF, v6  }
0xca: {  	v11 =	vld.idx.msk [tilespmem:v11+s22+$0x0], $0xffff;
	v14 =	vand.u32 $0x3FFF, v5  }
0xcb: {  	v8 =	vld.idx.msk [tilespmem:v8+s22+$0x0], $0xffff;
	v5 =	vshrl.u32 v5, $0xE  }
0xcc: {  	v12 =	vld.idx.msk [tilespmem:v12+s22+$0x0], $0xffff  }
0xcd: {  	v15 =	vld.idx.msk [tilespmem:v15+s22+$0x0], $0xffff  }
0xce: {  	v2 =	vmul.f32 v2, v4;
	v4 =	vld.idx.msk [tilespmem:v6+s22+$0x0], $0xffff  }
0xcf: {  	v14 =	vld.idx.msk [tilespmem:v14+s22+$0x0], $0xffff  }
0xd0: {  	[tilespmem:s17+$0x0] =	vst v13;
	v3 =	vmul.f32 v3, v7;
	v5 =	vld.idx.msk [tilespmem:v5+s22+$0x0], $0xffff  }
0xd1: {  	s4 =	sadd.s32 $0x20, s4;
	[tilespmem:s17+$0xFFFFFFF0] =	vst v2;
	v1 =	vmul.f32 v9, v1  }
0xd2: {  	v2 =	vmul.f32 v11, v8;
	[tilespmem:s4+$0x0] =	vst v3  }
0xd3: {  	s10 =	sadd.s32 $0x20, s4;
	[tilespmem:s4+$0xFFFFFFF0] =	vst v1;
	v1 =	vmul.f32 v12, v10  }
0xd4: {  	[tilespmem:s10+$0x0] =	vst v2;
	v2 =	vmul.f32 v15, v4  }
0xd5: {  	s17 =	sadd.s32 $0x20, s10;
	[tilespmem:s10+$0xFFFFFFF0] =	vst v1;
	v1 =	vmul.f32 v5, v14  }
0xd6: {  	[tilespmem:s17+$0x0] =	vst v2  }
0xd7: {  	[tilespmem:s17+$0xFFFFFFF0] =	vst v1  }
0xd8: {  	v1 =	vld [tilespmem:$0x13B80];
	_ =	sdelay $0x4  }
0xd9: {  	v2 =	vand.u32 $0x3FFF, v1  }
0xda: {  	v1 =	vshrl.u32 v1, $0xE;
	_ =	sdelay $0x3  }
0xdb: {  	v2 =	vld.idx.msk [tilespmem:v2+s22+$0x0], $0xffff  }
0xdc: {  	v1 =	vld.idx.msk [tilespmem:v1+s22+$0x0], $0xffff;
	_ =	sdelay $0x4  }
0xdd: {  	v1 =	vmul.f32 v1, v2  }
0xde: {  	s18 =	sshrl.u32 s1, $0x3  }
0xdf: {  	p1 =	seq.s32 s0, $0xF;
	s4 =	sadd.s32 s5, s18;
	[tilespmem:$0x18A80] =	vst v1  }
0xe0: {  	[hbm4b:s4+s2] =	stream.linear.scatter [tilespmem:s24], [sflag:$0x3], $0x2710, $0x38;
	[tilespmem:$0x1B280] =	vst v63  }
0xe1: {  	s4 =	sshrl.u32 @!p1 s1, $0x3  }
0xe2: {  	s17 =	sadd.s32 @!p1 s3, s4  }
0xe3: {  	s11 =	simm.s32 @!p1 $0x11480;
	s10 =	simm.s32 @!p1 $0x0;
	s4 =	sadd.s32 @!p1 $0x9C4, s17  }
0xe4: {  	[tilespmem:s11], [sflag:$0x1] =	stream.linear.gather @!p1 [hbm4b:s4+s10], $0x2710, $0x38;
	[tilespmem:$0x1B280] =	vst v63  }
0xe5: {  	_ =	swait.ge [sflag:s23], $0x2710  }
0xe6: {  	[sflag:s23] =	ssyncset.done $0x0  }
0xe7: {  	s4 =	simm.s32 @!p2 $0x4;
	[sflag:s23] =	ssyncadd.s32 $0xFFFFD8F0  }
0xe8: {  	_ =	swait.ge @!p2 [sflag:s4], $0x2710  }
0xe9: {  	[sflag:s4] =	ssyncset.done @!p2 $0x0  }
0xea: {  	s10 =	simm.s32 $0x13C10;
	[sflag:s4] =	ssyncadd.s32 @!p2 $0xFFFFD8F0  }
0xeb: {  	v1 =	vld [tilespmem:s10+$0xFFFFFFF0]  }
0xec: {  	v2 =	vld [tilespmem:s10+$0x0];
	_ =	sdelay $0x1  }
0xed: {  	s11 =	simm.s32 $0x13C30  }
0xee: {  	v6 =	vld [tilespmem:s11+$0x0]  }
0xef: {  	v3 =	vand.u32 $0x3FFF, v1  }
0xf0: {  	s18 =	simm.s32 $0x13C50;
	v7 =	vld [tilespmem:s11+$0xFFFFFFF0];
	v5 =	vshrl.u32 v2, $0xE  }
0xf1: {  	v8 =	vld [tilespmem:s18+$0x0];
	v2 =	vand.u32 $0x3FFF, v2  }
0xf2: {  	v10 =	vld [tilespmem:s18+$0xFFFFFFF0];
	s10 =	simm.s32 $0x13C70;
	v1 =	vshrl.u32 v1, $0xE  }
0xf3: {  	v11 =	vshrl.u32 v6, $0xE;
	v15 =	vand.u32 $0x3FFF, v6;
	v6 =	vld [tilespmem:s10+$0x0]  }
0xf4: {  	v4 =	vld.idx.msk [tilespmem:v3+s22+$0x0], $0xffff  }
0xf5: {  	v3 =	vand.u32 $0x3FFF, v7;
	v13 =	vld.idx.msk [tilespmem:v5+s22+$0x0], $0xffff  }
0xf6: {  	v14 =	vld.idx.msk [tilespmem:v2+s22+$0x0], $0xffff  }
0xf7: {  	v2 =	vld.idx.msk [tilespmem:v1+s22+$0x0], $0xffff  }
0xf8: {  	v9 =	vshrl.u32 v7, $0xE;
	v5 =	vld [tilespmem:s10+$0xFFFFFFF0]  }
0xf9: {  	v7 =	vld.idx.msk [tilespmem:v15+s22+$0x0], $0xffff  }
0xfa: {  	s0 =	sadd.s32 $0x1, s0;
	s1 =	sadd.s32 $0x2710, s1;
	v12 =	vshrl.u32 v10, $0xE;
	v10 =	vand.u32 $0x3FFF, v10;
	v1 =	vld.idx.msk [tilespmem:v3+s22+$0x0], $0xffff  }
0xfb: {  	s4 =	simm.s32 $0x18B10;
	s11 =	simm.s32 $0x6;
	s18 =	simm.s32 $0x18B10;
	v3 =	vld.idx.msk [tilespmem:v11+s22+$0x0], $0xffff;
	v11 =	vshrl.u32 v8, $0xE;
	v8 =	vand.u32 $0x3FFF, v8;
	v13 =	vmul.f32 v13, v14  }
.LBB2_15:
0xfc: {  	s11 =	sadd.s32 $0x2, s11  }
0xfd: {  	s10 =	sadd.s32 $0x20, s10;
	v15 =	vmul.f32 v2, v4;
	v2 =	vld.idx.msk [tilespmem:v9+s22+$0x0], $0xffff;
	s4 =	sadd.s32 $0x20, s4;
	v14 =	vmov v6;
	v9 =	vmov v12;
	p2 =	slt.u32 s11, $0x26E  }
.Ltmp6:
0xfe: {  	v6 =	vld [tilespmem:s10+$0x0];
	[tilespmem:s18+$0x0] =	vst v13;
	v13 =	vmov v5;
	(pc) =	sbr.rel @p2 .LBB2_15-.Ltmp6, $4  }
0xff: {  	v5 =	vld [tilespmem:s10+$0xFFFFFFF0];
	[tilespmem:s18+$0xFFFFFFF0] =	vst v15;
	s18 =	smov.u32 s4  }
0x100: {  	v4 =	vmov v1;
	v1 =	vld.idx.msk [tilespmem:v10+s22+$0x0], $0xffff  }
0x101: {  	v12 =	vshrl.u32 v13, $0xE;
	v10 =	vand.u32 $0x3FFF, v13;
	v13 =	vmov v3;
	v3 =	vld.idx.msk [tilespmem:v11+s22+$0x0], $0xffff  }
0x102: {  	v11 =	vshrl.u32 v14, $0xE;
	v13 =	vmul.f32 v13, v7;
	v7 =	vld.idx.msk [tilespmem:v8+s22+$0x0], $0xffff;
	v8 =	vand.u32 $0x3FFF, v14  }
0x103: {  	_ =	sdelay $0x3  }
0x104: {  	v9 =	vld.idx.msk [tilespmem:v9+s22+$0x0], $0xffff;
	v15 =	vshrl.u32 v6, $0xE  }
0x105: {  	v10 =	vld.idx.msk [tilespmem:v10+s22+$0x0], $0xffff;
	v61 =	vand.u32 $0x3FFF, v6  }
0x106: {  	v11 =	vld.idx.msk [tilespmem:v11+s22+$0x0], $0xffff;
	v14 =	vand.u32 $0x3FFF, v5  }
0x107: {  	v8 =	vld.idx.msk [tilespmem:v8+s22+$0x0], $0xffff;
	v62 =	vshrl.u32 v5, $0xE  }
0x108: {  	v12 =	vld.idx.msk [tilespmem:v12+s22+$0x0], $0xffff  }
0x109: {  	v15 =	vld.idx.msk [tilespmem:v15+s22+$0x0], $0xffff  }
0x10a: {  	v63 =	vld.idx.msk [tilespmem:v61+s22+$0x0], $0xffff  }
0x10b: {  	v2 =	vmul.f32 v2, v4;
	v14 =	vld.idx.msk [tilespmem:v14+s22+$0x0], $0xffff  }
0x10c: {  	[tilespmem:s18+$0x0] =	vst v13;
	v3 =	vmul.f32 v3, v7;
	v5 =	vld.idx.msk [tilespmem:v62+s22+$0x0], $0xffff  }
0x10d: {  	s4 =	sadd.s32 $0x20, s4;
	[tilespmem:s18+$0xFFFFFFF0] =	vst v2;
	v1 =	vmul.f32 v9, v1  }
0x10e: {  	v2 =	vmul.f32 v11, v8;
	[tilespmem:s4+$0x0] =	vst v3  }
0x10f: {  	s10 =	sadd.s32 $0x20, s4;
	[tilespmem:s4+$0xFFFFFFF0] =	vst v1;
	v1 =	vmul.f32 v12, v10  }
0x110: {  	[tilespmem:s10+$0x0] =	vst v2;
	v2 =	vmul.f32 v15, v63  }
0x111: {  	s18 =	sadd.s32 $0x20, s10;
	[tilespmem:s10+$0xFFFFFFF0] =	vst v1;
	v1 =	vmul.f32 v5, v14  }
0x112: {  	[tilespmem:s18+$0x0] =	vst v2  }
0x113: {  	[tilespmem:s18+$0xFFFFFFF0] =	vst v1  }
0x114: {  	v1 =	vld [tilespmem:$0x16300];
	_ =	sdelay $0x4  }
0x115: {  	v2 =	vand.u32 $0x3FFF, v1  }
0x116: {  	v1 =	vshrl.u32 v1, $0xE;
	_ =	sdelay $0x3  }
0x117: {  	v2 =	vld.idx.msk [tilespmem:v2+s22+$0x0], $0xffff  }
0x118: {  	v1 =	vld.idx.msk [tilespmem:v1+s22+$0x0], $0xffff;
	_ =	sdelay $0x4  }
0x119: {  	v1 =	vmul.f32 v1, v2  }
0x11a: {  	s1 =	sshrl.u32 s1, $0x3  }
0x11b: {  	p2 =	sne.s32 @!p1 s0, $0x10;
	s1 =	sadd.s32 s5, s1;
	[tilespmem:$0x1B200] =	vst v1  }
0x11c: {  	[hbm4b:s1+s2] =	stream.linear.scatter [tilespmem:s25], [sflag:$0x4], $0x2710, $0x38;
	[tilespmem:$0x1B280] =	vst v63  }
0x11d: {  	s4 =	simm.s32 @!p1 $0x0;
	s10 =	simm.s32 @!p1 $0x13C00;
	s1 =	sadd.s32 @!p1 $0xEA6, s17  }
0x11e: {  	[tilespmem:s10], [sflag:$0x2] =	stream.linear.gather @!p1 [hbm4b:s1+s4], $0x2710, $0x38;
	[tilespmem:$0x1B280] =	vst v63  }
0x11f: {  	p1 =	por p1, !p2  }
.Ltmp7:
0x120: {  	_ = 	snop;
	(pc) =	sbr.rel @!p1 .LBB2_12-.Ltmp7, $1  }
0x121: {  	_ =	sdelay $0x3  }
0x122: {  	_ =	swait.ge [sflag:s26], $0x2710  }
0x123: {  	[sflag:s26] =	ssyncset.done $0x0  }
0x124: {  	[sflag:s26] =	ssyncadd.s32 $0xFFFFD8F0  }
0x125: {  	_ =	swait.ge [sflag:s28], $0x2710  }
0x126: {  	[sflag:s28] =	ssyncset.done $0x0  }
0x127: {  	s0 =	simm.s32 $0x0;
	[sflag:s28] =	ssyncadd.s32 $0xFFFFD8F0  }
.LBB2_18:
0x128: {  	s1 =	simm.s32 $0x0  }
0x129: {  	v2 =	vld [tilespmem:s1+$0xED00]  }
0x12a: {  	v1 =	vld [tilespmem:s1+$0x0]  }
0x12b: {  	v3 =	vld [tilespmem:s1+$0x2780];
	_ =	sdelay $0x1  }
0x12c: {  	s4 =	simm.s32 $0x40  }
.LBB2_19:
0x12d: {  	s10 =	sshra.s32 s4, $0x2;
	p1 =	sne.s32 s4, $0x9C00;
	s4 =	sadd.s32 $0x40, s4;
	v4 =	vmul.f32 v2, v2  }
.Ltmp8:
0x12e: {  	v2 =	vld [tilespmem:s10+$0xED00];
	(pc) =	sbr.rel @p1 .LBB2_19-.Ltmp8, $4  }
0x12f: {  	v5 =	vmul.f32 v1, v4;
	v1 =	vld [tilespmem:s10+$0x0];
	v4 =	vmul.f32 v3, v4  }
0x130: {  	v3 =	vld [tilespmem:s10+$0x2780]  }
0x131: {  	[tilespmem:s1+$0xC580] =	vst v4  }
0x132: {  	[tilespmem:s1+$0x9E00] =	vst v5;
	s1 =	smov.u32 s10  }
0x133: {  	v2 =	vmul.f32 v2, v2;
	_ =	sdelay $0x1  }
0x134: {  	v3 =	vmul.f32 v3, v2  }
0x135: {  	v1 =	vmul.f32 v1, v2  }
0x136: {  	[tilespmem:s1+$0xC580] =	vst v3  }
0x137: {  	[tilespmem:s1+$0x9E00] =	vst v1;
	s1 =	simm.s32 $0x0  }
0x138: {  	[tilespmem:s19], [sflag:$0x1] =	stream.linear.gather [hbm4b:s3+s1], $0x2710, $0x38;
	[tilespmem:$0x1B280] =	vst v63  }
0x139: {  	_ = 	snop  }
0x13a: {  	[tilespmem:s20], [sflag:$0x2] =	stream.linear.gather [hbm4b:s8+s1], $0x2710, $0x38;
	[tilespmem:$0x1B280] =	vst v63  }
0x13b: {  	_ = 	snop  }
0x13c: {  	[tilespmem:s24], [sflag:$0x3] =	stream.linear.gather [hbm4b:s5+s1], $0x2710, $0x38;
	[tilespmem:$0x1B280] =	vst v63  }
0x13d: {  	_ = 	snop  }
0x13e: {  	[tilespmem:s25], [sflag:$0x4] =	stream.linear.gather [hbm4b:s9+s1], $0x2710, $0x38;
	[tilespmem:$0x1B280] =	vst v63  }
.LBB2_21:
0x13f: {  	_ =	swait.ge [sflag:s21], $0x2710  }
0x140: {  	[sflag:s21] =	ssyncset.done $0x0  }
0x141: {  	[sflag:s21] =	ssyncadd.s32 $0xFFFFD8F0  }
0x142: {  	_ =	swait.ge [sflag:s26], $0x2710  }
0x143: {  	[sflag:s26] =	ssyncset.done $0x0  }
0x144: {  	s4 =	simm.s32 $0x11490;
	[sflag:s26] =	ssyncadd.s32 $0xFFFFD8F0  }
0x145: {  	v1 =	vld [tilespmem:s4+$0x0];
	_ =	sdelay $0x4  }
0x146: {  	v2 =	vand.u32 $0x3FFF, v1;
	_ =	sdelay $0x1  }
0x147: {  	s11 =	simm.s32 $0x114B0;
	v4 =	vld [tilespmem:s4+$0xFFFFFFF0]  }
0x148: {  	s10 =	simm.s32 $0x16390;
	v5 =	vld [tilespmem:s11+$0x0]  }
0x149: {  	v6 =	vld [tilespmem:s10+$0x0]  }
0x14a: {  	v3 =	vld.idx.msk [tilespmem:v2+s2+$0x0], $0xffff;
	_ =	sdelay $0x1  }
0x14b: {  	v9 =	vshrl.u32 v1, $0xE  }
0x14c: {  	v10 =	vld [tilespmem:s11+$0xFFFFFFF0]  }
0x14d: {  	s17 =	simm.s32 $0x163B0;
	v8 =	vand.u32 $0x3FFF, v4  }
0x14e: {  	v7 =	vld [tilespmem:s17+$0x0];
	v12 =	vand.u32 $0x3FFF, v5;
	v3 =	vmul.f32 v3, v6  }
0x14f: {  	v1 =	vld [tilespmem:s10+$0xFFFFFFF0]  }
0x150: {  	[tilespmem:v9+s29+$0x0] =	vst.idx.add.f32.msk $0xffff, v3  }
0x151: {  	v3 =	vand.u32 $0x3FFF, v10;
	v14 =	vld.idx.msk [tilespmem:v2+s16+$0x0], $0xffff  }
0x152: {  	v13 =	vld.idx.msk [tilespmem:v8+s2+$0x0], $0xffff  }
0x153: {  	s18 =	simm.s32 $0x114D0;
	v15 =	vld.idx.msk [tilespmem:v12+s2+$0x0], $0xffff  }
0x154: {  	v11 =	vld [tilespmem:s18+$0x0];
	v2 =	vshrl.u32 v4, $0xE  }
0x155: {  	v17 =	vld [tilespmem:s18+$0xFFFFFFF0];
	v4 =	vshrl.u32 v5, $0xE  }
0x156: {  	v5 =	vmul.f32 v14, v6;
	v14 =	vld.idx.msk [tilespmem:v3+s2+$0x0], $0xffff  }
0x157: {  	v13 =	vmul.f32 v13, v1;
	v6 =	vld [tilespmem:s17+$0xFFFFFFF0]  }
0x158: {  	[tilespmem:v9+s30+$0x0] =	vst.idx.add.f32.msk $0xffff, v5;
	v5 =	vmul.f32 v15, v7  }
0x159: {  	[tilespmem:v2+s29+$0x0] =	vst.idx.add.f32.msk $0xffff, v13;
	v9 =	vand.u32 $0x3FFF, v11  }
0x15a: {  	[tilespmem:v4+s29+$0x0] =	vst.idx.add.f32.msk $0xffff, v5  }
0x15b: {  	v12 =	vld.idx.msk [tilespmem:v12+s16+$0x0], $0xffff  }
0x15c: {  	s4 =	simm.s32 $0x163D0;
	v13 =	vld.idx.msk [tilespmem:v8+s16+$0x0], $0xffff;
	v5 =	vshrl.u32 v10, $0xE;
	v10 =	vand.u32 $0x3FFF, v17  }
0x15d: {  	v15 =	vld [tilespmem:s4+$0x0]  }
0x15e: {  	s10 =	simm.s32 $0x114F0;
	s17 =	simm.s32 $0x4;
	v8 =	vshrl.u32 v17, $0xE;
	v14 =	vmul.f32 v14, v6;
	v16 =	vld.idx.msk [tilespmem:v9+s2+$0x0], $0xffff  }
.LBB2_22:
0x15f: {  	v17 =	vld [tilespmem:s10+$0x0];
	s17 =	sadd.s32 $0x2, s17  }
0x160: {  	v19 =	vshrl.u32 v11, $0xE;
	v11 =	vmul.f32 v12, v7;
	v18 =	vld [tilespmem:s10+$0xFFFFFFF0];
	p1 =	slt.u32 s17, $0x26E  }
0x161: {  	v21 =	vmul.f32 v13, v1;
	v1 =	vmov v6;
	v20 =	vld.idx.msk [tilespmem:v10+s2+$0x0], $0xffff  }
0x162: {  	[tilespmem:v4+s30+$0x0] =	vst.idx.add.f32.msk $0xffff, v11;
	v4 =	vmov v19  }
0x163: {  	v6 =	vld [tilespmem:s4+$0xFFFFFFF0];
	v12 =	vmul.f32 v16, v15;
	v7 =	vmov v15  }
0x164: {  	v15 =	vand.u32 $0x3FFF, v17;
	[tilespmem:v5+s29+$0x0] =	vst.idx.add.f32.msk $0xffff, v14;
	v11 =	vmov v17  }
0x165: {  	v16 =	vshrl.u32 v18, $0xE;
	v14 =	vand.u32 $0x3FFF, v18;
	[tilespmem:v19+s29+$0x0] =	vst.idx.add.f32.msk $0xffff, v12  }
.Ltmp9:
0x166: {  	v12 =	vld.idx.msk [tilespmem:v9+s16+$0x0], $0xffff;
	v9 =	vmov v15;
	(pc) =	sbr.rel @p1 .LBB2_22-.Ltmp9, $4  }
0x167: {  	v13 =	vld.idx.msk [tilespmem:v3+s16+$0x0], $0xffff;
	v3 =	vmov v10;
	v10 =	vmov v14  }
0x168: {  	v14 =	vmul.f32 v20, v6;
	[tilespmem:v2+s30+$0x0] =	vst.idx.add.f32.msk $0xffff, v21;
	v2 =	vmovc v5;
	v5 =	vmov v8;
	v8 =	vmov v16  }
0x169: {  	s4 =	sadd.s32 $0x20, s4;
	v16 =	vld.idx.msk [tilespmem:v15+s2+$0x0], $0xffff  }
0x16a: {  	s10 =	sadd.s32 $0x20, s10;
	v15 =	vld [tilespmem:s4+$0x0]  }
0x16b: {  	_ =	sdelay $0x3  }
0x16c: {  	v17 =	vld.idx.msk [tilespmem:v10+s2+$0x0], $0xffff  }
0x16d: {  	v11 =	vshrl.u32 v11, $0xE;
	v18 =	vld [tilespmem:s4+$0xFFFFFFF0];
	_ =	sdelay $0x2  }
0x16e: {  	[tilespmem:v5+s29+$0x0] =	vst.idx.add.f32.msk $0xffff, v14;
	v16 =	vmul.f32 v16, v15  }
0x16f: {  	v3 =	vld.idx.msk [tilespmem:v3+s16+$0x0], $0xffff  }
0x170: {  	v14 =	vmul.f32 v17, v18;
	[tilespmem:v11+s29+$0x0] =	vst.idx.add.f32.msk $0xffff, v16  }
0x171: {  	v9 =	vld.idx.msk [tilespmem:v9+s16+$0x0], $0xffff  }
0x172: {  	[tilespmem:v8+s29+$0x0] =	vst.idx.add.f32.msk $0xffff, v14  }
0x173: {  	v10 =	vld.idx.msk [tilespmem:v10+s16+$0x0], $0xffff  }
0x174: {  	v1 =	vmul.f32 v13, v1  }
0x175: {  	v7 =	vmul.f32 v12, v7  }
0x176: {  	[tilespmem:v2+s30+$0x0] =	vst.idx.add.f32.msk $0xffff, v1;
	v1 =	vmul.f32 v3, v6  }
0x177: {  	[tilespmem:v4+s30+$0x0] =	vst.idx.add.f32.msk $0xffff, v7;
	v4 =	vmul.f32 v9, v15  }
0x178: {  	[tilespmem:v5+s30+$0x0] =	vst.idx.add.f32.msk $0xffff, v1;
	v2 =	vmul.f32 v10, v18  }
0x179: {  	[tilespmem:v11+s30+$0x0] =	vst.idx.add.f32.msk $0xffff, v4  }
0x17a: {  	[tilespmem:v8+s30+$0x0] =	vst.idx.add.f32.msk $0xffff, v2  }
0x17b: {  	v1 =	vld [tilespmem:$0x13B80];
	_ =	sdelay $0x4  }
0x17c: {  	v2 =	vand.u32 $0x3FFF, v1;
	_ =	sdelay $0x3  }
0x17d: {  	v3 =	vld [tilespmem:$0x18A80]  }
0x17e: {  	v4 =	vld.idx.msk [tilespmem:v2+s2+$0x0], $0xffff;
	_ =	sdelay $0x1  }
0x17f: {  	v1 =	vshrl.u32 v1, $0xE;
	_ =	sdelay $0x2  }
0x180: {  	v4 =	vmul.f32 v4, v3;
	_ =	sdelay $0x1  }
0x181: {  	[tilespmem:v1+s29+$0x0] =	vst.idx.add.f32.msk $0xffff, v4  }
0x182: {  	v2 =	vld.idx.msk [tilespmem:v2+s16+$0x0], $0xffff;
	_ =	sdelay $0x2  }
0x183: {  	s4 =	smul.u32 $0x4E20, s1  }
0x184: {  	p1 =	seq.s32 s1, $0xF  }
0x185: {  	s17 =	sshrl.u32 @!p1 s4, $0x3;
	v2 =	vmul.f32 v2, v3  }
0x186: {  	s4 =	sadd.s32 @!p1 $0x9C4, s17  }
0x187: {  	s11 =	simm.s32 @!p1 $0x0;
	s18 =	simm.s32 @!p1 $0x11480;
	s10 =	sadd.s32 @!p1 s3, s4;
	[tilespmem:v1+s30+$0x0] =	vst.idx.add.f32.msk $0xffff, v2  }
0x188: {  	[tilespmem:s18], [sflag:$0x1] =	stream.linear.gather @!p1 [hbm4b:s10+s11], $0x2710, $0x38;
	[tilespmem:$0x1B280] =	vst v63  }
0x189: {  	s4 =	sadd.s32 @!p1 s5, s4;
	s10 =	simm.s32 @!p1 $0x16380  }
0x18a: {  	[tilespmem:s10], [sflag:$0x3] =	stream.linear.gather @!p1 [hbm4b:s4+s11], $0x2710, $0x38;
	[tilespmem:$0x1B280] =	vst v63  }
0x18b: {  	_ =	swait.ge [sflag:s23], $0x2710  }
0x18c: {  	[sflag:s23] =	ssyncset.done $0x0  }
0x18d: {  	[sflag:s23] =	ssyncadd.s32 $0xFFFFD8F0  }
0x18e: {  	_ =	swait.ge [sflag:s28], $0x2710  }
0x18f: {  	[sflag:s28] =	ssyncset.done $0x0  }
0x190: {  	s10 =	simm.s32 $0x13C10;
	[sflag:s28] =	ssyncadd.s32 $0xFFFFD8F0  }
0x191: {  	v1 =	vld [tilespmem:s10+$0x0];
	_ =	sdelay $0x4  }
0x192: {  	v2 =	vand.u32 $0x3FFF, v1;
	_ =	sdelay $0x1  }
0x193: {  	s11 =	simm.s32 $0x13C30;
	v4 =	vld [tilespmem:s10+$0xFFFFFFF0]  }
0x194: {  	s18 =	simm.s32 $0x18B10;
	v5 =	vld [tilespmem:s11+$0x0]  }
0x195: {  	v6 =	vld [tilespmem:s18+$0x0]  }
0x196: {  	v3 =	vld.idx.msk [tilespmem:v2+s2+$0x0], $0xffff;
	_ =	sdelay $0x1  }
0x197: {  	v9 =	vshrl.u32 v1, $0xE  }
0x198: {  	v10 =	vld [tilespmem:s11+$0xFFFFFFF0]  }
0x199: {  	s11 =	simm.s32 $0x18B30;
	v8 =	vand.u32 $0x3FFF, v4  }
0x19a: {  	v7 =	vld [tilespmem:s11+$0x0];
	v12 =	vand.u32 $0x3FFF, v5;
	v3 =	vmul.f32 v3, v6  }
0x19b: {  	v1 =	vld [tilespmem:s18+$0xFFFFFFF0]  }
0x19c: {  	[tilespmem:v9+s29+$0x0] =	vst.idx.add.f32.msk $0xffff, v3  }
0x19d: {  	v3 =	vand.u32 $0x3FFF, v10;
	v14 =	vld.idx.msk [tilespmem:v2+s16+$0x0], $0xffff  }
0x19e: {  	v13 =	vld.idx.msk [tilespmem:v8+s2+$0x0], $0xffff  }
0x19f: {  	s18 =	simm.s32 $0x13C50;
	v15 =	vld.idx.msk [tilespmem:v12+s2+$0x0], $0xffff  }
0x1a0: {  	v11 =	vld [tilespmem:s18+$0x0];
	v2 =	vshrl.u32 v4, $0xE  }
0x1a1: {  	v17 =	vld [tilespmem:s18+$0xFFFFFFF0];
	v4 =	vshrl.u32 v5, $0xE  }
0x1a2: {  	v5 =	vmul.f32 v14, v6;
	v14 =	vld.idx.msk [tilespmem:v3+s2+$0x0], $0xffff  }
0x1a3: {  	v13 =	vmul.f32 v13, v1;
	v6 =	vld [tilespmem:s11+$0xFFFFFFF0]  }
0x1a4: {  	[tilespmem:v9+s30+$0x0] =	vst.idx.add.f32.msk $0xffff, v5;
	v5 =	vmul.f32 v15, v7  }
0x1a5: {  	[tilespmem:v2+s29+$0x0] =	vst.idx.add.f32.msk $0xffff, v13;
	v9 =	vand.u32 $0x3FFF, v11  }
0x1a6: {  	[tilespmem:v4+s29+$0x0] =	vst.idx.add.f32.msk $0xffff, v5  }
0x1a7: {  	v12 =	vld.idx.msk [tilespmem:v12+s16+$0x0], $0xffff  }
0x1a8: {  	s4 =	simm.s32 $0x18B50;
	v13 =	vld.idx.msk [tilespmem:v8+s16+$0x0], $0xffff;
	v5 =	vshrl.u32 v10, $0xE;
	v10 =	vand.u32 $0x3FFF, v17  }
0x1a9: {  	v15 =	vld [tilespmem:s4+$0x0]  }
0x1aa: {  	s1 =	sadd.s32 $0x1, s1;
	s10 =	simm.s32 $0x13C70;
	s18 =	simm.s32 $0x4;
	v8 =	vshrl.u32 v17, $0xE;
	v14 =	vmul.f32 v14, v6;
	v16 =	vld.idx.msk [tilespmem:v9+s2+$0x0], $0xffff  }
.LBB2_24:
0x1ab: {  	v17 =	vld [tilespmem:s10+$0x0];
	s18 =	sadd.s32 $0x2, s18  }
0x1ac: {  	v19 =	vshrl.u32 v11, $0xE;
	v11 =	vmul.f32 v12, v7;
	v18 =	vld [tilespmem:s10+$0xFFFFFFF0];
	p2 =	slt.u32 s18, $0x26E  }
0x1ad: {  	v21 =	vmul.f32 v13, v1;
	v1 =	vmov v6;
	v20 =	vld.idx.msk [tilespmem:v10+s2+$0x0], $0xffff  }
0x1ae: {  	[tilespmem:v4+s30+$0x0] =	vst.idx.add.f32.msk $0xffff, v11;
	v4 =	vmov v19  }
0x1af: {  	v6 =	vld [tilespmem:s4+$0xFFFFFFF0];
	v12 =	vmul.f32 v16, v15;
	v7 =	vmov v15  }
0x1b0: {  	v15 =	vand.u32 $0x3FFF, v17;
	[tilespmem:v5+s29+$0x0] =	vst.idx.add.f32.msk $0xffff, v14;
	v11 =	vmov v17  }
0x1b1: {  	v16 =	vshrl.u32 v18, $0xE;
	v14 =	vand.u32 $0x3FFF, v18;
	[tilespmem:v19+s29+$0x0] =	vst.idx.add.f32.msk $0xffff, v12  }
.Ltmp10:
0x1b2: {  	v12 =	vld.idx.msk [tilespmem:v9+s16+$0x0], $0xffff;
	v9 =	vmov v15;
	(pc) =	sbr.rel @p2 .LBB2_24-.Ltmp10, $4  }
0x1b3: {  	v13 =	vld.idx.msk [tilespmem:v3+s16+$0x0], $0xffff;
	v3 =	vmov v10;
	v10 =	vmov v14  }
0x1b4: {  	v14 =	vmul.f32 v20, v6;
	[tilespmem:v2+s30+$0x0] =	vst.idx.add.f32.msk $0xffff, v21;
	v2 =	vmovc v5;
	v5 =	vmov v8;
	v8 =	vmov v16  }
0x1b5: {  	s4 =	sadd.s32 $0x20, s4;
	v16 =	vld.idx.msk [tilespmem:v15+s2+$0x0], $0xffff  }
0x1b6: {  	s10 =	sadd.s32 $0x20, s10;
	v15 =	vld [tilespmem:s4+$0x0]  }
0x1b7: {  	_ =	sdelay $0x3  }
0x1b8: {  	v17 =	vld.idx.msk [tilespmem:v10+s2+$0x0], $0xffff  }
0x1b9: {  	v11 =	vshrl.u32 v11, $0xE;
	v18 =	vld [tilespmem:s4+$0xFFFFFFF0];
	_ =	sdelay $0x2  }
0x1ba: {  	[tilespmem:v5+s29+$0x0] =	vst.idx.add.f32.msk $0xffff, v14;
	v16 =	vmul.f32 v16, v15  }
0x1bb: {  	v3 =	vld.idx.msk [tilespmem:v3+s16+$0x0], $0xffff  }
0x1bc: {  	v61 =	vmul.f32 v17, v18;
	[tilespmem:v11+s29+$0x0] =	vst.idx.add.f32.msk $0xffff, v16  }
0x1bd: {  	v9 =	vld.idx.msk [tilespmem:v9+s16+$0x0], $0xffff  }
0x1be: {  	[tilespmem:v8+s29+$0x0] =	vst.idx.add.f32.msk $0xffff, v61  }
0x1bf: {  	v62 =	vld.idx.msk [tilespmem:v10+s16+$0x0], $0xffff  }
0x1c0: {  	v1 =	vmul.f32 v13, v1  }
0x1c1: {  	v7 =	vmul.f32 v12, v7  }
0x1c2: {  	[tilespmem:v2+s30+$0x0] =	vst.idx.add.f32.msk $0xffff, v1;
	v1 =	vmul.f32 v3, v6  }
0x1c3: {  	[tilespmem:v4+s30+$0x0] =	vst.idx.add.f32.msk $0xffff, v7;
	v63 =	vmul.f32 v9, v15  }
0x1c4: {  	[tilespmem:v5+s30+$0x0] =	vst.idx.add.f32.msk $0xffff, v1;
	v2 =	vmul.f32 v62, v18  }
0x1c5: {  	[tilespmem:v11+s30+$0x0] =	vst.idx.add.f32.msk $0xffff, v63  }
0x1c6: {  	[tilespmem:v8+s30+$0x0] =	vst.idx.add.f32.msk $0xffff, v2  }
0x1c7: {  	v1 =	vld [tilespmem:$0x16300];
	_ =	sdelay $0x4  }
0x1c8: {  	v2 =	vand.u32 $0x3FFF, v1;
	_ =	sdelay $0x3  }
0x1c9: {  	v3 =	vld [tilespmem:$0x1B200]  }
0x1ca: {  	v4 =	vld.idx.msk [tilespmem:v2+s2+$0x0], $0xffff;
	_ =	sdelay $0x1  }
0x1cb: {  	v1 =	vshrl.u32 v1, $0xE;
	_ =	sdelay $0x2  }
0x1cc: {  	v4 =	vmul.f32 v4, v3;
	_ =	sdelay $0x1  }
0x1cd: {  	[tilespmem:v1+s29+$0x0] =	vst.idx.add.f32.msk $0xffff, v4  }
0x1ce: {  	v2 =	vld.idx.msk [tilespmem:v2+s16+$0x0], $0xffff;
	_ =	sdelay $0x4  }
0x1cf: {  	v2 =	vmul.f32 v2, v3  }
0x1d0: {  	s4 =	sadd.s32 @!p1 $0xEA6, s17  }
0x1d1: {  	s11 =	simm.s32 @!p1 $0x0;
	s17 =	simm.s32 @!p1 $0x13C00;
	s10 =	sadd.s32 @!p1 s3, s4;
	[tilespmem:v1+s30+$0x0] =	vst.idx.add.f32.msk $0xffff, v2  }
0x1d2: {  	[tilespmem:s17], [sflag:$0x2] =	stream.linear.gather @!p1 [hbm4b:s10+s11], $0x2710, $0x38;
	[tilespmem:$0x1B280] =	vst v63  }
0x1d3: {  	p2 =	sne.s32 @!p1 s1, $0x10;
	s4 =	sadd.s32 @!p1 s5, s4;
	s10 =	simm.s32 @!p1 $0x18B00  }
0x1d4: {  	[tilespmem:s10], [sflag:$0x4] =	stream.linear.gather @!p1 [hbm4b:s4+s11], $0x2710, $0x38;
	[tilespmem:$0x1B280] =	vst v63  }
0x1d5: {  	p1 =	por p1, !p2  }
.Ltmp11:
0x1d6: {  	_ = 	snop;
	(pc) =	sbr.rel @!p1 .LBB2_21-.Ltmp11, $1  }
0x1d7: {  	_ =	sdelay $0x3  }
0x1d8: {  	s4 =	simm.s32 $0x0  }
0x1d9: {  	v1 =	vld [tilespmem:s4+$0xC580]  }
0x1da: {  	v2 =	vld [tilespmem:s4+$0x7680]  }
0x1db: {  	v3 =	vld [tilespmem:s4+$0x9E00]  }
0x1dc: {  	v4 =	vld [tilespmem:s4+$0x4F00];
	_ =	sdelay $0x1  }
0x1dd: {  	s1 =	simm.s32 $0x10  }
0x1de: {  	v5 =	vmul.f32 $8.999999760e-01, v1;
	v6 =	vmul.f32 $1.000000010e-01, v2;
	v1 =	vld [tilespmem:s1+$0xC580]  }
0x1df: {  	v2 =	vld [tilespmem:s1+$0x7680]  }
0x1e0: {  	v7 =	vmul.f32 $8.999999760e-01, v3;
	v8 =	vmul.f32 $1.000000010e-01, v4;
	v3 =	vld [tilespmem:s1+$0x9E00];
	v6 =	vadd.f32 v6, v5  }
0x1e1: {  	v4 =	vld [tilespmem:s1+$0x4F00]  }
0x1e2: {  	s10 =	simm.s32 $0x80;
	v5 =	vadd.f32 v8, v7;
	[tilespmem:s4+$0x2780] =	vst v6  }
.LBB2_27:
0x1e3: {  	s11 =	sshra.s32 s10, $0x2;
	p1 =	sne.s32 s10, $0x9C00  }
.Ltmp12:
0x1e4: {  	s10 =	sadd.s32 $0x40, s10;
	v6 =	vmul.f32 $8.999999760e-01, v1;
	v1 =	vld [tilespmem:s11+$0xC580];
	v7 =	vmul.f32 $1.000000010e-01, v2;
	[tilespmem:s4+$0x0] =	vst v5;
	(pc) =	sbr.rel @p1 .LBB2_27-.Ltmp12, $4  }
0x1e5: {  	s4 =	smov.u32 s1;
	s1 =	smov.u32 s11;
	v2 =	vld [tilespmem:s11+$0x7680];
	v5 =	vmul.f32 $8.999999760e-01, v3  }
0x1e6: {  	v3 =	vld [tilespmem:s1+$0x9E00];
	v8 =	vmul.f32 $1.000000010e-01, v4;
	v6 =	vadd.f32 v7, v6  }
0x1e7: {  	v4 =	vld [tilespmem:s1+$0x4F00]  }
0x1e8: {  	v5 =	vadd.f32 v8, v5;
	[tilespmem:s4+$0x2780] =	vst v6  }
0x1e9: {  	_ = 	snop  }
0x1ea: {  	s0 =	sadd.s32 $0x1, s0  }
0x1eb: {  	v1 =	vmul.f32 $8.999999760e-01, v1;
	v2 =	vmul.f32 $1.000000010e-01, v2;
	p1 =	sne.s32 s0, $0xA  }
.Ltmp13:
0x1ec: {  	v3 =	vmul.f32 $8.999999760e-01, v3;
	v4 =	vmul.f32 $1.000000010e-01, v4;
	(pc) =	sbr.rel @p1 .LBB2_18-.Ltmp13, $4  }
0x1ed: {  	v1 =	vadd.f32 v2, v1  }
0x1ee: {  	[tilespmem:s4+$0x0] =	vst v5;
	v2 =	vadd.f32 v4, v3  }
0x1ef: {  	[tilespmem:s1+$0x2780] =	vst v1  }
0x1f0: {  	[tilespmem:s1+$0x0] =	vst v2  }
0x1f1: {  	s0 =	rddreg [dreg:$0x4]  }
0x1f2: {  	[hbm4b:s0+s13] =	stream.strided.scatter [tilespmem:s2], [sflag:$0x5], $0x2780, s14, s13, $0x38;
	[tilespmem:$0x1B280] =	vst v63  }
0x1f3: {  	s31 =	sadd.s32 $0x1, s31;
	_ =	swait.ge [sflag:s15], $0x2780  }
0x1f4: {  	p1 =	sne.s32 s31, s12;
	[sflag:s15] =	ssyncset.done $0x0  }
.Ltmp14:
0x1f5: {  	s18 =	rddreg [dreg:$0x5];
	[sflag:s15] =	ssyncadd.s32 $0xFFFFD880;
	(pc) =	sbr.rel @p1 .LBB2_1-.Ltmp14, $4  }
0x1f6: {  	[hbm4b:s18+s13] =	stream.strided.scatter [tilespmem:s16], [sflag:$0x5], $0x2780, s14, s13, $0x38;
	[tilespmem:$0x1B280] =	vst v63  }
0x1f7: {  	_ =	swait.ge [sflag:s15], $0x2780  }
0x1f8: {  	[sflag:s15] =	ssyncset.done $0x0  }
0x1f9: {  	[sflag:s15] =	ssyncadd.s32 $0xFFFFD880  }
0x1fa: {  	_ =	sfence.sel $0x180000  }
0x1fb: {  	[bflag:$0x0] =	sbarrier.arrive $0xFFFF  }
0x1fc: {  	_ =	strace $0x90000047  }
0x1fd: {  	s0 =	stileid.u32;
	[bflag:$0x2] =	sbarrier.arrive $0xFFFF  }
0x1fe: {  	p0 =	sne.s32 s0, $0x0;
	s0 =	rddreg [dreg:$0x2]  }
0x1ff: {  	s0 =	sadd.s32 @!p0 $0x100000, s0  }
0x200: {  	[sflag:s0] =	ssyncadd.tile.s32 @!p0 $0x1;
	_ =	shalt  }
.Lfunc_end2:
_tile_overlayer_lowered:
.L_overlay_start_2:
0x201: {  	(tag) =	ssettag $0x2  }
0x202: {  	s0 =	rddreg [dreg:$0x0];
	s2 =	stileid.u32  }
0x203: {  	s1 =	rddreg [dreg:$0x1];
	p0 =	sne.s32 s2, $0x0  }
0x204: {  	s3 =	rddreg [dreg:$0x2];
	[bflag:$0x3] =	sbarrier.arrive $0xFFFF;
	s2 =	simm.s32 @!p0 $0x1C05  }
0x205: {  	[timem:s3], [sflag:s2] =	dma.local @!p0 [hbm:s0], s1  }
0x206: {  	s0 =	simm.s32 @!p0 $0x5  }
0x207: {  	_ =	swait.ge @!p0 [sflag:s0], s1  }
0x208: {  	s1 =	ssub.s32 @!p0 $0x0, s1;
	[sflag:s0] =	ssyncset.done @!p0 $0x0  }
0x209: {  	[sflag:s0] =	ssyncadd.s32 @!p0 s1  }
0x20a: {  	[bflag:$0x3] =	sbarrier.arrive $0xFFFF  }
0x20b: {  	_ =	shalt  }

</sc_bundles>
